<compile_context>
chip_gen: v7x
topology: tpu7x:2x2x1
jax: 0.10.2.dev20260603
libtpu: 0.0.44.dev20260713+nightly
codegen_flags: <defaults>
</compile_context>

<pallas_src>
import functools

import jax
import jax.numpy as jnp
from jax import lax
from jax.experimental import pallas as pl
from jax.experimental.pallas import tpu as pltpu
from jax.experimental.pallas import tpu_sc as plsc

_NQ = 10000
_NP = 10000
_E = 160000
_D = 256
_H = 8
_DH = 32
_LE = 64
_CUT = 10.0

_NW = 32
_CH = 128
_EP = 163840
_EW = _EP // _NW
_NCH = _EW // _CH
_PR = 2
_PROWS = _NQ // _PR
_PSR = 5120
_WR = 125

def _mesh():
    return plsc.VectorSubcoreMesh(core_axis_name="c", subcore_axis_name="s")



def _node_mm_body(x_ref, w_ref, b_ref, px_ref, o_ref):
    o_ref[:, 0:_D] = (
        jnp.dot(x_ref[...], w_ref[...], preferred_element_type=jnp.float32)
        + b_ref[...]
    )
    o_ref[:, _D:_D + 16] = px_ref[...]


def _node_transform(node_f, W_src, b_src, nxp):
    blk = 2000
    return pl.pallas_call(
        _node_mm_body,
        grid=(_NP // blk,),
        in_specs=[
            pl.BlockSpec((blk, _D), lambda i: (i, 0)),
            pl.BlockSpec((_D, _D), lambda i: (0, 0)),
            pl.BlockSpec((_D,), lambda i: (0,)),
            pl.BlockSpec((blk, 16), lambda i: (i, 0)),
        ],
        out_specs=pl.BlockSpec((blk, _D + 16), lambda i: (i, 0)),
        out_shape=jax.ShapeDtypeStruct((_NP, _D + 16), jnp.float32),
    )(node_f, W_src, b_src, nxp)



def _gather(comb, qxp, esrc, edst):
    @functools.partial(
        pl.kernel,
        mesh=_mesh(),
        out_type=[
            jax.ShapeDtypeStruct((_EP, _D + 16), jnp.float32),
            jax.ShapeDtypeStruct((_EP, 16), jnp.float32),
        ],
        scratch_types=[
            pltpu.VMEM((2, _CH), jnp.int32),
            pltpu.VMEM((2, _CH), jnp.int32),
            pltpu.VMEM((2, _CH, _D + 16), jnp.float32),
            pltpu.VMEM((2, _CH, 16), jnp.float32),
            pltpu.SemaphoreType.DMA,
            pltpu.SemaphoreType.DMA,
            pltpu.SemaphoreType.DMA,
            pltpu.SemaphoreType.DMA,
        ],
        compiler_params=pltpu.CompilerParams(use_tc_tiling_on_sc=False, needs_layout_passes=False),
    )
    def k(comb_hbm, qxp_hbm, esrc_hbm, edst_hbm,
          ge_hbm, qxg_hbm, si, di, gb, qb, g0, g1, w0, w1):
        wid = lax.axis_index("s") * 2 + lax.axis_index("c")
        gsem = (g0, g1)
        wsem = (w0, w1)

        def body(i, carry):
            for b in range(2):
                j = i * 2 + b
                base = wid * _EW + j * _CH

                @pl.when(i > 0)
                def _():
                    pb = wid * _EW + (j - 2) * _CH
                    pltpu.make_async_copy(
                        gb.at[b], ge_hbm.at[pl.ds(pb, _CH)], wsem[b]).wait()
                    pltpu.make_async_copy(
                        qb.at[b], qxg_hbm.at[pl.ds(pb, _CH)], wsem[b]).wait()

                pltpu.sync_copy(esrc_hbm.at[pl.ds(base, _CH)], si.at[b])
                pltpu.sync_copy(edst_hbm.at[pl.ds(base, _CH)], di.at[b])
                pltpu.async_copy(comb_hbm.at[si.at[b]], gb.at[b], gsem[b])
                pltpu.async_copy(qxp_hbm.at[di.at[b]], qb.at[b], gsem[b])

            for b in range(2):
                j = i * 2 + b
                base = wid * _EW + j * _CH
                pltpu.make_async_copy(
                    comb_hbm.at[si.at[b]], gb.at[b], gsem[b]).wait()
                pltpu.make_async_copy(
                    qxp_hbm.at[di.at[b]], qb.at[b], gsem[b]).wait()
                pltpu.async_copy(gb.at[b], ge_hbm.at[pl.ds(base, _CH)],
                                 wsem[b])
                pltpu.async_copy(qb.at[b], qxg_hbm.at[pl.ds(base, _CH)],
                                 wsem[b])
            return carry

        nit = _NCH // 2
        lax.fori_loop(0, nit, body, 0)
        for b in range(2):
            last = wid * _EW + ((nit - 1) * 2 + b) * _CH
            pltpu.make_async_copy(
                gb.at[b], ge_hbm.at[pl.ds(last, _CH)], wsem[b]).wait()
            pltpu.make_async_copy(
                qb.at[b], qxg_hbm.at[pl.ds(last, _CH)], wsem[b]).wait()

    return k(comb, qxp, esrc, edst)



def _edge_body(gp_ref, qx_ref, w1_ref, b1_ref, w2_ref, b2_ref,
               wg_ref, wsh_ref, aaf_ref, lf_ref, sel_ref, selt_ref,
               tm_ref):
    gp = gp_ref[...]
    ge = gp[:, 0:_D]
    px = gp[:, _D:_D + 16]
    qx = qx_ref[...]
    vec = px - qx
    length = jnp.sqrt(jnp.sum(vec * vec, axis=1, keepdims=True))
    inv = 1.0 / (length + 1e-9)
    x = vec[:, 0:1] * inv
    y = vec[:, 1:2] * inv
    z = vec[:, 2:3] * inv

    s3 = 3.0 ** 0.5
    s5 = 5.0 ** 0.5
    s15 = 15.0 ** 0.5
    one = jnp.ones_like(x)
    shvec = jnp.concatenate(
        [one, s3 * x, s3 * y, s3 * z,
         s15 * x * y, s15 * y * z,
         (s5 / 2.0) * (3.0 * z * z - 1.0),
         s15 * x * z, (s15 / 2.0) * (x * x - y * y),
         jnp.zeros((x.shape[0], 7), x.dtype)], axis=1)
    shW = jnp.dot(shvec, wsh_ref[...], preferred_element_type=jnp.float32)

    ang = length * lf_ref[...]
    hp = jnp.pi / 2.0
    clipped = jnp.clip(length * (1.0 / _CUT), 0.0, 1.0)
    sing = jnp.concatenate(
        [ang, ang + hp, jnp.pi * clipped + hp], axis=1)
    sv = jnp.sin(sing)
    lemb = sv[:, 0:_LE]
    env = 0.5 * (sv[:, _LE:_LE + 1] + 1.0)

    h = jnp.dot(lemb, w1_ref[...], preferred_element_type=jnp.float32) + b1_ref[...]
    h = h / (1.0 + jnp.exp(-h))
    es = jnp.dot(h, w2_ref[...], preferred_element_type=jnp.float32) + b2_ref[...]
    es = es / (1.0 + jnp.exp(-es))
    u = jnp.dot(es, wg_ref[...], preferred_element_type=jnp.float32)
    gate = 1.0 / (1.0 + jnp.exp(-u))

    m = ge * gate + shW
    la = jnp.maximum(m, 0.2 * m) * aaf_ref[...]
    alpha = jnp.dot(la, sel_ref[...], preferred_element_type=jnp.float32)
    ex = jnp.exp(alpha) * env
    exw = jnp.dot(ex, selt_ref[...], preferred_element_type=jnp.float32)
    t = m * exw
    z8 = jnp.zeros_like(ex)
    tm_ref[...] = jnp.concatenate(
        [t[:, 0:128], ex, z8, t[:, 128:256], z8, z8], axis=1)


def _edge_compute(geP, qxg, W1, b1, W2, b2, W_gate, W_sh, aaf, lf, sel, selt):
    blk = 2048
    return pl.pallas_call(
        _edge_body,
        grid=(_EP // blk,),
        in_specs=[
            pl.BlockSpec((blk, _D + 16), lambda i: (i, 0)),
            pl.BlockSpec((blk, 16), lambda i: (i, 0)),
            pl.BlockSpec((_LE, _LE), lambda i: (0, 0)),
            pl.BlockSpec((_LE,), lambda i: (0,)),
            pl.BlockSpec((_LE, _LE), lambda i: (0, 0)),
            pl.BlockSpec((_LE,), lambda i: (0,)),
            pl.BlockSpec((_LE, _D), lambda i: (0, 0)),
            pl.BlockSpec((16, _D), lambda i: (0, 0)),
            pl.BlockSpec((1, _D), lambda i: (0, 0)),
            pl.BlockSpec((1, _LE // 2), lambda i: (0, 0)),
            pl.BlockSpec((_D, _H), lambda i: (0, 0)),
            pl.BlockSpec((_H, _D), lambda i: (0, 0)),
        ],
        out_specs=pl.BlockSpec((blk, 288), lambda i: (i, 0)),
        out_shape=jax.ShapeDtypeStruct((_EP, 288), jnp.float32),
    )(geP, qxg, W1, b1, W2, b2, W_gate, W_sh, aaf, lf, sel, selt)



def _scatter(tm, edst, z144):
    @functools.partial(
        pl.kernel,
        mesh=_mesh(),
        out_type=[
            jax.ShapeDtypeStruct((_NQ, _D), jnp.float32),
            jax.ShapeDtypeStruct((_NQ, 16), jnp.float32),
        ],
        scratch_types=[
            pltpu.VMEM((_CH,), jnp.int32),
            pltpu.VMEM((_CH, 144), jnp.float32),
            pltpu.VMEM((64, 144), jnp.float32),
            pltpu.VMEM((_WR, 128), jnp.float32),
            pltpu.VMEM((_WR, 16), jnp.float32),
            pltpu.VMEM_SHARED((_PSR, 144), jnp.float32),
            pltpu.SemaphoreType.DMA,
        ],
        compiler_params=pltpu.CompilerParams(use_tc_tiling_on_sc=False, needs_layout_passes=False),
    )
    def k(tm_hbm, ed_hbm, z_hbm, s_hbm, den_hbm,
          idx, tb, zb, ob, dob, Ssh, sem):
        c = lax.axis_index("c")
        s = lax.axis_index("s")
        col = c * 144
        ocol = c * 128
        nch = _EP // 16 // _CH
        pltpu.sync_copy(z_hbm, zb)

        for p in range(_PR):
            lo = p * _PROWS
            for r in range(_PSR // 16 // 64):
                pltpu.sync_copy(
                    zb, Ssh.at[pl.ds(s * (_PSR // 16) + r * 64, 64)])
            plsc.subcore_barrier()

            def body(j, carry):
                base = s * (_EP // 16) + j * _CH
                pltpu.sync_copy(ed_hbm.at[pl.ds(base, _CH)], idx)
                cmin = jnp.min(idx[pl.ds(0, 16)])
                cmax = jnp.max(idx[pl.ds(_CH - 16, 16)])
                overlap = jnp.logical_and(cmax >= lo, cmin < lo + _PROWS)

                @pl.when(overlap)
                def _():
                    for grp in range(_CH // 16):
                        v = idx[pl.ds(grp * 16, 16)] - lo
                        inb = jnp.logical_and(v >= 0, v < _PROWS)
                        idx[pl.ds(grp * 16, 16)] = jnp.where(inb, v, _PROWS)

                    pltpu.sync_copy(
                        tm_hbm.at[pl.ds(base, _CH), pl.ds(col, 144)], tb)
                    pltpu.sync_copy(tb, Ssh.at[idx], add=True)

                return carry

            lax.fori_loop(0, nch, body, 0)
            plsc.subcore_barrier()

            for r in range(3):
                cid = r * 16 + s

                @pl.when(cid < _PROWS // _WR)
                def _():
                    rbase = cid * _WR
                    pltpu.sync_copy(
                        Ssh.at[pl.ds(rbase, _WR), pl.ds(0, 128)], ob)
                    pltpu.sync_copy(
                        ob, s_hbm.at[pl.ds(lo + rbase, _WR),
                                     pl.ds(ocol, 128)])

                    @pl.when(c == 0)
                    def _():
                        pltpu.sync_copy(
                            Ssh.at[pl.ds(rbase, _WR), pl.ds(128, 16)], dob)
                        pltpu.sync_copy(
                            dob, den_hbm.at[pl.ds(lo + rbase, _WR)])
            plsc.subcore_barrier()

    return k(tm, edst, z144)



def _out_body(s_ref, den_ref, sel16_ref, wo_ref, o_ref):
    denrep = jnp.dot(den_ref[...], sel16_ref[...],
                     preferred_element_type=jnp.float32)
    R = s_ref[...] / (denrep + 1e-9)
    o_ref[...] = jnp.dot(R, wo_ref[...], preferred_element_type=jnp.float32)


def _finalize(S, den, sel16, W_out):
    blk = 2000
    return pl.pallas_call(
        _out_body,
        grid=(_NQ // blk,),
        in_specs=[
            pl.BlockSpec((blk, _D), lambda i: (i, 0)),
            pl.BlockSpec((blk, 16), lambda i: (i, 0)),
            pl.BlockSpec((16, _D), lambda i: (0, 0)),
            pl.BlockSpec((_D, _D), lambda i: (0, 0)),
        ],
        out_specs=pl.BlockSpec((blk, _D), lambda i: (i, 0)),
        out_shape=jax.ShapeDtypeStruct((_NQ, _D), jnp.float32),
    )(S, den, sel16, W_out)



def kernel(query_x, node_x, node_f, W1, b1, W2, b2, W_src, b_src, W_sh,
           W_gate, a_attn, W_out, edge_src, edge_dst):
    f32 = jnp.float32
    nxp = jnp.pad(node_x, ((0, 0), (0, 13)))
    qxp = jnp.pad(query_x, ((0, 0), (0, 13)))
    pad = _EP - _E
    esrc = jnp.concatenate([edge_src, jnp.zeros((pad,), jnp.int32)])
    edst = jnp.concatenate([edge_dst, jnp.full((pad,), _NQ, jnp.int32)])

    half = _LE // 2
    lf = jnp.exp(-jnp.log(10000.0) * jnp.arange(half, dtype=f32) / half)[None, :]
    sel = jnp.repeat(jnp.eye(_H, dtype=f32), _DH, axis=0)
    selt = sel.T
    sel16 = jnp.concatenate([selt, jnp.zeros((8, _D), f32)], axis=0)
    aaf = a_attn.reshape(1, _D)
    wsh16 = jnp.pad(W_sh, ((0, 7), (0, 0)))
    z144 = jnp.zeros((64, 144), f32)

    comb = _node_transform(node_f, W_src, b_src, nxp)
    geP, qxg = _gather(comb, qxp, esrc, edst)
    tm = _edge_compute(geP, qxg, W1, b1, W2, b2, W_gate, wsh16,
                       aaf, lf, sel, selt)
    S, den = _scatter(tm, edst, z144)
    return _finalize(S, den, sel16, W_out)

# --- scband reference (transcript-rebuilt; emitter-appended) ---
"""Pipeline reference for scband-tensor-field-85255100825623 (READ-ONLY COPY).

The authoritative reference and input builder live on the scoring server;
editing this copy changes nothing except your own understanding.
"""

import jax, jax.numpy as jnp
import numpy as np

NQ = 10000
NP = 10000
E = 160000
D_FEAT = 256
L_EMB = 64
H = 8
DH = D_FEAT // H
SH_DIM = 9
CUTOFF = 10.0


def _spherical_harmonics(unit):
    x, y, z = unit[:, 0], unit[:, 1], unit[:, 2]
    s3 = np.sqrt(3.0)
    s5 = np.sqrt(5.0)
    s15 = np.sqrt(15.0)
    return jnp.stack([
        jnp.ones_like(x),
        s3 * x, s3 * y, s3 * z,
        s15 * x * y, s15 * y * z,
        (s5 / 2.0) * (3.0 * z * z - 1.0),
        s15 * x * z, (s15 / 2.0) * (x * x - y * y),
    ], axis=1)


def _length_embedding(length):
    half = L_EMB // 2
    freqs = jnp.exp(-jnp.log(10000.0) * jnp.arange(half, dtype=jnp.float32) / half)
    ang = length[:, None] * freqs[None, :]
    return jnp.concatenate([jnp.sin(ang), jnp.cos(ang)], axis=1)


def setup_inputs(seed: int = 0) -> dict:
    key = jax.random.key(seed)
    ks = jax.random.split(key, 14)
    query_x = jax.random.normal(ks[0], (NQ, 3), jnp.float32) * 3.0
    node_x = jax.random.normal(ks[1], (NP, 3), jnp.float32) * 3.0
    node_f = jax.random.normal(ks[2], (NP, D_FEAT), jnp.float32)
    edge_src = jax.random.randint(ks[3], (E,), 0, NP, dtype=jnp.int32)
    edge_dst = jnp.sort(jax.random.randint(ks[4], (E,), 0, NQ, dtype=jnp.int32))
    W1 = jax.random.normal(ks[5], (L_EMB, L_EMB), jnp.float32) * 0.1
    b1 = jnp.zeros((L_EMB,), jnp.float32)
    W2 = jax.random.normal(ks[6], (L_EMB, L_EMB), jnp.float32) * 0.1
    b2 = jnp.zeros((L_EMB,), jnp.float32)
    W_src = jax.random.normal(ks[7], (D_FEAT, D_FEAT), jnp.float32) * 0.05
    b_src = jnp.zeros((D_FEAT,), jnp.float32)
    W_sh = jax.random.normal(ks[8], (SH_DIM, D_FEAT), jnp.float32) * 0.1
    W_gate = jax.random.normal(ks[9], (L_EMB, D_FEAT), jnp.float32) * 0.1
    a_attn = jax.random.normal(ks[10], (H, DH), jnp.float32) * 0.1
    W_out = jax.random.normal(ks[11], (D_FEAT, D_FEAT), jnp.float32) * 0.05
    return {"query_x": query_x, "node_x": node_x, "node_f": node_f,
            "W1": W1, "b1": b1, "W2": W2, "b2": b2,
            "W_src": W_src, "b_src": b_src, "W_sh": W_sh,
            "W_gate": W_gate, "a_attn": a_attn, "W_out": W_out,
            "edge_src": edge_src, "edge_dst": edge_dst}


def reference(query_x, node_x, node_f, W1, b1, W2, b2, W_src, b_src, W_sh, W_gate, a_attn, W_out, edge_src, edge_dst):
    # edge vectors: src node coord minus query (dst) coord
    vec = node_x[edge_src] - query_x[edge_dst]
    length = jnp.linalg.norm(vec, axis=1)
    unit = vec / (length[:, None] + 1e-9)
    sh = _spherical_harmonics(unit)
    # radial: sinusoidal length encoding -> MLP (fc_neurons)
    lemb = _length_embedding(length)
    h = jax.nn.silu(lemb @ W1 + b1)
    edge_scalar = jax.nn.silu(h @ W2 + b2)
    # smooth cosine cutoff envelope
    env = 0.5 * (jnp.cos(jnp.pi * jnp.clip(length / CUTOFF, 0.0, 1.0)) + 1.0)
    # messages: gathered src features, gated by radial scalars, plus SH edge attr embedding
    f_src = node_f[edge_src]
    m = f_src @ W_src + b_src
    m = m * jax.nn.sigmoid(edge_scalar @ W_gate)
    m = m + sh @ W_sh
    mh = m.reshape(E, H, DH)
    # mlp-style attention logits per head
    alpha = (jax.nn.leaky_relu(mh, 0.2) * a_attn[None]).sum(-1)
    amax = jax.ops.segment_max(alpha, edge_dst, num_segments=NQ)
    amax = jnp.where(jnp.isfinite(amax), amax, 0.0)
    ex = jnp.exp(alpha - amax[edge_dst]) * env[:, None]
    den = jax.ops.segment_sum(ex, edge_dst, num_segments=NQ)
    w = ex / (den[edge_dst] + 1e-9)
    out = jax.ops.segment_sum(mh * w[:, :, None], edge_dst, num_segments=NQ)
    out = out.reshape(NQ, D_FEAT) @ W_out
    return out

if __name__ == "__main__":
    import jax
    _d = setup_inputs()
    print(jax.jit(kernel)(*tuple(_d.values())))

</pallas_src>

<mosaic_0001>
#map = affine_map<(d0, d1) -> (0, 0)>
#map1 = affine_map<(d0, d1) -> (0)>
module attributes {stable_mosaic.version = 14 : i64} {
  func.func @k(%arg0: i32, %arg1: i32, %arg2: memref<10000x272xf32, #tpu.memory_space<hbm>>, %arg3: memref<10000x16xf32, #tpu.memory_space<hbm>>, %arg4: memref<163840xi32, #tpu.memory_space<hbm>>, %arg5: memref<163840xi32, #tpu.memory_space<hbm>>, %arg6: memref<163840x272xf32, #tpu.memory_space<hbm>>, %arg7: memref<163840x16xf32, #tpu.memory_space<hbm>>, %arg8: memref<2x128xi32, #tpu.memory_space<vmem>>, %arg9: memref<2x128xi32, #tpu.memory_space<vmem>>, %arg10: memref<2x128x272xf32, #tpu.memory_space<vmem>>, %arg11: memref<2x128x16xf32, #tpu.memory_space<vmem>>, %arg12: memref<!tpu.dma_semaphore, #tpu.memory_space<semaphore_mem>>, %arg13: memref<!tpu.dma_semaphore, #tpu.memory_space<semaphore_mem>>, %arg14: memref<!tpu.dma_semaphore, #tpu.memory_space<semaphore_mem>>, %arg15: memref<!tpu.dma_semaphore, #tpu.memory_space<semaphore_mem>>) attributes {dimension_semantics = [#tpu.dimension_semantics<core_parallel>, #tpu.dimension_semantics<subcore_parallel>], iteration_bounds = array<i64: 2, 16>, scalar_prefetch = 0 : i64, scratch_operands = 8 : i64, tpu.core_type = #tpu.core_type<sc_vector_subcore>, window_params = [{transform_indices = #map}, {transform_indices = #map}, {transform_indices = #map1}, {transform_indices = #map1}, {transform_indices = #map}, {transform_indices = #map}]} {
    %mul3A = arith.constant 2 : i32
    %mul3A_0 = arith.muli %arg1, %mul3A : i32
    %add3A = arith.addi %mul3A_0, %arg0 : i32
    %scan3A = arith.constant 0 : i32
    %scan3A_1 = arith.constant 0 : i32
    %scan3A_2 = arith.constant 20 : i32
    %scan3A_3 = arith.addi %scan3A_1, %scan3A_2 : i32
    %scan3A_4 = arith.constant 1 : i32
    scf.for %scan3A_65 = %scan3A_1 to %scan3A_3 step %scan3A_4  : i32 {
      %mul3A_66 = arith.constant 2 : i32
      %mul3A_67 = arith.muli %scan3A_65, %mul3A_66 : i32
      %add3A_68 = arith.constant 0 : i32
      %add3A_69 = arith.addi %mul3A_67, %add3A_68 : i32
      %mul3A_70 = arith.constant 5120 : i32
      %mul3A_71 = arith.muli %add3A, %mul3A_70 : i32
      %mul3A_72 = arith.constant 128 : i32
      %mul3A_73 = arith.muli %add3A_69, %mul3A_72 : i32
      %add3A_74 = arith.addi %mul3A_71, %mul3A_73 : i32
      %gt3A = arith.constant 0 : i32
      %gt3A_75 = arith.cmpi sgt, %scan3A_65, %gt3A : i32
      %convert_element_type3A = arith.extui %gt3A_75 : i1 to i32
      %cond3A = arith.constant 0 : i32
      %cond3A_76 = arith.cmpi ne, %convert_element_type3A, %cond3A : i32
      scf.if %cond3A_76 {
        %mul3A_259 = arith.constant 5120 : i32
        %mul3A_260 = arith.muli %add3A, %mul3A_259 : i32
        %sub3A = arith.constant 2 : i32
        %sub3A_261 = arith.subi %add3A_69, %sub3A : i32
        %mul3A_262 = arith.constant 128 : i32
        %mul3A_263 = arith.muli %sub3A_261, %mul3A_262 : i32
        %add3A_264 = arith.addi %mul3A_260, %mul3A_263 : i32
        %dma_wait3A_265 = arith.constant 0 : i32
        %dma_wait3A_266 = arith.constant 0 : i32
        %dma_wait3A_267 = arith.constant 0 : i32
        %dma_wait3A_268 = tpu.memref_slice %arg10[%dma_wait3A_265, %dma_wait3A_266, %dma_wait3A_267] : memref<2x128x272xf32, #tpu.memory_space<vmem>> -> memref<1x128x272xf32, #tpu.memory_space<vmem>>
        %dma_wait3A_269 = tpu.memref_squeeze %dma_wait3A_268 : memref<1x128x272xf32, #tpu.memory_space<vmem>> -> memref<128x272xf32, #tpu.memory_space<vmem>>
        %dma_wait3A_270 = arith.constant 0 : i32
        %dma_wait3A_271 = tpu.memref_slice %arg6[%add3A_264, %dma_wait3A_270] : memref<163840x272xf32, #tpu.memory_space<hbm>> -> memref<128x272xf32, #tpu.memory_space<hbm>>
        %dma_wait3A_272 = arith.constant 0 : i32
        %dma_wait3A_273 = tpu.memref_slice %arg6[%add3A_264, %dma_wait3A_272] : memref<163840x272xf32, #tpu.memory_space<hbm>> -> memref<128x272xf32, #tpu.memory_space<hbm>>
        %dma_wait3A_274 = arith.constant 0 : i32
        %dma_wait3A_275 = arith.constant 0 : i32
        %dma_wait3A_276 = tpu.memref_slice %arg10[%dma_wait3A_265, %dma_wait3A_274, %dma_wait3A_275] : memref<2x128x272xf32, #tpu.memory_space<vmem>> -> memref<1x128x272xf32, #tpu.memory_space<vmem>>
        %dma_wait3A_277 = tpu.memref_squeeze %dma_wait3A_276 : memref<1x128x272xf32, #tpu.memory_space<vmem>> -> memref<128x272xf32, #tpu.memory_space<vmem>>
        tpu.wait_dma2 semaphore(%arg14 : memref<!tpu.dma_semaphore, #tpu.memory_space<semaphore_mem>>) src(%dma_wait3A_277 : memref<128x272xf32, #tpu.memory_space<vmem>>) dst(%dma_wait3A_273 : memref<128x272xf32, #tpu.memory_space<hbm>>)
        %dma_wait3A_278 = arith.constant 0 : i32
        %dma_wait3A_279 = arith.constant 0 : i32
        %dma_wait3A_280 = arith.constant 0 : i32
        %dma_wait3A_281 = tpu.memref_slice %arg11[%dma_wait3A_278, %dma_wait3A_279, %dma_wait3A_280] : memref<2x128x16xf32, #tpu.memory_space<vmem>> -> memref<1x128x16xf32, #tpu.memory_space<vmem>>
        %dma_wait3A_282 = tpu.memref_squeeze %dma_wait3A_281 : memref<1x128x16xf32, #tpu.memory_space<vmem>> -> memref<128x16xf32, #tpu.memory_space<vmem>>
        %dma_wait3A_283 = arith.constant 0 : i32
        %dma_wait3A_284 = tpu.memref_slice %arg7[%add3A_264, %dma_wait3A_283] : memref<163840x16xf32, #tpu.memory_space<hbm>> -> memref<128x16xf32, #tpu.memory_space<hbm>>
        %dma_wait3A_285 = arith.constant 0 : i32
        %dma_wait3A_286 = tpu.memref_slice %arg7[%add3A_264, %dma_wait3A_285] : memref<163840x16xf32, #tpu.memory_space<hbm>> -> memref<128x16xf32, #tpu.memory_space<hbm>>
        %dma_wait3A_287 = arith.constant 0 : i32
        %dma_wait3A_288 = arith.constant 0 : i32
        %dma_wait3A_289 = tpu.memref_slice %arg11[%dma_wait3A_278, %dma_wait3A_287, %dma_wait3A_288] : memref<2x128x16xf32, #tpu.memory_space<vmem>> -> memref<1x128x16xf32, #tpu.memory_space<vmem>>
        %dma_wait3A_290 = tpu.memref_squeeze %dma_wait3A_289 : memref<1x128x16xf32, #tpu.memory_space<vmem>> -> memref<128x16xf32, #tpu.memory_space<vmem>>
        tpu.wait_dma2 semaphore(%arg14 : memref<!tpu.dma_semaphore, #tpu.memory_space<semaphore_mem>>) src(%dma_wait3A_290 : memref<128x16xf32, #tpu.memory_space<vmem>>) dst(%dma_wait3A_286 : memref<128x16xf32, #tpu.memory_space<hbm>>)
      } else {
      }
      %run_scoped3A = arith.constant 0 : i32
      "tpu.region"() ({
        %run_scoped3A_259 = tpu.sem_alloc : memref<!tpu.dma_semaphore, #tpu.memory_space<semaphore_mem>>
        %dma_start3A_260 = arith.constant 0 : i32
        %dma_start3A_261 = tpu.memref_slice %arg8[%run_scoped3A, %dma_start3A_260] : memref<2x128xi32, #tpu.memory_space<vmem>> -> memref<1x128xi32, #tpu.memory_space<vmem>>
        %dma_start3A_262 = tpu.memref_squeeze %dma_start3A_261 : memref<1x128xi32, #tpu.memory_space<vmem>> -> memref<128xi32, #tpu.memory_space<vmem>>
        %dma_start3A_263 = tpu.memref_slice %arg4[%add3A_74] : memref<163840xi32, #tpu.memory_space<hbm>> -> memref<128xi32, #tpu.memory_space<hbm>>
        %dma_start3A_264 = arith.constant 0 : i32
        %dma_start3A_265 = tpu.memref_slice %arg8[%run_scoped3A, %dma_start3A_264] : memref<2x128xi32, #tpu.memory_space<vmem>> -> memref<1x128xi32, #tpu.memory_space<vmem>>
        %dma_start3A_266 = tpu.memref_squeeze %dma_start3A_265 : memref<1x128xi32, #tpu.memory_space<vmem>> -> memref<128xi32, #tpu.memory_space<vmem>>
        %dma_start3A_267 = tpu.memref_slice %arg4[%add3A_74] : memref<163840xi32, #tpu.memory_space<hbm>> -> memref<128xi32, #tpu.memory_space<hbm>>
        tpu.enqueue_dma source(%dma_start3A_267 : memref<128xi32, #tpu.memory_space<hbm>>) target(%dma_start3A_266 : memref<128xi32, #tpu.memory_space<vmem>>) target_semaphore(%run_scoped3A_259 : memref<!tpu.dma_semaphore, #tpu.memory_space<semaphore_mem>>)
        %dma_wait3A_268 = arith.constant 0 : i32
        %dma_wait3A_269 = tpu.memref_slice %arg8[%run_scoped3A, %dma_wait3A_268] : memref<2x128xi32, #tpu.memory_space<vmem>> -> memref<1x128xi32, #tpu.memory_space<vmem>>
        %dma_wait3A_270 = tpu.memref_squeeze %dma_wait3A_269 : memref<1x128xi32, #tpu.memory_space<vmem>> -> memref<128xi32, #tpu.memory_space<vmem>>
        %dma_wait3A_271 = tpu.memref_slice %arg4[%add3A_74] : memref<163840xi32, #tpu.memory_space<hbm>> -> memref<128xi32, #tpu.memory_space<hbm>>
        %dma_wait3A_272 = arith.constant 0 : i32
        %dma_wait3A_273 = tpu.memref_slice %arg8[%run_scoped3A, %dma_wait3A_272] : memref<2x128xi32, #tpu.memory_space<vmem>> -> memref<1x128xi32, #tpu.memory_space<vmem>>
        %dma_wait3A_274 = tpu.memref_squeeze %dma_wait3A_273 : memref<1x128xi32, #tpu.memory_space<vmem>> -> memref<128xi32, #tpu.memory_space<vmem>>
        %dma_wait3A_275 = tpu.memref_slice %arg4[%add3A_74] : memref<163840xi32, #tpu.memory_space<hbm>> -> memref<128xi32, #tpu.memory_space<hbm>>
        tpu.wait_dma2 semaphore(%run_scoped3A_259 : memref<!tpu.dma_semaphore, #tpu.memory_space<semaphore_mem>>) src(%dma_wait3A_275 : memref<128xi32, #tpu.memory_space<hbm>>) dst(%dma_wait3A_274 : memref<128xi32, #tpu.memory_space<vmem>>)
        tpu.yield
      }) : () -> ()
      %run_scoped3A_77 = arith.constant 0 : i32
      "tpu.region"() ({
        %run_scoped3A_259 = tpu.sem_alloc : memref<!tpu.dma_semaphore, #tpu.memory_space<semaphore_mem>>
        %dma_start3A_260 = arith.constant 0 : i32
        %dma_start3A_261 = tpu.memref_slice %arg9[%run_scoped3A_77, %dma_start3A_260] : memref<2x128xi32, #tpu.memory_space<vmem>> -> memref<1x128xi32, #tpu.memory_space<vmem>>
        %dma_start3A_262 = tpu.memref_squeeze %dma_start3A_261 : memref<1x128xi32, #tpu.memory_space<vmem>> -> memref<128xi32, #tpu.memory_space<vmem>>
        %dma_start3A_263 = tpu.memref_slice %arg5[%add3A_74] : memref<163840xi32, #tpu.memory_space<hbm>> -> memref<128xi32, #tpu.memory_space<hbm>>
        %dma_start3A_264 = arith.constant 0 : i32
        %dma_start3A_265 = tpu.memref_slice %arg9[%run_scoped3A_77, %dma_start3A_264] : memref<2x128xi32, #tpu.memory_space<vmem>> -> memref<1x128xi32, #tpu.memory_space<vmem>>
        %dma_start3A_266 = tpu.memref_squeeze %dma_start3A_265 : memref<1x128xi32, #tpu.memory_space<vmem>> -> memref<128xi32, #tpu.memory_space<vmem>>
        %dma_start3A_267 = tpu.memref_slice %arg5[%add3A_74] : memref<163840xi32, #tpu.memory_space<hbm>> -> memref<128xi32, #tpu.memory_space<hbm>>
        tpu.enqueue_dma source(%dma_start3A_267 : memref<128xi32, #tpu.memory_space<hbm>>) target(%dma_start3A_266 : memref<128xi32, #tpu.memory_space<vmem>>) target_semaphore(%run_scoped3A_259 : memref<!tpu.dma_semaphore, #tpu.memory_space<semaphore_mem>>)
        %dma_wait3A_268 = arith.constant 0 : i32
        %dma_wait3A_269 = tpu.memref_slice %arg9[%run_scoped3A_77, %dma_wait3A_268] : memref<2x128xi32, #tpu.memory_space<vmem>> -> memref<1x128xi32, #tpu.memory_space<vmem>>
        %dma_wait3A_270 = tpu.memref_squeeze %dma_wait3A_269 : memref<1x128xi32, #tpu.memory_space<vmem>> -> memref<128xi32, #tpu.memory_space<vmem>>
        %dma_wait3A_271 = tpu.memref_slice %arg5[%add3A_74] : memref<163840xi32, #tpu.memory_space<hbm>> -> memref<128xi32, #tpu.memory_space<hbm>>
        %dma_wait3A_272 = arith.constant 0 : i32
        %dma_wait3A_273 = tpu.memref_slice %arg9[%run_scoped3A_77, %dma_wait3A_272] : memref<2x128xi32, #tpu.memory_space<vmem>> -> memref<1x128xi32, #tpu.memory_space<vmem>>
        %dma_wait3A_274 = tpu.memref_squeeze %dma_wait3A_273 : memref<1x128xi32, #tpu.memory_space<vmem>> -> memref<128xi32, #tpu.memory_space<vmem>>
        %dma_wait3A_275 = tpu.memref_slice %arg5[%add3A_74] : memref<163840xi32, #tpu.memory_space<hbm>> -> memref<128xi32, #tpu.memory_space<hbm>>
        tpu.wait_dma2 semaphore(%run_scoped3A_259 : memref<!tpu.dma_semaphore, #tpu.memory_space<semaphore_mem>>) src(%dma_wait3A_275 : memref<128xi32, #tpu.memory_space<hbm>>) dst(%dma_wait3A_274 : memref<128xi32, #tpu.memory_space<vmem>>)
        tpu.yield
      }) : () -> ()
      %dma_start3A = arith.constant 0 : i32
      %dma_start3A_78 = arith.constant 0 : i32
      %dma_start3A_79 = arith.constant 0 : i32
      %dma_start3A_80 = arith.constant 0 : i32
      %dma_start3A_81 = tpu.memref_slice %arg10[%dma_start3A_78, %dma_start3A_79, %dma_start3A_80] : memref<2x128x272xf32, #tpu.memory_space<vmem>> -> memref<1x128x272xf32, #tpu.memory_space<vmem>>
      %dma_start3A_82 = tpu.memref_squeeze %dma_start3A_81 : memref<1x128x272xf32, #tpu.memory_space<vmem>> -> memref<128x272xf32, #tpu.memory_space<vmem>>
      %dma_start3A_83 = arith.constant 0 : i32
      %dma_start3A_84 = tpu.memref_slice %arg8[%dma_start3A, %dma_start3A_83] : memref<2x128xi32, #tpu.memory_space<vmem>> -> memref<1x128xi32, #tpu.memory_space<vmem>>
      %dma_start3A_85 = tpu.memref_squeeze %dma_start3A_84 : memref<1x128xi32, #tpu.memory_space<vmem>> -> memref<128xi32, #tpu.memory_space<vmem>>
      %dma_start3A_86 = arith.constant 0 : i32
      %dma_start3A_87 = arith.constant 0 : i32
      %dma_start3A_88 = tpu.memref_slice %arg2[%dma_start3A_86, %dma_start3A_87] : memref<10000x272xf32, #tpu.memory_space<hbm>> -> memref<10000x272xf32, #tpu.memory_space<hbm>>
      tpu.enqueue_indirect_dma source(%dma_start3A_88 : memref<10000x272xf32, #tpu.memory_space<hbm>>) target(%dma_start3A_82 : memref<128x272xf32, #tpu.memory_space<vmem>>) offsets(%dma_start3A_85 : memref<128xi32, #tpu.memory_space<vmem>>) semaphore(%arg12 : memref<!tpu.dma_semaphore, #tpu.memory_space<semaphore_mem>>)
      %dma_start3A_89 = arith.constant 0 : i32
      %dma_start3A_90 = arith.constant 0 : i32
      %dma_start3A_91 = arith.constant 0 : i32
      %dma_start3A_92 = arith.constant 0 : i32
      %dma_start3A_93 = tpu.memref_slice %arg11[%dma_start3A_90, %dma_start3A_91, %dma_start3A_92] : memref<2x128x16xf32, #tpu.memory_space<vmem>> -> memref<1x128x16xf32, #tpu.memory_space<vmem>>
      %dma_start3A_94 = tpu.memref_squeeze %dma_start3A_93 : memref<1x128x16xf32, #tpu.memory_space<vmem>> -> memref<128x16xf32, #tpu.memory_space<vmem>>
      %dma_start3A_95 = arith.constant 0 : i32
      %dma_start3A_96 = tpu.memref_slice %arg9[%dma_start3A_89, %dma_start3A_95] : memref<2x128xi32, #tpu.memory_space<vmem>> -> memref<1x128xi32, #tpu.memory_space<vmem>>
      %dma_start3A_97 = tpu.memref_squeeze %dma_start3A_96 : memref<1x128xi32, #tpu.memory_space<vmem>> -> memref<128xi32, #tpu.memory_space<vmem>>
      %dma_start3A_98 = arith.constant 0 : i32
      %dma_start3A_99 = arith.constant 0 : i32
      %dma_start3A_100 = tpu.memref_slice %arg3[%dma_start3A_98, %dma_start3A_99] : memref<10000x16xf32, #tpu.memory_space<hbm>> -> memref<10000x16xf32, #tpu.memory_space<hbm>>
      tpu.enqueue_indirect_dma source(%dma_start3A_100 : memref<10000x16xf32, #tpu.memory_space<hbm>>) target(%dma_start3A_94 : memref<128x16xf32, #tpu.memory_space<vmem>>) offsets(%dma_start3A_97 : memref<128xi32, #tpu.memory_space<vmem>>) semaphore(%arg12 : memref<!tpu.dma_semaphore, #tpu.memory_space<semaphore_mem>>)
      %mul3A_101 = arith.constant 2 : i32
      %mul3A_102 = arith.muli %scan3A_65, %mul3A_101 : i32
      %add3A_103 = arith.constant 1 : i32
      %add3A_104 = arith.addi %mul3A_102, %add3A_103 : i32
      %mul3A_105 = arith.constant 5120 : i32
      %mul3A_106 = arith.muli %add3A, %mul3A_105 : i32
      %mul3A_107 = arith.constant 128 : i32
      %mul3A_108 = arith.muli %add3A_104, %mul3A_107 : i32
      %add3A_109 = arith.addi %mul3A_106, %mul3A_108 : i32
      %gt3A_110 = arith.constant 0 : i32
      %gt3A_111 = arith.cmpi sgt, %scan3A_65, %gt3A_110 : i32
      %convert_element_type3A_112 = arith.extui %gt3A_111 : i1 to i32
      %cond3A_113 = arith.constant 0 : i32
      %cond3A_114 = arith.cmpi ne, %convert_element_type3A_112, %cond3A_113 : i32
      scf.if %cond3A_114 {
        %mul3A_259 = arith.constant 5120 : i32
        %mul3A_260 = arith.muli %add3A, %mul3A_259 : i32
        %sub3A = arith.constant 2 : i32
        %sub3A_261 = arith.subi %add3A_104, %sub3A : i32
        %mul3A_262 = arith.constant 128 : i32
        %mul3A_263 = arith.muli %sub3A_261, %mul3A_262 : i32
        %add3A_264 = arith.addi %mul3A_260, %mul3A_263 : i32
        %dma_wait3A_265 = arith.constant 1 : i32
        %dma_wait3A_266 = arith.constant 0 : i32
        %dma_wait3A_267 = arith.constant 0 : i32
        %dma_wait3A_268 = tpu.memref_slice %arg10[%dma_wait3A_265, %dma_wait3A_266, %dma_wait3A_267] : memref<2x128x272xf32, #tpu.memory_space<vmem>> -> memref<1x128x272xf32, #tpu.memory_space<vmem>>
        %dma_wait3A_269 = tpu.memref_squeeze %dma_wait3A_268 : memref<1x128x272xf32, #tpu.memory_space<vmem>> -> memref<128x272xf32, #tpu.memory_space<vmem>>
        %dma_wait3A_270 = arith.constant 0 : i32
        %dma_wait3A_271 = tpu.memref_slice %arg6[%add3A_264, %dma_wait3A_270] : memref<163840x272xf32, #tpu.memory_space<hbm>> -> memref<128x272xf32, #tpu.memory_space<hbm>>
        %dma_wait3A_272 = arith.constant 0 : i32
        %dma_wait3A_273 = tpu.memref_slice %arg6[%add3A_264, %dma_wait3A_272] : memref<163840x272xf32, #tpu.memory_space<hbm>> -> memref<128x272xf32, #tpu.memory_space<hbm>>
        %dma_wait3A_274 = arith.constant 0 : i32
        %dma_wait3A_275 = arith.constant 0 : i32
        %dma_wait3A_276 = tpu.memref_slice %arg10[%dma_wait3A_265, %dma_wait3A_274, %dma_wait3A_275] : memref<2x128x272xf32, #tpu.memory_space<vmem>> -> memref<1x128x272xf32, #tpu.memory_space<vmem>>
        %dma_wait3A_277 = tpu.memref_squeeze %dma_wait3A_276 : memref<1x128x272xf32, #tpu.memory_space<vmem>> -> memref<128x272xf32, #tpu.memory_space<vmem>>
        tpu.wait_dma2 semaphore(%arg15 : memref<!tpu.dma_semaphore, #tpu.memory_space<semaphore_mem>>) src(%dma_wait3A_277 : memref<128x272xf32, #tpu.memory_space<vmem>>) dst(%dma_wait3A_273 : memref<128x272xf32, #tpu.memory_space<hbm>>)
        %dma_wait3A_278 = arith.constant 1 : i32
        %dma_wait3A_279 = arith.constant 0 : i32
        %dma_wait3A_280 = arith.constant 0 : i32
        %dma_wait3A_281 = tpu.memref_slice %arg11[%dma_wait3A_278, %dma_wait3A_279, %dma_wait3A_280] : memref<2x128x16xf32, #tpu.memory_space<vmem>> -> memref<1x128x16xf32, #tpu.memory_space<vmem>>
        %dma_wait3A_282 = tpu.memref_squeeze %dma_wait3A_281 : memref<1x128x16xf32, #tpu.memory_space<vmem>> -> memref<128x16xf32, #tpu.memory_space<vmem>>
        %dma_wait3A_283 = arith.constant 0 : i32
        %dma_wait3A_284 = tpu.memref_slice %arg7[%add3A_264, %dma_wait3A_283] : memref<163840x16xf32, #tpu.memory_space<hbm>> -> memref<128x16xf32, #tpu.memory_space<hbm>>
        %dma_wait3A_285 = arith.constant 0 : i32
        %dma_wait3A_286 = tpu.memref_slice %arg7[%add3A_264, %dma_wait3A_285] : memref<163840x16xf32, #tpu.memory_space<hbm>> -> memref<128x16xf32, #tpu.memory_space<hbm>>
        %dma_wait3A_287 = arith.constant 0 : i32
        %dma_wait3A_288 = arith.constant 0 : i32
        %dma_wait3A_289 = tpu.memref_slice %arg11[%dma_wait3A_278, %dma_wait3A_287, %dma_wait3A_288] : memref<2x128x16xf32, #tpu.memory_space<vmem>> -> memref<1x128x16xf32, #tpu.memory_space<vmem>>
        %dma_wait3A_290 = tpu.memref_squeeze %dma_wait3A_289 : memref<1x128x16xf32, #tpu.memory_space<vmem>> -> memref<128x16xf32, #tpu.memory_space<vmem>>
        tpu.wait_dma2 semaphore(%arg15 : memref<!tpu.dma_semaphore, #tpu.memory_space<semaphore_mem>>) src(%dma_wait3A_290 : memref<128x16xf32, #tpu.memory_space<vmem>>) dst(%dma_wait3A_286 : memref<128x16xf32, #tpu.memory_space<hbm>>)
      } else {
      }
      %run_scoped3A_115 = arith.constant 1 : i32
      "tpu.region"() ({
        %run_scoped3A_259 = tpu.sem_alloc : memref<!tpu.dma_semaphore, #tpu.memory_space<semaphore_mem>>
        %dma_start3A_260 = arith.constant 0 : i32
        %dma_start3A_261 = tpu.memref_slice %arg8[%run_scoped3A_115, %dma_start3A_260] : memref<2x128xi32, #tpu.memory_space<vmem>> -> memref<1x128xi32, #tpu.memory_space<vmem>>
        %dma_start3A_262 = tpu.memref_squeeze %dma_start3A_261 : memref<1x128xi32, #tpu.memory_space<vmem>> -> memref<128xi32, #tpu.memory_space<vmem>>
        %dma_start3A_263 = tpu.memref_slice %arg4[%add3A_109] : memref<163840xi32, #tpu.memory_space<hbm>> -> memref<128xi32, #tpu.memory_space<hbm>>
        %dma_start3A_264 = arith.constant 0 : i32
        %dma_start3A_265 = tpu.memref_slice %arg8[%run_scoped3A_115, %dma_start3A_264] : memref<2x128xi32, #tpu.memory_space<vmem>> -> memref<1x128xi32, #tpu.memory_space<vmem>>
        %dma_start3A_266 = tpu.memref_squeeze %dma_start3A_265 : memref<1x128xi32, #tpu.memory_space<vmem>> -> memref<128xi32, #tpu.memory_space<vmem>>
        %dma_start3A_267 = tpu.memref_slice %arg4[%add3A_109] : memref<163840xi32, #tpu.memory_space<hbm>> -> memref<128xi32, #tpu.memory_space<hbm>>
        tpu.enqueue_dma source(%dma_start3A_267 : memref<128xi32, #tpu.memory_space<hbm>>) target(%dma_start3A_266 : memref<128xi32, #tpu.memory_space<vmem>>) target_semaphore(%run_scoped3A_259 : memref<!tpu.dma_semaphore, #tpu.memory_space<semaphore_mem>>)
        %dma_wait3A_268 = arith.constant 0 : i32
        %dma_wait3A_269 = tpu.memref_slice %arg8[%run_scoped3A_115, %dma_wait3A_268] : memref<2x128xi32, #tpu.memory_space<vmem>> -> memref<1x128xi32, #tpu.memory_space<vmem>>
        %dma_wait3A_270 = tpu.memref_squeeze %dma_wait3A_269 : memref<1x128xi32, #tpu.memory_space<vmem>> -> memref<128xi32, #tpu.memory_space<vmem>>
        %dma_wait3A_271 = tpu.memref_slice %arg4[%add3A_109] : memref<163840xi32, #tpu.memory_space<hbm>> -> memref<128xi32, #tpu.memory_space<hbm>>
        %dma_wait3A_272 = arith.constant 0 : i32
        %dma_wait3A_273 = tpu.memref_slice %arg8[%run_scoped3A_115, %dma_wait3A_272] : memref<2x128xi32, #tpu.memory_space<vmem>> -> memref<1x128xi32, #tpu.memory_space<vmem>>
        %dma_wait3A_274 = tpu.memref_squeeze %dma_wait3A_273 : memref<1x128xi32, #tpu.memory_space<vmem>> -> memref<128xi32, #tpu.memory_space<vmem>>
        %dma_wait3A_275 = tpu.memref_slice %arg4[%add3A_109] : memref<163840xi32, #tpu.memory_space<hbm>> -> memref<128xi32, #tpu.memory_space<hbm>>
        tpu.wait_dma2 semaphore(%run_scoped3A_259 : memref<!tpu.dma_semaphore, #tpu.memory_space<semaphore_mem>>) src(%dma_wait3A_275 : memref<128xi32, #tpu.memory_space<hbm>>) dst(%dma_wait3A_274 : memref<128xi32, #tpu.memory_space<vmem>>)
        tpu.yield
      }) : () -> ()
      %run_scoped3A_116 = arith.constant 1 : i32
      "tpu.region"() ({
        %run_scoped3A_259 = tpu.sem_alloc : memref<!tpu.dma_semaphore, #tpu.memory_space<semaphore_mem>>
        %dma_start3A_260 = arith.constant 0 : i32
        %dma_start3A_261 = tpu.memref_slice %arg9[%run_scoped3A_116, %dma_start3A_260] : memref<2x128xi32, #tpu.memory_space<vmem>> -> memref<1x128xi32, #tpu.memory_space<vmem>>
        %dma_start3A_262 = tpu.memref_squeeze %dma_start3A_261 : memref<1x128xi32, #tpu.memory_space<vmem>> -> memref<128xi32, #tpu.memory_space<vmem>>
        %dma_start3A_263 = tpu.memref_slice %arg5[%add3A_109] : memref<163840xi32, #tpu.memory_space<hbm>> -> memref<128xi32, #tpu.memory_space<hbm>>
        %dma_start3A_264 = arith.constant 0 : i32
        %dma_start3A_265 = tpu.memref_slice %arg9[%run_scoped3A_116, %dma_start3A_264] : memref<2x128xi32, #tpu.memory_space<vmem>> -> memref<1x128xi32, #tpu.memory_space<vmem>>
        %dma_start3A_266 = tpu.memref_squeeze %dma_start3A_265 : memref<1x128xi32, #tpu.memory_space<vmem>> -> memref<128xi32, #tpu.memory_space<vmem>>
        %dma_start3A_267 = tpu.memref_slice %arg5[%add3A_109] : memref<163840xi32, #tpu.memory_space<hbm>> -> memref<128xi32, #tpu.memory_space<hbm>>
        tpu.enqueue_dma source(%dma_start3A_267 : memref<128xi32, #tpu.memory_space<hbm>>) target(%dma_start3A_266 : memref<128xi32, #tpu.memory_space<vmem>>) target_semaphore(%run_scoped3A_259 : memref<!tpu.dma_semaphore, #tpu.memory_space<semaphore_mem>>)
        %dma_wait3A_268 = arith.constant 0 : i32
        %dma_wait3A_269 = tpu.memref_slice %arg9[%run_scoped3A_116, %dma_wait3A_268] : memref<2x128xi32, #tpu.memory_space<vmem>> -> memref<1x128xi32, #tpu.memory_space<vmem>>
        %dma_wait3A_270 = tpu.memref_squeeze %dma_wait3A_269 : memref<1x128xi32, #tpu.memory_space<vmem>> -> memref<128xi32, #tpu.memory_space<vmem>>
        %dma_wait3A_271 = tpu.memref_slice %arg5[%add3A_109] : memref<163840xi32, #tpu.memory_space<hbm>> -> memref<128xi32, #tpu.memory_space<hbm>>
        %dma_wait3A_272 = arith.constant 0 : i32
        %dma_wait3A_273 = tpu.memref_slice %arg9[%run_scoped3A_116, %dma_wait3A_272] : memref<2x128xi32, #tpu.memory_space<vmem>> -> memref<1x128xi32, #tpu.memory_space<vmem>>
        %dma_wait3A_274 = tpu.memref_squeeze %dma_wait3A_273 : memref<1x128xi32, #tpu.memory_space<vmem>> -> memref<128xi32, #tpu.memory_space<vmem>>
        %dma_wait3A_275 = tpu.memref_slice %arg5[%add3A_109] : memref<163840xi32, #tpu.memory_space<hbm>> -> memref<128xi32, #tpu.memory_space<hbm>>
        tpu.wait_dma2 semaphore(%run_scoped3A_259 : memref<!tpu.dma_semaphore, #tpu.memory_space<semaphore_mem>>) src(%dma_wait3A_275 : memref<128xi32, #tpu.memory_space<hbm>>) dst(%dma_wait3A_274 : memref<128xi32, #tpu.memory_space<vmem>>)
        tpu.yield
      }) : () -> ()
      %dma_start3A_117 = arith.constant 1 : i32
      %dma_start3A_118 = arith.constant 1 : i32
      %dma_start3A_119 = arith.constant 0 : i32
      %dma_start3A_120 = arith.constant 0 : i32
      %dma_start3A_121 = tpu.memref_slice %arg10[%dma_start3A_118, %dma_start3A_119, %dma_start3A_120] : memref<2x128x272xf32, #tpu.memory_space<vmem>> -> memref<1x128x272xf32, #tpu.memory_space<vmem>>
      %dma_start3A_122 = tpu.memref_squeeze %dma_start3A_121 : memref<1x128x272xf32, #tpu.memory_space<vmem>> -> memref<128x272xf32, #tpu.memory_space<vmem>>
      %dma_start3A_123 = arith.constant 0 : i32
      %dma_start3A_124 = tpu.memref_slice %arg8[%dma_start3A_117, %dma_start3A_123] : memref<2x128xi32, #tpu.memory_space<vmem>> -> memref<1x128xi32, #tpu.memory_space<vmem>>
      %dma_start3A_125 = tpu.memref_squeeze %dma_start3A_124 : memref<1x128xi32, #tpu.memory_space<vmem>> -> memref<128xi32, #tpu.memory_space<vmem>>
      %dma_start3A_126 = arith.constant 0 : i32
      %dma_start3A_127 = arith.constant 0 : i32
      %dma_start3A_128 = tpu.memref_slice %arg2[%dma_start3A_126, %dma_start3A_127] : memref<10000x272xf32, #tpu.memory_space<hbm>> -> memref<10000x272xf32, #tpu.memory_space<hbm>>
      tpu.enqueue_indirect_dma source(%dma_start3A_128 : memref<10000x272xf32, #tpu.memory_space<hbm>>) target(%dma_start3A_122 : memref<128x272xf32, #tpu.memory_space<vmem>>) offsets(%dma_start3A_125 : memref<128xi32, #tpu.memory_space<vmem>>) semaphore(%arg13 : memref<!tpu.dma_semaphore, #tpu.memory_space<semaphore_mem>>)
      %dma_start3A_129 = arith.constant 1 : i32
      %dma_start3A_130 = arith.constant 1 : i32
      %dma_start3A_131 = arith.constant 0 : i32
      %dma_start3A_132 = arith.constant 0 : i32
      %dma_start3A_133 = tpu.memref_slice %arg11[%dma_start3A_130, %dma_start3A_131, %dma_start3A_132] : memref<2x128x16xf32, #tpu.memory_space<vmem>> -> memref<1x128x16xf32, #tpu.memory_space<vmem>>
      %dma_start3A_134 = tpu.memref_squeeze %dma_start3A_133 : memref<1x128x16xf32, #tpu.memory_space<vmem>> -> memref<128x16xf32, #tpu.memory_space<vmem>>
      %dma_start3A_135 = arith.constant 0 : i32
      %dma_start3A_136 = tpu.memref_slice %arg9[%dma_start3A_129, %dma_start3A_135] : memref<2x128xi32, #tpu.memory_space<vmem>> -> memref<1x128xi32, #tpu.memory_space<vmem>>
      %dma_start3A_137 = tpu.memref_squeeze %dma_start3A_136 : memref<1x128xi32, #tpu.memory_space<vmem>> -> memref<128xi32, #tpu.memory_space<vmem>>
      %dma_start3A_138 = arith.constant 0 : i32
      %dma_start3A_139 = arith.constant 0 : i32
      %dma_start3A_140 = tpu.memref_slice %arg3[%dma_start3A_138, %dma_start3A_139] : memref<10000x16xf32, #tpu.memory_space<hbm>> -> memref<10000x16xf32, #tpu.memory_space<hbm>>
      tpu.enqueue_indirect_dma source(%dma_start3A_140 : memref<10000x16xf32, #tpu.memory_space<hbm>>) target(%dma_start3A_134 : memref<128x16xf32, #tpu.memory_space<vmem>>) offsets(%dma_start3A_137 : memref<128xi32, #tpu.memory_space<vmem>>) semaphore(%arg13 : memref<!tpu.dma_semaphore, #tpu.memory_space<semaphore_mem>>)
      %mul3A_141 = arith.constant 2 : i32
      %mul3A_142 = arith.muli %scan3A_65, %mul3A_141 : i32
      %add3A_143 = arith.constant 0 : i32
      %add3A_144 = arith.addi %mul3A_142, %add3A_143 : i32
      %mul3A_145 = arith.constant 5120 : i32
      %mul3A_146 = arith.muli %add3A, %mul3A_145 : i32
      %mul3A_147 = arith.constant 128 : i32
      %mul3A_148 = arith.muli %add3A_144, %mul3A_147 : i32
      %add3A_149 = arith.addi %mul3A_146, %mul3A_148 : i32
      %dma_wait3A_150 = arith.constant 0 : i32
      %dma_wait3A_151 = arith.constant 0 : i32
      %dma_wait3A_152 = arith.constant 0 : i32
      %dma_wait3A_153 = arith.constant 0 : i32
      %dma_wait3A_154 = tpu.memref_slice %arg10[%dma_wait3A_151, %dma_wait3A_152, %dma_wait3A_153] : memref<2x128x272xf32, #tpu.memory_space<vmem>> -> memref<1x128x272xf32, #tpu.memory_space<vmem>>
      %dma_wait3A_155 = tpu.memref_squeeze %dma_wait3A_154 : memref<1x128x272xf32, #tpu.memory_space<vmem>> -> memref<128x272xf32, #tpu.memory_space<vmem>>
      %dma_wait3A_156 = arith.constant 0 : i32
      %dma_wait3A_157 = tpu.memref_slice %arg8[%dma_wait3A_150, %dma_wait3A_156] : memref<2x128xi32, #tpu.memory_space<vmem>> -> memref<1x128xi32, #tpu.memory_space<vmem>>
      %dma_wait3A_158 = tpu.memref_squeeze %dma_wait3A_157 : memref<1x128xi32, #tpu.memory_space<vmem>> -> memref<128xi32, #tpu.memory_space<vmem>>
      %dma_wait3A_159 = arith.constant 0 : i32
      %dma_wait3A_160 = arith.constant 0 : i32
      %dma_wait3A_161 = tpu.memref_slice %arg2[%dma_wait3A_159, %dma_wait3A_160] : memref<10000x272xf32, #tpu.memory_space<hbm>> -> memref<10000x272xf32, #tpu.memory_space<hbm>>
      tpu.wait_indirect_dma semaphore(%arg12 : memref<!tpu.dma_semaphore, #tpu.memory_space<semaphore_mem>>) src(%dma_wait3A_161 : memref<10000x272xf32, #tpu.memory_space<hbm>>) dst(%dma_wait3A_155 : memref<128x272xf32, #tpu.memory_space<vmem>>)
      %dma_wait3A_162 = arith.constant 0 : i32
      %dma_wait3A_163 = arith.constant 0 : i32
      %dma_wait3A_164 = arith.constant 0 : i32
      %dma_wait3A_165 = arith.constant 0 : i32
      %dma_wait3A_166 = tpu.memref_slice %arg11[%dma_wait3A_163, %dma_wait3A_164, %dma_wait3A_165] : memref<2x128x16xf32, #tpu.memory_space<vmem>> -> memref<1x128x16xf32, #tpu.memory_space<vmem>>
      %dma_wait3A_167 = tpu.memref_squeeze %dma_wait3A_166 : memref<1x128x16xf32, #tpu.memory_space<vmem>> -> memref<128x16xf32, #tpu.memory_space<vmem>>
      %dma_wait3A_168 = arith.constant 0 : i32
      %dma_wait3A_169 = tpu.memref_slice %arg9[%dma_wait3A_162, %dma_wait3A_168] : memref<2x128xi32, #tpu.memory_space<vmem>> -> memref<1x128xi32, #tpu.memory_space<vmem>>
      %dma_wait3A_170 = tpu.memref_squeeze %dma_wait3A_169 : memref<1x128xi32, #tpu.memory_space<vmem>> -> memref<128xi32, #tpu.memory_space<vmem>>
      %dma_wait3A_171 = arith.constant 0 : i32
      %dma_wait3A_172 = arith.constant 0 : i32
      %dma_wait3A_173 = tpu.memref_slice %arg3[%dma_wait3A_171, %dma_wait3A_172] : memref<10000x16xf32, #tpu.memory_space<hbm>> -> memref<10000x16xf32, #tpu.memory_space<hbm>>
      tpu.wait_indirect_dma semaphore(%arg12 : memref<!tpu.dma_semaphore, #tpu.memory_space<semaphore_mem>>) src(%dma_wait3A_173 : memref<10000x16xf32, #tpu.memory_space<hbm>>) dst(%dma_wait3A_167 : memref<128x16xf32, #tpu.memory_space<vmem>>)
      %dma_start3A_174 = arith.constant 0 : i32
      %dma_start3A_175 = arith.constant 0 : i32
      %dma_start3A_176 = arith.constant 0 : i32
      %dma_start3A_177 = tpu.memref_slice %arg10[%dma_start3A_174, %dma_start3A_175, %dma_start3A_176] : memref<2x128x272xf32, #tpu.memory_space<vmem>> -> memref<1x128x272xf32, #tpu.memory_space<vmem>>
      %dma_start3A_178 = tpu.memref_squeeze %dma_start3A_177 : memref<1x128x272xf32, #tpu.memory_space<vmem>> -> memref<128x272xf32, #tpu.memory_space<vmem>>
      %dma_start3A_179 = arith.constant 0 : i32
      %dma_start3A_180 = tpu.memref_slice %arg6[%add3A_149, %dma_start3A_179] : memref<163840x272xf32, #tpu.memory_space<hbm>> -> memref<128x272xf32, #tpu.memory_space<hbm>>
      %dma_start3A_181 = arith.constant 0 : i32
      %dma_start3A_182 = tpu.memref_slice %arg6[%add3A_149, %dma_start3A_181] : memref<163840x272xf32, #tpu.memory_space<hbm>> -> memref<128x272xf32, #tpu.memory_space<hbm>>
      %dma_start3A_183 = arith.constant 0 : i32
      %dma_start3A_184 = arith.constant 0 : i32
      %dma_start3A_185 = tpu.memref_slice %arg10[%dma_start3A_174, %dma_start3A_183, %dma_start3A_184] : memref<2x128x272xf32, #tpu.memory_space<vmem>> -> memref<1x128x272xf32, #tpu.memory_space<vmem>>
      %dma_start3A_186 = tpu.memref_squeeze %dma_start3A_185 : memref<1x128x272xf32, #tpu.memory_space<vmem>> -> memref<128x272xf32, #tpu.memory_space<vmem>>
      tpu.enqueue_dma source(%dma_start3A_186 : memref<128x272xf32, #tpu.memory_space<vmem>>) target(%dma_start3A_182 : memref<128x272xf32, #tpu.memory_space<hbm>>) target_semaphore(%arg14 : memref<!tpu.dma_semaphore, #tpu.memory_space<semaphore_mem>>)
      %dma_start3A_187 = arith.constant 0 : i32
      %dma_start3A_188 = arith.constant 0 : i32
      %dma_start3A_189 = arith.constant 0 : i32
      %dma_start3A_190 = tpu.memref_slice %arg11[%dma_start3A_187, %dma_start3A_188, %dma_start3A_189] : memref<2x128x16xf32, #tpu.memory_space<vmem>> -> memref<1x128x16xf32, #tpu.memory_space<vmem>>
      %dma_start3A_191 = tpu.memref_squeeze %dma_start3A_190 : memref<1x128x16xf32, #tpu.memory_space<vmem>> -> memref<128x16xf32, #tpu.memory_space<vmem>>
      %dma_start3A_192 = arith.constant 0 : i32
      %dma_start3A_193 = tpu.memref_slice %arg7[%add3A_149, %dma_start3A_192] : memref<163840x16xf32, #tpu.memory_space<hbm>> -> memref<128x16xf32, #tpu.memory_space<hbm>>
      %dma_start3A_194 = arith.constant 0 : i32
      %dma_start3A_195 = tpu.memref_slice %arg7[%add3A_149, %dma_start3A_194] : memref<163840x16xf32, #tpu.memory_space<hbm>> -> memref<128x16xf32, #tpu.memory_space<hbm>>
      %dma_start3A_196 = arith.constant 0 : i32
      %dma_start3A_197 = arith.constant 0 : i32
      %dma_start3A_198 = tpu.memref_slice %arg11[%dma_start3A_187, %dma_start3A_196, %dma_start3A_197] : memref<2x128x16xf32, #tpu.memory_space<vmem>> -> memref<1x128x16xf32, #tpu.memory_space<vmem>>
      %dma_start3A_199 = tpu.memref_squeeze %dma_start3A_198 : memref<1x128x16xf32, #tpu.memory_space<vmem>> -> memref<128x16xf32, #tpu.memory_space<vmem>>
      tpu.enqueue_dma source(%dma_start3A_199 : memref<128x16xf32, #tpu.memory_space<vmem>>) target(%dma_start3A_195 : memref<128x16xf32, #tpu.memory_space<hbm>>) target_semaphore(%arg14 : memref<!tpu.dma_semaphore, #tpu.memory_space<semaphore_mem>>)
      %mul3A_200 = arith.constant 2 : i32
      %mul3A_201 = arith.muli %scan3A_65, %mul3A_200 : i32
      %add3A_202 = arith.constant 1 : i32
      %add3A_203 = arith.addi %mul3A_201, %add3A_202 : i32
      %mul3A_204 = arith.constant 5120 : i32
      %mul3A_205 = arith.muli %add3A, %mul3A_204 : i32
      %mul3A_206 = arith.constant 128 : i32
      %mul3A_207 = arith.muli %add3A_203, %mul3A_206 : i32
      %add3A_208 = arith.addi %mul3A_205, %mul3A_207 : i32
      %dma_wait3A_209 = arith.constant 1 : i32
      %dma_wait3A_210 = arith.constant 1 : i32
      %dma_wait3A_211 = arith.constant 0 : i32
      %dma_wait3A_212 = arith.constant 0 : i32
      %dma_wait3A_213 = tpu.memref_slice %arg10[%dma_wait3A_210, %dma_wait3A_211, %dma_wait3A_212] : memref<2x128x272xf32, #tpu.memory_space<vmem>> -> memref<1x128x272xf32, #tpu.memory_space<vmem>>
      %dma_wait3A_214 = tpu.memref_squeeze %dma_wait3A_213 : memref<1x128x272xf32, #tpu.memory_space<vmem>> -> memref<128x272xf32, #tpu.memory_space<vmem>>
      %dma_wait3A_215 = arith.constant 0 : i32
      %dma_wait3A_216 = tpu.memref_slice %arg8[%dma_wait3A_209, %dma_wait3A_215] : memref<2x128xi32, #tpu.memory_space<vmem>> -> memref<1x128xi32, #tpu.memory_space<vmem>>
      %dma_wait3A_217 = tpu.memref_squeeze %dma_wait3A_216 : memref<1x128xi32, #tpu.memory_space<vmem>> -> memref<128xi32, #tpu.memory_space<vmem>>
      %dma_wait3A_218 = arith.constant 0 : i32
      %dma_wait3A_219 = arith.constant 0 : i32
      %dma_wait3A_220 = tpu.memref_slice %arg2[%dma_wait3A_218, %dma_wait3A_219] : memref<10000x272xf32, #tpu.memory_space<hbm>> -> memref<10000x272xf32, #tpu.memory_space<hbm>>
      tpu.wait_indirect_dma semaphore(%arg13 : memref<!tpu.dma_semaphore, #tpu.memory_space<semaphore_mem>>) src(%dma_wait3A_220 : memref<10000x272xf32, #tpu.memory_space<hbm>>) dst(%dma_wait3A_214 : memref<128x272xf32, #tpu.memory_space<vmem>>)
      %dma_wait3A_221 = arith.constant 1 : i32
      %dma_wait3A_222 = arith.constant 1 : i32
      %dma_wait3A_223 = arith.constant 0 : i32
      %dma_wait3A_224 = arith.constant 0 : i32
      %dma_wait3A_225 = tpu.memref_slice %arg11[%dma_wait3A_222, %dma_wait3A_223, %dma_wait3A_224] : memref<2x128x16xf32, #tpu.memory_space<vmem>> -> memref<1x128x16xf32, #tpu.memory_space<vmem>>
      %dma_wait3A_226 = tpu.memref_squeeze %dma_wait3A_225 : memref<1x128x16xf32, #tpu.memory_space<vmem>> -> memref<128x16xf32, #tpu.memory_space<vmem>>
      %dma_wait3A_227 = arith.constant 0 : i32
      %dma_wait3A_228 = tpu.memref_slice %arg9[%dma_wait3A_221, %dma_wait3A_227] : memref<2x128xi32, #tpu.memory_space<vmem>> -> memref<1x128xi32, #tpu.memory_space<vmem>>
      %dma_wait3A_229 = tpu.memref_squeeze %dma_wait3A_228 : memref<1x128xi32, #tpu.memory_space<vmem>> -> memref<128xi32, #tpu.memory_space<vmem>>
      %dma_wait3A_230 = arith.constant 0 : i32
      %dma_wait3A_231 = arith.constant 0 : i32
      %dma_wait3A_232 = tpu.memref_slice %arg3[%dma_wait3A_230, %dma_wait3A_231] : memref<10000x16xf32, #tpu.memory_space<hbm>> -> memref<10000x16xf32, #tpu.memory_space<hbm>>
      tpu.wait_indirect_dma semaphore(%arg13 : memref<!tpu.dma_semaphore, #tpu.memory_space<semaphore_mem>>) src(%dma_wait3A_232 : memref<10000x16xf32, #tpu.memory_space<hbm>>) dst(%dma_wait3A_226 : memref<128x16xf32, #tpu.memory_space<vmem>>)
      %dma_start3A_233 = arith.constant 1 : i32
      %dma_start3A_234 = arith.constant 0 : i32
      %dma_start3A_235 = arith.constant 0 : i32
      %dma_start3A_236 = tpu.memref_slice %arg10[%dma_start3A_233, %dma_start3A_234, %dma_start3A_235] : memref<2x128x272xf32, #tpu.memory_space<vmem>> -> memref<1x128x272xf32, #tpu.memory_space<vmem>>
      %dma_start3A_237 = tpu.memref_squeeze %dma_start3A_236 : memref<1x128x272xf32, #tpu.memory_space<vmem>> -> memref<128x272xf32, #tpu.memory_space<vmem>>
      %dma_start3A_238 = arith.constant 0 : i32
      %dma_start3A_239 = tpu.memref_slice %arg6[%add3A_208, %dma_start3A_238] : memref<163840x272xf32, #tpu.memory_space<hbm>> -> memref<128x272xf32, #tpu.memory_space<hbm>>
      %dma_start3A_240 = arith.constant 0 : i32
      %dma_start3A_241 = tpu.memref_slice %arg6[%add3A_208, %dma_start3A_240] : memref<163840x272xf32, #tpu.memory_space<hbm>> -> memref<128x272xf32, #tpu.memory_space<hbm>>
      %dma_start3A_242 = arith.constant 0 : i32
      %dma_start3A_243 = arith.constant 0 : i32
      %dma_start3A_244 = tpu.memref_slice %arg10[%dma_start3A_233, %dma_start3A_242, %dma_start3A_243] : memref<2x128x272xf32, #tpu.memory_space<vmem>> -> memref<1x128x272xf32, #tpu.memory_space<vmem>>
      %dma_start3A_245 = tpu.memref_squeeze %dma_start3A_244 : memref<1x128x272xf32, #tpu.memory_space<vmem>> -> memref<128x272xf32, #tpu.memory_space<vmem>>
      tpu.enqueue_dma source(%dma_start3A_245 : memref<128x272xf32, #tpu.memory_space<vmem>>) target(%dma_start3A_241 : memref<128x272xf32, #tpu.memory_space<hbm>>) target_semaphore(%arg15 : memref<!tpu.dma_semaphore, #tpu.memory_space<semaphore_mem>>)
      %dma_start3A_246 = arith.constant 1 : i32
      %dma_start3A_247 = arith.constant 0 : i32
      %dma_start3A_248 = arith.constant 0 : i32
      %dma_start3A_249 = tpu.memref_slice %arg11[%dma_start3A_246, %dma_start3A_247, %dma_start3A_248] : memref<2x128x16xf32, #tpu.memory_space<vmem>> -> memref<1x128x16xf32, #tpu.memory_space<vmem>>
      %dma_start3A_250 = tpu.memref_squeeze %dma_start3A_249 : memref<1x128x16xf32, #tpu.memory_space<vmem>> -> memref<128x16xf32, #tpu.memory_space<vmem>>
      %dma_start3A_251 = arith.constant 0 : i32
      %dma_start3A_252 = tpu.memref_slice %arg7[%add3A_208, %dma_start3A_251] : memref<163840x16xf32, #tpu.memory_space<hbm>> -> memref<128x16xf32, #tpu.memory_space<hbm>>
      %dma_start3A_253 = arith.constant 0 : i32
      %dma_start3A_254 = tpu.memref_slice %arg7[%add3A_208, %dma_start3A_253] : memref<163840x16xf32, #tpu.memory_space<hbm>> -> memref<128x16xf32, #tpu.memory_space<hbm>>
      %dma_start3A_255 = arith.constant 0 : i32
      %dma_start3A_256 = arith.constant 0 : i32
      %dma_start3A_257 = tpu.memref_slice %arg11[%dma_start3A_246, %dma_start3A_255, %dma_start3A_256] : memref<2x128x16xf32, #tpu.memory_space<vmem>> -> memref<1x128x16xf32, #tpu.memory_space<vmem>>
      %dma_start3A_258 = tpu.memref_squeeze %dma_start3A_257 : memref<1x128x16xf32, #tpu.memory_space<vmem>> -> memref<128x16xf32, #tpu.memory_space<vmem>>
      tpu.enqueue_dma source(%dma_start3A_258 : memref<128x16xf32, #tpu.memory_space<vmem>>) target(%dma_start3A_254 : memref<128x16xf32, #tpu.memory_space<hbm>>) target_semaphore(%arg15 : memref<!tpu.dma_semaphore, #tpu.memory_space<semaphore_mem>>)
    }
    %scan3A_5 = arith.constant 20 : i32
    %mul3A_6 = arith.constant 5120 : i32
    %mul3A_7 = arith.muli %add3A, %mul3A_6 : i32
    %add3A_8 = arith.constant 4864 : i32
    %add3A_9 = arith.addi %mul3A_7, %add3A_8 : i32
    %dma_wait3A = arith.constant 0 : i32
    %dma_wait3A_10 = arith.constant 0 : i32
    %dma_wait3A_11 = arith.constant 0 : i32
    %dma_wait3A_12 = tpu.memref_slice %arg10[%dma_wait3A, %dma_wait3A_10, %dma_wait3A_11] : memref<2x128x272xf32, #tpu.memory_space<vmem>> -> memref<1x128x272xf32, #tpu.memory_space<vmem>>
    %dma_wait3A_13 = tpu.memref_squeeze %dma_wait3A_12 : memref<1x128x272xf32, #tpu.memory_space<vmem>> -> memref<128x272xf32, #tpu.memory_space<vmem>>
    %dma_wait3A_14 = arith.constant 0 : i32
    %dma_wait3A_15 = tpu.memref_slice %arg6[%add3A_9, %dma_wait3A_14] : memref<163840x272xf32, #tpu.memory_space<hbm>> -> memref<128x272xf32, #tpu.memory_space<hbm>>
    %dma_wait3A_16 = arith.constant 0 : i32
    %dma_wait3A_17 = tpu.memref_slice %arg6[%add3A_9, %dma_wait3A_16] : memref<163840x272xf32, #tpu.memory_space<hbm>> -> memref<128x272xf32, #tpu.memory_space<hbm>>
    %dma_wait3A_18 = arith.constant 0 : i32
    %dma_wait3A_19 = arith.constant 0 : i32
    %dma_wait3A_20 = tpu.memref_slice %arg10[%dma_wait3A, %dma_wait3A_18, %dma_wait3A_19] : memref<2x128x272xf32, #tpu.memory_space<vmem>> -> memref<1x128x272xf32, #tpu.memory_space<vmem>>
    %dma_wait3A_21 = tpu.memref_squeeze %dma_wait3A_20 : memref<1x128x272xf32, #tpu.memory_space<vmem>> -> memref<128x272xf32, #tpu.memory_space<vmem>>
    tpu.wait_dma2 semaphore(%arg14 : memref<!tpu.dma_semaphore, #tpu.memory_space<semaphore_mem>>) src(%dma_wait3A_21 : memref<128x272xf32, #tpu.memory_space<vmem>>) dst(%dma_wait3A_17 : memref<128x272xf32, #tpu.memory_space<hbm>>)
    %dma_wait3A_22 = arith.constant 0 : i32
    %dma_wait3A_23 = arith.constant 0 : i32
    %dma_wait3A_24 = arith.constant 0 : i32
    %dma_wait3A_25 = tpu.memref_slice %arg11[%dma_wait3A_22, %dma_wait3A_23, %dma_wait3A_24] : memref<2x128x16xf32, #tpu.memory_space<vmem>> -> memref<1x128x16xf32, #tpu.memory_space<vmem>>
    %dma_wait3A_26 = tpu.memref_squeeze %dma_wait3A_25 : memref<1x128x16xf32, #tpu.memory_space<vmem>> -> memref<128x16xf32, #tpu.memory_space<vmem>>
    %dma_wait3A_27 = arith.constant 0 : i32
    %dma_wait3A_28 = tpu.memref_slice %arg7[%add3A_9, %dma_wait3A_27] : memref<163840x16xf32, #tpu.memory_space<hbm>> -> memref<128x16xf32, #tpu.memory_space<hbm>>
    %dma_wait3A_29 = arith.constant 0 : i32
    %dma_wait3A_30 = tpu.memref_slice %arg7[%add3A_9, %dma_wait3A_29] : memref<163840x16xf32, #tpu.memory_space<hbm>> -> memref<128x16xf32, #tpu.memory_space<hbm>>
    %dma_wait3A_31 = arith.constant 0 : i32
    %dma_wait3A_32 = arith.constant 0 : i32
    %dma_wait3A_33 = tpu.memref_slice %arg11[%dma_wait3A_22, %dma_wait3A_31, %dma_wait3A_32] : memref<2x128x16xf32, #tpu.memory_space<vmem>> -> memref<1x128x16xf32, #tpu.memory_space<vmem>>
    %dma_wait3A_34 = tpu.memref_squeeze %dma_wait3A_33 : memref<1x128x16xf32, #tpu.memory_space<vmem>> -> memref<128x16xf32, #tpu.memory_space<vmem>>
    tpu.wait_dma2 semaphore(%arg14 : memref<!tpu.dma_semaphore, #tpu.memory_space<semaphore_mem>>) src(%dma_wait3A_34 : memref<128x16xf32, #tpu.memory_space<vmem>>) dst(%dma_wait3A_30 : memref<128x16xf32, #tpu.memory_space<hbm>>)
    %mul3A_35 = arith.constant 5120 : i32
    %mul3A_36 = arith.muli %add3A, %mul3A_35 : i32
    %add3A_37 = arith.constant 4992 : i32
    %add3A_38 = arith.addi %mul3A_36, %add3A_37 : i32
    %dma_wait3A_39 = arith.constant 1 : i32
    %dma_wait3A_40 = arith.constant 0 : i32
    %dma_wait3A_41 = arith.constant 0 : i32
    %dma_wait3A_42 = tpu.memref_slice %arg10[%dma_wait3A_39, %dma_wait3A_40, %dma_wait3A_41] : memref<2x128x272xf32, #tpu.memory_space<vmem>> -> memref<1x128x272xf32, #tpu.memory_space<vmem>>
    %dma_wait3A_43 = tpu.memref_squeeze %dma_wait3A_42 : memref<1x128x272xf32, #tpu.memory_space<vmem>> -> memref<128x272xf32, #tpu.memory_space<vmem>>
    %dma_wait3A_44 = arith.constant 0 : i32
    %dma_wait3A_45 = tpu.memref_slice %arg6[%add3A_38, %dma_wait3A_44] : memref<163840x272xf32, #tpu.memory_space<hbm>> -> memref<128x272xf32, #tpu.memory_space<hbm>>
    %dma_wait3A_46 = arith.constant 0 : i32
    %dma_wait3A_47 = tpu.memref_slice %arg6[%add3A_38, %dma_wait3A_46] : memref<163840x272xf32, #tpu.memory_space<hbm>> -> memref<128x272xf32, #tpu.memory_space<hbm>>
    %dma_wait3A_48 = arith.constant 0 : i32
    %dma_wait3A_49 = arith.constant 0 : i32
    %dma_wait3A_50 = tpu.memref_slice %arg10[%dma_wait3A_39, %dma_wait3A_48, %dma_wait3A_49] : memref<2x128x272xf32, #tpu.memory_space<vmem>> -> memref<1x128x272xf32, #tpu.memory_space<vmem>>
    %dma_wait3A_51 = tpu.memref_squeeze %dma_wait3A_50 : memref<1x128x272xf32, #tpu.memory_space<vmem>> -> memref<128x272xf32, #tpu.memory_space<vmem>>
    tpu.wait_dma2 semaphore(%arg15 : memref<!tpu.dma_semaphore, #tpu.memory_space<semaphore_mem>>) src(%dma_wait3A_51 : memref<128x272xf32, #tpu.memory_space<vmem>>) dst(%dma_wait3A_47 : memref<128x272xf32, #tpu.memory_space<hbm>>)
    %dma_wait3A_52 = arith.constant 1 : i32
    %dma_wait3A_53 = arith.constant 0 : i32
    %dma_wait3A_54 = arith.constant 0 : i32
    %dma_wait3A_55 = tpu.memref_slice %arg11[%dma_wait3A_52, %dma_wait3A_53, %dma_wait3A_54] : memref<2x128x16xf32, #tpu.memory_space<vmem>> -> memref<1x128x16xf32, #tpu.memory_space<vmem>>
    %dma_wait3A_56 = tpu.memref_squeeze %dma_wait3A_55 : memref<1x128x16xf32, #tpu.memory_space<vmem>> -> memref<128x16xf32, #tpu.memory_space<vmem>>
    %dma_wait3A_57 = arith.constant 0 : i32
    %dma_wait3A_58 = tpu.memref_slice %arg7[%add3A_38, %dma_wait3A_57] : memref<163840x16xf32, #tpu.memory_space<hbm>> -> memref<128x16xf32, #tpu.memory_space<hbm>>
    %dma_wait3A_59 = arith.constant 0 : i32
    %dma_wait3A_60 = tpu.memref_slice %arg7[%add3A_38, %dma_wait3A_59] : memref<163840x16xf32, #tpu.memory_space<hbm>> -> memref<128x16xf32, #tpu.memory_space<hbm>>
    %dma_wait3A_61 = arith.constant 0 : i32
    %dma_wait3A_62 = arith.constant 0 : i32
    %dma_wait3A_63 = tpu.memref_slice %arg11[%dma_wait3A_52, %dma_wait3A_61, %dma_wait3A_62] : memref<2x128x16xf32, #tpu.memory_space<vmem>> -> memref<1x128x16xf32, #tpu.memory_space<vmem>>
    %dma_wait3A_64 = tpu.memref_squeeze %dma_wait3A_63 : memref<1x128x16xf32, #tpu.memory_space<vmem>> -> memref<128x16xf32, #tpu.memory_space<vmem>>
    tpu.wait_dma2 semaphore(%arg15 : memref<!tpu.dma_semaphore, #tpu.memory_space<semaphore_mem>>) src(%dma_wait3A_64 : memref<128x16xf32, #tpu.memory_space<vmem>>) dst(%dma_wait3A_60 : memref<128x16xf32, #tpu.memory_space<hbm>>)
    return
  }
}

#map = affine_map<(d0, d1) -> (0, 0)>
#map1 = affine_map<(d0, d1) -> (0)>
module attributes {stable_mosaic.version = 14 : i64} {
  func.func @k(%arg0: i32, %arg1: i32, %arg2: memref<163840x288xf32, #tpu.memory_space<hbm>>, %arg3: memref<163840xi32, #tpu.memory_space<hbm>>, %arg4: memref<64x144xf32, #tpu.memory_space<hbm>>, %arg5: memref<10000x256xf32, #tpu.memory_space<hbm>>, %arg6: memref<10000x16xf32, #tpu.memory_space<hbm>>, %arg7: memref<128xi32, #tpu.memory_space<vmem>>, %arg8: memref<128x144xf32, #tpu.memory_space<vmem>>, %arg9: memref<64x144xf32, #tpu.memory_space<vmem>>, %arg10: memref<125x128xf32, #tpu.memory_space<vmem>>, %arg11: memref<125x16xf32, #tpu.memory_space<vmem>>, %arg12: memref<5120x144xf32, #tpu.memory_space<vmem_shared>>, %arg13: memref<!tpu.dma_semaphore, #tpu.memory_space<semaphore_mem>>) attributes {dimension_semantics = [#tpu.dimension_semantics<core_parallel>, #tpu.dimension_semantics<subcore_parallel>], iteration_bounds = array<i64: 2, 16>, scalar_prefetch = 0 : i64, scratch_operands = 7 : i64, tpu.core_type = #tpu.core_type<sc_vector_subcore>, window_params = [{transform_indices = #map}, {transform_indices = #map1}, {transform_indices = #map}, {transform_indices = #map}, {transform_indices = #map}]} {
    %mul3A = arith.constant 144 : i32
    %mul3A_0 = arith.muli %arg0, %mul3A : i32
    %mul3A_1 = arith.constant 128 : i32
    %mul3A_2 = arith.muli %arg0, %mul3A_1 : i32
    "tpu.region"() ({
      %run_scoped3A = tpu.sem_alloc : memref<!tpu.dma_semaphore, #tpu.memory_space<semaphore_mem>>
      tpu.enqueue_dma source(%arg4 : memref<64x144xf32, #tpu.memory_space<hbm>>) target(%arg9 : memref<64x144xf32, #tpu.memory_space<vmem>>) target_semaphore(%run_scoped3A : memref<!tpu.dma_semaphore, #tpu.memory_space<semaphore_mem>>)
      tpu.wait_dma2 semaphore(%run_scoped3A : memref<!tpu.dma_semaphore, #tpu.memory_space<semaphore_mem>>) src(%arg4 : memref<64x144xf32, #tpu.memory_space<hbm>>) dst(%arg9 : memref<64x144xf32, #tpu.memory_space<vmem>>)
      tpu.yield
    }) : () -> ()
    %mul3A_3 = arith.constant 320 : i32
    %mul3A_4 = arith.muli %arg1, %mul3A_3 : i32
    %add3A = arith.constant 0 : i32
    %add3A_5 = arith.addi %mul3A_4, %add3A : i32
    "tpu.region"() ({
      %run_scoped3A = tpu.sem_alloc : memref<!tpu.dma_semaphore, #tpu.memory_space<semaphore_mem>>
      %dma_start3A = arith.constant 0 : i32
      %dma_start3A_97 = tpu.memref_slice %arg12[%add3A_5, %dma_start3A] : memref<5120x144xf32, #tpu.memory_space<vmem_shared>> -> memref<64x144xf32, #tpu.memory_space<vmem_shared>>
      %dma_start3A_98 = arith.constant 0 : i32
      %dma_start3A_99 = tpu.memref_slice %arg12[%add3A_5, %dma_start3A_98] : memref<5120x144xf32, #tpu.memory_space<vmem_shared>> -> memref<64x144xf32, #tpu.memory_space<vmem_shared>>
      tpu.enqueue_dma source(%arg9 : memref<64x144xf32, #tpu.memory_space<vmem>>) target(%dma_start3A_99 : memref<64x144xf32, #tpu.memory_space<vmem_shared>>) target_semaphore(%run_scoped3A : memref<!tpu.dma_semaphore, #tpu.memory_space<semaphore_mem>>)
      %dma_wait3A = arith.constant 0 : i32
      %dma_wait3A_100 = tpu.memref_slice %arg12[%add3A_5, %dma_wait3A] : memref<5120x144xf32, #tpu.memory_space<vmem_shared>> -> memref<64x144xf32, #tpu.memory_space<vmem_shared>>
      %dma_wait3A_101 = arith.constant 0 : i32
      %dma_wait3A_102 = tpu.memref_slice %arg12[%add3A_5, %dma_wait3A_101] : memref<5120x144xf32, #tpu.memory_space<vmem_shared>> -> memref<64x144xf32, #tpu.memory_space<vmem_shared>>
      tpu.wait_dma2 semaphore(%run_scoped3A : memref<!tpu.dma_semaphore, #tpu.memory_space<semaphore_mem>>) src(%arg9 : memref<64x144xf32, #tpu.memory_space<vmem>>) dst(%dma_wait3A_102 : memref<64x144xf32, #tpu.memory_space<vmem_shared>>)
      tpu.yield
    }) : () -> ()
    %mul3A_6 = arith.constant 320 : i32
    %mul3A_7 = arith.muli %arg1, %mul3A_6 : i32
    %add3A_8 = arith.constant 64 : i32
    %add3A_9 = arith.addi %mul3A_7, %add3A_8 : i32
    "tpu.region"() ({
      %run_scoped3A = tpu.sem_alloc : memref<!tpu.dma_semaphore, #tpu.memory_space<semaphore_mem>>
      %dma_start3A = arith.constant 0 : i32
      %dma_start3A_97 = tpu.memref_slice %arg12[%add3A_9, %dma_start3A] : memref<5120x144xf32, #tpu.memory_space<vmem_shared>> -> memref<64x144xf32, #tpu.memory_space<vmem_shared>>
      %dma_start3A_98 = arith.constant 0 : i32
      %dma_start3A_99 = tpu.memref_slice %arg12[%add3A_9, %dma_start3A_98] : memref<5120x144xf32, #tpu.memory_space<vmem_shared>> -> memref<64x144xf32, #tpu.memory_space<vmem_shared>>
      tpu.enqueue_dma source(%arg9 : memref<64x144xf32, #tpu.memory_space<vmem>>) target(%dma_start3A_99 : memref<64x144xf32, #tpu.memory_space<vmem_shared>>) target_semaphore(%run_scoped3A : memref<!tpu.dma_semaphore, #tpu.memory_space<semaphore_mem>>)
      %dma_wait3A = arith.constant 0 : i32
      %dma_wait3A_100 = tpu.memref_slice %arg12[%add3A_9, %dma_wait3A] : memref<5120x144xf32, #tpu.memory_space<vmem_shared>> -> memref<64x144xf32, #tpu.memory_space<vmem_shared>>
      %dma_wait3A_101 = arith.constant 0 : i32
      %dma_wait3A_102 = tpu.memref_slice %arg12[%add3A_9, %dma_wait3A_101] : memref<5120x144xf32, #tpu.memory_space<vmem_shared>> -> memref<64x144xf32, #tpu.memory_space<vmem_shared>>
      tpu.wait_dma2 semaphore(%run_scoped3A : memref<!tpu.dma_semaphore, #tpu.memory_space<semaphore_mem>>) src(%arg9 : memref<64x144xf32, #tpu.memory_space<vmem>>) dst(%dma_wait3A_102 : memref<64x144xf32, #tpu.memory_space<vmem_shared>>)
      tpu.yield
    }) : () -> ()
    %mul3A_10 = arith.constant 320 : i32
    %mul3A_11 = arith.muli %arg1, %mul3A_10 : i32
    %add3A_12 = arith.constant 128 : i32
    %add3A_13 = arith.addi %mul3A_11, %add3A_12 : i32
    "tpu.region"() ({
      %run_scoped3A = tpu.sem_alloc : memref<!tpu.dma_semaphore, #tpu.memory_space<semaphore_mem>>
      %dma_start3A = arith.constant 0 : i32
      %dma_start3A_97 = tpu.memref_slice %arg12[%add3A_13, %dma_start3A] : memref<5120x144xf32, #tpu.memory_space<vmem_shared>> -> memref<64x144xf32, #tpu.memory_space<vmem_shared>>
      %dma_start3A_98 = arith.constant 0 : i32
      %dma_start3A_99 = tpu.memref_slice %arg12[%add3A_13, %dma_start3A_98] : memref<5120x144xf32, #tpu.memory_space<vmem_shared>> -> memref<64x144xf32, #tpu.memory_space<vmem_shared>>
      tpu.enqueue_dma source(%arg9 : memref<64x144xf32, #tpu.memory_space<vmem>>) target(%dma_start3A_99 : memref<64x144xf32, #tpu.memory_space<vmem_shared>>) target_semaphore(%run_scoped3A : memref<!tpu.dma_semaphore, #tpu.memory_space<semaphore_mem>>)
      %dma_wait3A = arith.constant 0 : i32
      %dma_wait3A_100 = tpu.memref_slice %arg12[%add3A_13, %dma_wait3A] : memref<5120x144xf32, #tpu.memory_space<vmem_shared>> -> memref<64x144xf32, #tpu.memory_space<vmem_shared>>
      %dma_wait3A_101 = arith.constant 0 : i32
      %dma_wait3A_102 = tpu.memref_slice %arg12[%add3A_13, %dma_wait3A_101] : memref<5120x144xf32, #tpu.memory_space<vmem_shared>> -> memref<64x144xf32, #tpu.memory_space<vmem_shared>>
      tpu.wait_dma2 semaphore(%run_scoped3A : memref<!tpu.dma_semaphore, #tpu.memory_space<semaphore_mem>>) src(%arg9 : memref<64x144xf32, #tpu.memory_space<vmem>>) dst(%dma_wait3A_102 : memref<64x144xf32, #tpu.memory_space<vmem_shared>>)
      tpu.yield
    }) : () -> ()
    %mul3A_14 = arith.constant 320 : i32
    %mul3A_15 = arith.muli %arg1, %mul3A_14 : i32
    %add3A_16 = arith.constant 192 : i32
    %add3A_17 = arith.addi %mul3A_15, %add3A_16 : i32
    "tpu.region"() ({
      %run_scoped3A = tpu.sem_alloc : memref<!tpu.dma_semaphore, #tpu.memory_space<semaphore_mem>>
      %dma_start3A = arith.constant 0 : i32
      %dma_start3A_97 = tpu.memref_slice %arg12[%add3A_17, %dma_start3A] : memref<5120x144xf32, #tpu.memory_space<vmem_shared>> -> memref<64x144xf32, #tpu.memory_space<vmem_shared>>
      %dma_start3A_98 = arith.constant 0 : i32
      %dma_start3A_99 = tpu.memref_slice %arg12[%add3A_17, %dma_start3A_98] : memref<5120x144xf32, #tpu.memory_space<vmem_shared>> -> memref<64x144xf32, #tpu.memory_space<vmem_shared>>
      tpu.enqueue_dma source(%arg9 : memref<64x144xf32, #tpu.memory_space<vmem>>) target(%dma_start3A_99 : memref<64x144xf32, #tpu.memory_space<vmem_shared>>) target_semaphore(%run_scoped3A : memref<!tpu.dma_semaphore, #tpu.memory_space<semaphore_mem>>)
      %dma_wait3A = arith.constant 0 : i32
      %dma_wait3A_100 = tpu.memref_slice %arg12[%add3A_17, %dma_wait3A] : memref<5120x144xf32, #tpu.memory_space<vmem_shared>> -> memref<64x144xf32, #tpu.memory_space<vmem_shared>>
      %dma_wait3A_101 = arith.constant 0 : i32
      %dma_wait3A_102 = tpu.memref_slice %arg12[%add3A_17, %dma_wait3A_101] : memref<5120x144xf32, #tpu.memory_space<vmem_shared>> -> memref<64x144xf32, #tpu.memory_space<vmem_shared>>
      tpu.wait_dma2 semaphore(%run_scoped3A : memref<!tpu.dma_semaphore, #tpu.memory_space<semaphore_mem>>) src(%arg9 : memref<64x144xf32, #tpu.memory_space<vmem>>) dst(%dma_wait3A_102 : memref<64x144xf32, #tpu.memory_space<vmem_shared>>)
      tpu.yield
    }) : () -> ()
    %mul3A_18 = arith.constant 320 : i32
    %mul3A_19 = arith.muli %arg1, %mul3A_18 : i32
    %add3A_20 = arith.constant 256 : i32
    %add3A_21 = arith.addi %mul3A_19, %add3A_20 : i32
    "tpu.region"() ({
      %run_scoped3A = tpu.sem_alloc : memref<!tpu.dma_semaphore, #tpu.memory_space<semaphore_mem>>
      %dma_start3A = arith.constant 0 : i32
      %dma_start3A_97 = tpu.memref_slice %arg12[%add3A_21, %dma_start3A] : memref<5120x144xf32, #tpu.memory_space<vmem_shared>> -> memref<64x144xf32, #tpu.memory_space<vmem_shared>>
      %dma_start3A_98 = arith.constant 0 : i32
      %dma_start3A_99 = tpu.memref_slice %arg12[%add3A_21, %dma_start3A_98] : memref<5120x144xf32, #tpu.memory_space<vmem_shared>> -> memref<64x144xf32, #tpu.memory_space<vmem_shared>>
      tpu.enqueue_dma source(%arg9 : memref<64x144xf32, #tpu.memory_space<vmem>>) target(%dma_start3A_99 : memref<64x144xf32, #tpu.memory_space<vmem_shared>>) target_semaphore(%run_scoped3A : memref<!tpu.dma_semaphore, #tpu.memory_space<semaphore_mem>>)
      %dma_wait3A = arith.constant 0 : i32
      %dma_wait3A_100 = tpu.memref_slice %arg12[%add3A_21, %dma_wait3A] : memref<5120x144xf32, #tpu.memory_space<vmem_shared>> -> memref<64x144xf32, #tpu.memory_space<vmem_shared>>
      %dma_wait3A_101 = arith.constant 0 : i32
      %dma_wait3A_102 = tpu.memref_slice %arg12[%add3A_21, %dma_wait3A_101] : memref<5120x144xf32, #tpu.memory_space<vmem_shared>> -> memref<64x144xf32, #tpu.memory_space<vmem_shared>>
      tpu.wait_dma2 semaphore(%run_scoped3A : memref<!tpu.dma_semaphore, #tpu.memory_space<semaphore_mem>>) src(%arg9 : memref<64x144xf32, #tpu.memory_space<vmem>>) dst(%dma_wait3A_102 : memref<64x144xf32, #tpu.memory_space<vmem_shared>>)
      tpu.yield
    }) : () -> ()
    %barrier3A = arith.constant 0 : index
    tpu.barrier barrier_id(%barrier3A)
    %scan3A = arith.constant 0 : i32
    %scan3A_22 = arith.constant 0 : i32
    %scan3A_23 = arith.constant 80 : i32
    %scan3A_24 = arith.addi %scan3A_22, %scan3A_23 : i32
    %scan3A_25 = arith.constant 1 : i32
    scf.for %scan3A_97 = %scan3A_22 to %scan3A_24 step %scan3A_25  : i32 {
      %mul3A_98 = arith.constant 10240 : i32
      %mul3A_99 = arith.muli %arg1, %mul3A_98 : i32
      %mul3A_100 = arith.constant 128 : i32
      %mul3A_101 = arith.muli %scan3A_97, %mul3A_100 : i32
      %add3A_102 = arith.addi %mul3A_99, %mul3A_101 : i32
      "tpu.region"() ({
        %run_scoped3A = tpu.sem_alloc : memref<!tpu.dma_semaphore, #tpu.memory_space<semaphore_mem>>
        %dma_start3A = tpu.memref_slice %arg3[%add3A_102] : memref<163840xi32, #tpu.memory_space<hbm>> -> memref<128xi32, #tpu.memory_space<hbm>>
        %dma_start3A_126 = tpu.memref_slice %arg3[%add3A_102] : memref<163840xi32, #tpu.memory_space<hbm>> -> memref<128xi32, #tpu.memory_space<hbm>>
        tpu.enqueue_dma source(%dma_start3A_126 : memref<128xi32, #tpu.memory_space<hbm>>) target(%arg7 : memref<128xi32, #tpu.memory_space<vmem>>) target_semaphore(%run_scoped3A : memref<!tpu.dma_semaphore, #tpu.memory_space<semaphore_mem>>)
        %dma_wait3A = tpu.memref_slice %arg3[%add3A_102] : memref<163840xi32, #tpu.memory_space<hbm>> -> memref<128xi32, #tpu.memory_space<hbm>>
        %dma_wait3A_127 = tpu.memref_slice %arg3[%add3A_102] : memref<163840xi32, #tpu.memory_space<hbm>> -> memref<128xi32, #tpu.memory_space<hbm>>
        tpu.wait_dma2 semaphore(%run_scoped3A : memref<!tpu.dma_semaphore, #tpu.memory_space<semaphore_mem>>) src(%dma_wait3A_127 : memref<128xi32, #tpu.memory_space<hbm>>) dst(%arg7 : memref<128xi32, #tpu.memory_space<vmem>>)
        tpu.yield
      }) : () -> ()
      %get3A = arith.constant 0 : index
      %get3A_103 = tpu.vector_load %arg7[%get3A] {strides = array<i32>} : memref<128xi32, #tpu.memory_space<vmem>>, vector<16xi32>,
      %reduce_min3A = arith.constant true
      %reduce_min3A_104 = vector.broadcast %reduce_min3A : i1 to vector<16xi1>
      %reduce_min3A_105 = arith.constant -2147483648 : i32
      %reduce_min3A_106 = vector.broadcast %reduce_min3A_105 : i32 to vector<16xi32>
      %reduce_min3A_107 = arith.xori %get3A_103, %reduce_min3A_106 : vector<16xi32>
      %reduce_min3A_108 = tpu.scan <min>, %reduce_min3A_107 masked %reduce_min3A_104 : vector<16xi32>, vector<16xi1> -> vector<16xi32>
      %reduce_min3A_109 = arith.xori %reduce_min3A_108, %reduce_min3A_106 : vector<16xi32>
      %reduce_min3A_110 = vector.extract %reduce_min3A_109[15] : i32 from vector<16xi32>
      %get3A_111 = arith.constant 112 : index
      %get3A_112 = tpu.vector_load %arg7[%get3A_111] {strides = array<i32>} : memref<128xi32, #tpu.memory_space<vmem>>, vector<16xi32>,
      %reduce_max3A = arith.constant true
      %reduce_max3A_113 = vector.broadcast %reduce_max3A : i1 to vector<16xi1>
      %reduce_max3A_114 = arith.constant -2147483648 : i32
      %reduce_max3A_115 = vector.broadcast %reduce_max3A_114 : i32 to vector<16xi32>
      %reduce_max3A_116 = arith.xori %get3A_112, %reduce_max3A_115 : vector<16xi32>
      %reduce_max3A_117 = tpu.scan <max>, %reduce_max3A_116 masked %reduce_max3A_113 : vector<16xi32>, vector<16xi1> -> vector<16xi32>
      %reduce_max3A_118 = arith.xori %reduce_max3A_117, %reduce_max3A_115 : vector<16xi32>
      %reduce_max3A_119 = vector.extract %reduce_max3A_118[15] : i32 from vector<16xi32>
      %ge3A = arith.constant 0 : i32
      %ge3A_120 = arith.cmpi sge, %reduce_max3A_119, %ge3A : i32
      %lt3A_121 = arith.constant 5000 : i32
      %lt3A_122 = arith.cmpi slt, %reduce_min3A_110, %lt3A_121 : i32
      %and3A = arith.andi %ge3A_120, %lt3A_122 : i1
      %convert_element_type3A_123 = arith.extui %and3A : i1 to i32
      %cond3A_124 = arith.constant 0 : i32
      %cond3A_125 = arith.cmpi ne, %convert_element_type3A_123, %cond3A_124 : i32
      scf.if %cond3A_125 {
        %get3A_126 = arith.constant 0 : index
        %get3A_127 = tpu.vector_load %arg7[%get3A_126] {strides = array<i32>} : memref<128xi32, #tpu.memory_space<vmem>>, vector<16xi32>,
        %sub3A = arith.constant 0 : i32
        %sub3A_128 = vector.broadcast %sub3A : i32 to vector<16xi32>
        %sub3A_129 = arith.subi %get3A_127, %sub3A_128 : vector<16xi32>
        %ge3A_130 = arith.constant 0 : i32
        %ge3A_131 = vector.broadcast %ge3A_130 : i32 to vector<16xi32>
        %ge3A_132 = arith.cmpi sge, %sub3A_129, %ge3A_131 : vector<16xi32>
        %lt3A_133 = arith.constant 5000 : i32
        %lt3A_134 = vector.broadcast %lt3A_133 : i32 to vector<16xi32>
        %lt3A_135 = arith.cmpi slt, %sub3A_129, %lt3A_134 : vector<16xi32>
        %and3A_136 = arith.andi %ge3A_132, %lt3A_135 : vector<16xi1>
        %jit3A = arith.constant 5000 : i32
        %broadcast_in_dim3A = vector.broadcast %jit3A : i32 to vector<16xi32>
        %select_n3A = arith.select %and3A_136, %sub3A_129, %broadcast_in_dim3A : vector<16xi1>, vector<16xi32>
        %swap3A = arith.constant 0 : index
        %swap3A_137 = tpu.vector_load %arg7[%swap3A] {strides = array<i32>} : memref<128xi32, #tpu.memory_space<vmem>>, vector<16xi32>,
        tpu.vector_store %arg7[%swap3A], %select_n3A {strides = array<i32>} : memref<128xi32, #tpu.memory_space<vmem>>, vector<16xi32>,
        %get3A_138 = arith.constant 16 : index
        %get3A_139 = tpu.vector_load %arg7[%get3A_138] {strides = array<i32>} : memref<128xi32, #tpu.memory_space<vmem>>, vector<16xi32>,
        %sub3A_140 = arith.constant 0 : i32
        %sub3A_141 = vector.broadcast %sub3A_140 : i32 to vector<16xi32>
        %sub3A_142 = arith.subi %get3A_139, %sub3A_141 : vector<16xi32>
        %ge3A_143 = arith.constant 0 : i32
        %ge3A_144 = vector.broadcast %ge3A_143 : i32 to vector<16xi32>
        %ge3A_145 = arith.cmpi sge, %sub3A_142, %ge3A_144 : vector<16xi32>
        %lt3A_146 = arith.constant 5000 : i32
        %lt3A_147 = vector.broadcast %lt3A_146 : i32 to vector<16xi32>
        %lt3A_148 = arith.cmpi slt, %sub3A_142, %lt3A_147 : vector<16xi32>
        %and3A_149 = arith.andi %ge3A_145, %lt3A_148 : vector<16xi1>
        %jit3A_150 = arith.constant 5000 : i32
        %broadcast_in_dim3A_151 = vector.broadcast %jit3A_150 : i32 to vector<16xi32>
        %select_n3A_152 = arith.select %and3A_149, %sub3A_142, %broadcast_in_dim3A_151 : vector<16xi1>, vector<16xi32>
        %swap3A_153 = arith.constant 16 : index
        %swap3A_154 = tpu.vector_load %arg7[%swap3A_153] {strides = array<i32>} : memref<128xi32, #tpu.memory_space<vmem>>, vector<16xi32>,
        tpu.vector_store %arg7[%swap3A_153], %select_n3A_152 {strides = array<i32>} : memref<128xi32, #tpu.memory_space<vmem>>, vector<16xi32>,
        %get3A_155 = arith.constant 32 : index
        %get3A_156 = tpu.vector_load %arg7[%get3A_155] {strides = array<i32>} : memref<128xi32, #tpu.memory_space<vmem>>, vector<16xi32>,
        %sub3A_157 = arith.constant 0 : i32
        %sub3A_158 = vector.broadcast %sub3A_157 : i32 to vector<16xi32>
        %sub3A_159 = arith.subi %get3A_156, %sub3A_158 : vector<16xi32>
        %ge3A_160 = arith.constant 0 : i32
        %ge3A_161 = vector.broadcast %ge3A_160 : i32 to vector<16xi32>
        %ge3A_162 = arith.cmpi sge, %sub3A_159, %ge3A_161 : vector<16xi32>
        %lt3A_163 = arith.constant 5000 : i32
        %lt3A_164 = vector.broadcast %lt3A_163 : i32 to vector<16xi32>
        %lt3A_165 = arith.cmpi slt, %sub3A_159, %lt3A_164 : vector<16xi32>
        %and3A_166 = arith.andi %ge3A_162, %lt3A_165 : vector<16xi1>
        %jit3A_167 = arith.constant 5000 : i32
        %broadcast_in_dim3A_168 = vector.broadcast %jit3A_167 : i32 to vector<16xi32>
        %select_n3A_169 = arith.select %and3A_166, %sub3A_159, %broadcast_in_dim3A_168 : vector<16xi1>, vector<16xi32>
        %swap3A_170 = arith.constant 32 : index
        %swap3A_171 = tpu.vector_load %arg7[%swap3A_170] {strides = array<i32>} : memref<128xi32, #tpu.memory_space<vmem>>, vector<16xi32>,
        tpu.vector_store %arg7[%swap3A_170], %select_n3A_169 {strides = array<i32>} : memref<128xi32, #tpu.memory_space<vmem>>, vector<16xi32>,
        %get3A_172 = arith.constant 48 : index
        %get3A_173 = tpu.vector_load %arg7[%get3A_172] {strides = array<i32>} : memref<128xi32, #tpu.memory_space<vmem>>, vector<16xi32>,
        %sub3A_174 = arith.constant 0 : i32
        %sub3A_175 = vector.broadcast %sub3A_174 : i32 to vector<16xi32>
        %sub3A_176 = arith.subi %get3A_173, %sub3A_175 : vector<16xi32>
        %ge3A_177 = arith.constant 0 : i32
        %ge3A_178 = vector.broadcast %ge3A_177 : i32 to vector<16xi32>
        %ge3A_179 = arith.cmpi sge, %sub3A_176, %ge3A_178 : vector<16xi32>
        %lt3A_180 = arith.constant 5000 : i32
        %lt3A_181 = vector.broadcast %lt3A_180 : i32 to vector<16xi32>
        %lt3A_182 = arith.cmpi slt, %sub3A_176, %lt3A_181 : vector<16xi32>
        %and3A_183 = arith.andi %ge3A_179, %lt3A_182 : vector<16xi1>
        %jit3A_184 = arith.constant 5000 : i32
        %broadcast_in_dim3A_185 = vector.broadcast %jit3A_184 : i32 to vector<16xi32>
        %select_n3A_186 = arith.select %and3A_183, %sub3A_176, %broadcast_in_dim3A_185 : vector<16xi1>, vector<16xi32>
        %swap3A_187 = arith.constant 48 : index
        %swap3A_188 = tpu.vector_load %arg7[%swap3A_187] {strides = array<i32>} : memref<128xi32, #tpu.memory_space<vmem>>, vector<16xi32>,
        tpu.vector_store %arg7[%swap3A_187], %select_n3A_186 {strides = array<i32>} : memref<128xi32, #tpu.memory_space<vmem>>, vector<16xi32>,
        %get3A_189 = arith.constant 64 : index
        %get3A_190 = tpu.vector_load %arg7[%get3A_189] {strides = array<i32>} : memref<128xi32, #tpu.memory_space<vmem>>, vector<16xi32>,
        %sub3A_191 = arith.constant 0 : i32
        %sub3A_192 = vector.broadcast %sub3A_191 : i32 to vector<16xi32>
        %sub3A_193 = arith.subi %get3A_190, %sub3A_192 : vector<16xi32>
        %ge3A_194 = arith.constant 0 : i32
        %ge3A_195 = vector.broadcast %ge3A_194 : i32 to vector<16xi32>
        %ge3A_196 = arith.cmpi sge, %sub3A_193, %ge3A_195 : vector<16xi32>
        %lt3A_197 = arith.constant 5000 : i32
        %lt3A_198 = vector.broadcast %lt3A_197 : i32 to vector<16xi32>
        %lt3A_199 = arith.cmpi slt, %sub3A_193, %lt3A_198 : vector<16xi32>
        %and3A_200 = arith.andi %ge3A_196, %lt3A_199 : vector<16xi1>
        %jit3A_201 = arith.constant 5000 : i32
        %broadcast_in_dim3A_202 = vector.broadcast %jit3A_201 : i32 to vector<16xi32>
        %select_n3A_203 = arith.select %and3A_200, %sub3A_193, %broadcast_in_dim3A_202 : vector<16xi1>, vector<16xi32>
        %swap3A_204 = arith.constant 64 : index
        %swap3A_205 = tpu.vector_load %arg7[%swap3A_204] {strides = array<i32>} : memref<128xi32, #tpu.memory_space<vmem>>, vector<16xi32>,
        tpu.vector_store %arg7[%swap3A_204], %select_n3A_203 {strides = array<i32>} : memref<128xi32, #tpu.memory_space<vmem>>, vector<16xi32>,
        %get3A_206 = arith.constant 80 : index
        %get3A_207 = tpu.vector_load %arg7[%get3A_206] {strides = array<i32>} : memref<128xi32, #tpu.memory_space<vmem>>, vector<16xi32>,
        %sub3A_208 = arith.constant 0 : i32
        %sub3A_209 = vector.broadcast %sub3A_208 : i32 to vector<16xi32>
        %sub3A_210 = arith.subi %get3A_207, %sub3A_209 : vector<16xi32>
        %ge3A_211 = arith.constant 0 : i32
        %ge3A_212 = vector.broadcast %ge3A_211 : i32 to vector<16xi32>
        %ge3A_213 = arith.cmpi sge, %sub3A_210, %ge3A_212 : vector<16xi32>
        %lt3A_214 = arith.constant 5000 : i32
        %lt3A_215 = vector.broadcast %lt3A_214 : i32 to vector<16xi32>
        %lt3A_216 = arith.cmpi slt, %sub3A_210, %lt3A_215 : vector<16xi32>
        %and3A_217 = arith.andi %ge3A_213, %lt3A_216 : vector<16xi1>
        %jit3A_218 = arith.constant 5000 : i32
        %broadcast_in_dim3A_219 = vector.broadcast %jit3A_218 : i32 to vector<16xi32>
        %select_n3A_220 = arith.select %and3A_217, %sub3A_210, %broadcast_in_dim3A_219 : vector<16xi1>, vector<16xi32>
        %swap3A_221 = arith.constant 80 : index
        %swap3A_222 = tpu.vector_load %arg7[%swap3A_221] {strides = array<i32>} : memref<128xi32, #tpu.memory_space<vmem>>, vector<16xi32>,
        tpu.vector_store %arg7[%swap3A_221], %select_n3A_220 {strides = array<i32>} : memref<128xi32, #tpu.memory_space<vmem>>, vector<16xi32>,
        %get3A_223 = arith.constant 96 : index
        %get3A_224 = tpu.vector_load %arg7[%get3A_223] {strides = array<i32>} : memref<128xi32, #tpu.memory_space<vmem>>, vector<16xi32>,
        %sub3A_225 = arith.constant 0 : i32
        %sub3A_226 = vector.broadcast %sub3A_225 : i32 to vector<16xi32>
        %sub3A_227 = arith.subi %get3A_224, %sub3A_226 : vector<16xi32>
        %ge3A_228 = arith.constant 0 : i32
        %ge3A_229 = vector.broadcast %ge3A_228 : i32 to vector<16xi32>
        %ge3A_230 = arith.cmpi sge, %sub3A_227, %ge3A_229 : vector<16xi32>
        %lt3A_231 = arith.constant 5000 : i32
        %lt3A_232 = vector.broadcast %lt3A_231 : i32 to vector<16xi32>
        %lt3A_233 = arith.cmpi slt, %sub3A_227, %lt3A_232 : vector<16xi32>
        %and3A_234 = arith.andi %ge3A_230, %lt3A_233 : vector<16xi1>
        %jit3A_235 = arith.constant 5000 : i32
        %broadcast_in_dim3A_236 = vector.broadcast %jit3A_235 : i32 to vector<16xi32>
        %select_n3A_237 = arith.select %and3A_234, %sub3A_227, %broadcast_in_dim3A_236 : vector<16xi1>, vector<16xi32>
        %swap3A_238 = arith.constant 96 : index
        %swap3A_239 = tpu.vector_load %arg7[%swap3A_238] {strides = array<i32>} : memref<128xi32, #tpu.memory_space<vmem>>, vector<16xi32>,
        tpu.vector_store %arg7[%swap3A_238], %select_n3A_237 {strides = array<i32>} : memref<128xi32, #tpu.memory_space<vmem>>, vector<16xi32>,
        %get3A_240 = arith.constant 112 : index
        %get3A_241 = tpu.vector_load %arg7[%get3A_240] {strides = array<i32>} : memref<128xi32, #tpu.memory_space<vmem>>, vector<16xi32>,
        %sub3A_242 = arith.constant 0 : i32
        %sub3A_243 = vector.broadcast %sub3A_242 : i32 to vector<16xi32>
        %sub3A_244 = arith.subi %get3A_241, %sub3A_243 : vector<16xi32>
        %ge3A_245 = arith.constant 0 : i32
        %ge3A_246 = vector.broadcast %ge3A_245 : i32 to vector<16xi32>
        %ge3A_247 = arith.cmpi sge, %sub3A_244, %ge3A_246 : vector<16xi32>
        %lt3A_248 = arith.constant 5000 : i32
        %lt3A_249 = vector.broadcast %lt3A_248 : i32 to vector<16xi32>
        %lt3A_250 = arith.cmpi slt, %sub3A_244, %lt3A_249 : vector<16xi32>
        %and3A_251 = arith.andi %ge3A_247, %lt3A_250 : vector<16xi1>
        %jit3A_252 = arith.constant 5000 : i32
        %broadcast_in_dim3A_253 = vector.broadcast %jit3A_252 : i32 to vector<16xi32>
        %select_n3A_254 = arith.select %and3A_251, %sub3A_244, %broadcast_in_dim3A_253 : vector<16xi1>, vector<16xi32>
        %swap3A_255 = arith.constant 112 : index
        %swap3A_256 = tpu.vector_load %arg7[%swap3A_255] {strides = array<i32>} : memref<128xi32, #tpu.memory_space<vmem>>, vector<16xi32>,
        tpu.vector_store %arg7[%swap3A_255], %select_n3A_254 {strides = array<i32>} : memref<128xi32, #tpu.memory_space<vmem>>, vector<16xi32>,
        "tpu.region"() ({
          %run_scoped3A = tpu.sem_alloc : memref<!tpu.dma_semaphore, #tpu.memory_space<semaphore_mem>>
          %dma_start3A = tpu.memref_slice %arg2[%add3A_102, %mul3A_0] : memref<163840x288xf32, #tpu.memory_space<hbm>> -> memref<128x144xf32, #tpu.memory_space<hbm>>
          %dma_start3A_257 = tpu.memref_slice %arg2[%add3A_102, %mul3A_0] : memref<163840x288xf32, #tpu.memory_space<hbm>> -> memref<128x144xf32, #tpu.memory_space<hbm>>
          tpu.enqueue_dma source(%dma_start3A_257 : memref<128x144xf32, #tpu.memory_space<hbm>>) target(%arg8 : memref<128x144xf32, #tpu.memory_space<vmem>>) target_semaphore(%run_scoped3A : memref<!tpu.dma_semaphore, #tpu.memory_space<semaphore_mem>>)
          %dma_wait3A = tpu.memref_slice %arg2[%add3A_102, %mul3A_0] : memref<163840x288xf32, #tpu.memory_space<hbm>> -> memref<128x144xf32, #tpu.memory_space<hbm>>
          %dma_wait3A_258 = tpu.memref_slice %arg2[%add3A_102, %mul3A_0] : memref<163840x288xf32, #tpu.memory_space<hbm>> -> memref<128x144xf32, #tpu.memory_space<hbm>>
          tpu.wait_dma2 semaphore(%run_scoped3A : memref<!tpu.dma_semaphore, #tpu.memory_space<semaphore_mem>>) src(%dma_wait3A_258 : memref<128x144xf32, #tpu.memory_space<hbm>>) dst(%arg8 : memref<128x144xf32, #tpu.memory_space<vmem>>)
          tpu.yield
        }) : () -> ()
        "tpu.region"() ({
          %run_scoped3A = tpu.sem_alloc : memref<!tpu.dma_semaphore, #tpu.memory_space<semaphore_mem>>
          %dma_start3A = arith.constant 0 : i32
          %dma_start3A_257 = arith.constant 0 : i32
          %dma_start3A_258 = tpu.memref_slice %arg12[%dma_start3A, %dma_start3A_257] : memref<5120x144xf32, #tpu.memory_space<vmem_shared>> -> memref<5120x144xf32, #tpu.memory_space<vmem_shared>>
          tpu.enqueue_indirect_dma source(%arg8 : memref<128x144xf32, #tpu.memory_space<vmem>>) target(%dma_start3A_258 : memref<5120x144xf32, #tpu.memory_space<vmem_shared>>) offsets(%arg7 : memref<128xi32, #tpu.memory_space<vmem>>) semaphore(%run_scoped3A : memref<!tpu.dma_semaphore, #tpu.memory_space<semaphore_mem>>) {add = true}
          %dma_wait3A = arith.constant 0 : i32
          %dma_wait3A_259 = arith.constant 0 : i32
          %dma_wait3A_260 = tpu.memref_slice %arg12[%dma_wait3A, %dma_wait3A_259] : memref<5120x144xf32, #tpu.memory_space<vmem_shared>> -> memref<5120x144xf32, #tpu.memory_space<vmem_shared>>
          tpu.wait_indirect_dma semaphore(%run_scoped3A : memref<!tpu.dma_semaphore, #tpu.memory_space<semaphore_mem>>) src(%arg8 : memref<128x144xf32, #tpu.memory_space<vmem>>) dst(%dma_wait3A_260 : memref<5120x144xf32, #tpu.memory_space<vmem_shared>>)
          tpu.yield
        }) : () -> ()
      } else {
      }
    }
    %scan3A_26 = arith.constant 80 : i32
    %barrier3A_27 = arith.constant 0 : index
    tpu.barrier barrier_id(%barrier3A_27)
    %add3A_28 = arith.constant 0 : i32
    %add3A_29 = arith.addi %add3A_28, %arg1 : i32
    %lt3A = arith.constant 40 : i32
    %lt3A_30 = arith.cmpi slt, %add3A_29, %lt3A : i32
    %convert_element_type3A = arith.extui %lt3A_30 : i1 to i32
    %cond3A = arith.constant 0 : i32
    %cond3A_31 = arith.cmpi ne, %convert_element_type3A, %cond3A : i32
    scf.if %cond3A_31 {
      %mul3A_97 = arith.constant 125 : i32
      %mul3A_98 = arith.muli %add3A_29, %mul3A_97 : i32
      "tpu.region"() ({
        %run_scoped3A = tpu.sem_alloc : memref<!tpu.dma_semaphore, #tpu.memory_space<semaphore_mem>>
        %dma_start3A = arith.constant 0 : i32
        %dma_start3A_105 = tpu.memref_slice %arg12[%mul3A_98, %dma_start3A] : memref<5120x144xf32, #tpu.memory_space<vmem_shared>> -> memref<125x128xf32, #tpu.memory_space<vmem_shared>>
        %dma_start3A_106 = arith.constant 0 : i32
        %dma_start3A_107 = tpu.memref_slice %arg12[%mul3A_98, %dma_start3A_106] : memref<5120x144xf32, #tpu.memory_space<vmem_shared>> -> memref<125x128xf32, #tpu.memory_space<vmem_shared>>
        tpu.enqueue_dma source(%dma_start3A_107 : memref<125x128xf32, #tpu.memory_space<vmem_shared>>) target(%arg10 : memref<125x128xf32, #tpu.memory_space<vmem>>) target_semaphore(%run_scoped3A : memref<!tpu.dma_semaphore, #tpu.memory_space<semaphore_mem>>)
        %dma_wait3A = arith.constant 0 : i32
        %dma_wait3A_108 = tpu.memref_slice %arg12[%mul3A_98, %dma_wait3A] : memref<5120x144xf32, #tpu.memory_space<vmem_shared>> -> memref<125x128xf32, #tpu.memory_space<vmem_shared>>
        %dma_wait3A_109 = arith.constant 0 : i32
        %dma_wait3A_110 = tpu.memref_slice %arg12[%mul3A_98, %dma_wait3A_109] : memref<5120x144xf32, #tpu.memory_space<vmem_shared>> -> memref<125x128xf32, #tpu.memory_space<vmem_shared>>
        tpu.wait_dma2 semaphore(%run_scoped3A : memref<!tpu.dma_semaphore, #tpu.memory_space<semaphore_mem>>) src(%dma_wait3A_110 : memref<125x128xf32, #tpu.memory_space<vmem_shared>>) dst(%arg10 : memref<125x128xf32, #tpu.memory_space<vmem>>)
        tpu.yield
      }) : () -> ()
      %add3A_99 = arith.constant 0 : i32
      %add3A_100 = arith.addi %add3A_99, %mul3A_98 : i32
      "tpu.region"() ({
        %run_scoped3A = tpu.sem_alloc : memref<!tpu.dma_semaphore, #tpu.memory_space<semaphore_mem>>
        %dma_start3A = tpu.memref_slice %arg5[%add3A_100, %mul3A_2] : memref<10000x256xf32, #tpu.memory_space<hbm>> -> memref<125x128xf32, #tpu.memory_space<hbm>>
        %dma_start3A_105 = tpu.memref_slice %arg5[%add3A_100, %mul3A_2] : memref<10000x256xf32, #tpu.memory_space<hbm>> -> memref<125x128xf32, #tpu.memory_space<hbm>>
        tpu.enqueue_dma source(%arg10 : memref<125x128xf32, #tpu.memory_space<vmem>>) target(%dma_start3A_105 : memref<125x128xf32, #tpu.memory_space<hbm>>) target_semaphore(%run_scoped3A : memref<!tpu.dma_semaphore, #tpu.memory_space<semaphore_mem>>)
        %dma_wait3A = tpu.memref_slice %arg5[%add3A_100, %mul3A_2] : memref<10000x256xf32, #tpu.memory_space<hbm>> -> memref<125x128xf32, #tpu.memory_space<hbm>>
        %dma_wait3A_106 = tpu.memref_slice %arg5[%add3A_100, %mul3A_2] : memref<10000x256xf32, #tpu.memory_space<hbm>> -> memref<125x128xf32, #tpu.memory_space<hbm>>
        tpu.wait_dma2 semaphore(%run_scoped3A : memref<!tpu.dma_semaphore, #tpu.memory_space<semaphore_mem>>) src(%arg10 : memref<125x128xf32, #tpu.memory_space<vmem>>) dst(%dma_wait3A_106 : memref<125x128xf32, #tpu.memory_space<hbm>>)
        tpu.yield
      }) : () -> ()
      %eq3A = arith.constant 0 : i32
      %eq3A_101 = arith.cmpi eq, %arg0, %eq3A : i32
      %convert_element_type3A_102 = arith.extui %eq3A_101 : i1 to i32
      %cond3A_103 = arith.constant 0 : i32
      %cond3A_104 = arith.cmpi ne, %convert_element_type3A_102, %cond3A_103 : i32
      scf.if %cond3A_104 {
        "tpu.region"() ({
          %run_scoped3A = tpu.sem_alloc : memref<!tpu.dma_semaphore, #tpu.memory_space<semaphore_mem>>
          %dma_start3A = arith.constant 128 : i32
          %dma_start3A_107 = tpu.memref_slice %arg12[%mul3A_98, %dma_start3A] : memref<5120x144xf32, #tpu.memory_space<vmem_shared>> -> memref<125x16xf32, #tpu.memory_space<vmem_shared>>
          %dma_start3A_108 = arith.constant 128 : i32
          %dma_start3A_109 = tpu.memref_slice %arg12[%mul3A_98, %dma_start3A_108] : memref<5120x144xf32, #tpu.memory_space<vmem_shared>> -> memref<125x16xf32, #tpu.memory_space<vmem_shared>>
          tpu.enqueue_dma source(%dma_start3A_109 : memref<125x16xf32, #tpu.memory_space<vmem_shared>>) target(%arg11 : memref<125x16xf32, #tpu.memory_space<vmem>>) target_semaphore(%run_scoped3A : memref<!tpu.dma_semaphore, #tpu.memory_space<semaphore_mem>>)
          %dma_wait3A = arith.constant 128 : i32
          %dma_wait3A_110 = tpu.memref_slice %arg12[%mul3A_98, %dma_wait3A] : memref<5120x144xf32, #tpu.memory_space<vmem_shared>> -> memref<125x16xf32, #tpu.memory_space<vmem_shared>>
          %dma_wait3A_111 = arith.constant 128 : i32
          %dma_wait3A_112 = tpu.memref_slice %arg12[%mul3A_98, %dma_wait3A_111] : memref<5120x144xf32, #tpu.memory_space<vmem_shared>> -> memref<125x16xf32, #tpu.memory_space<vmem_shared>>
          tpu.wait_dma2 semaphore(%run_scoped3A : memref<!tpu.dma_semaphore, #tpu.memory_space<semaphore_mem>>) src(%dma_wait3A_112 : memref<125x16xf32, #tpu.memory_space<vmem_shared>>) dst(%arg11 : memref<125x16xf32, #tpu.memory_space<vmem>>)
          tpu.yield
        }) : () -> ()
        %add3A_105 = arith.constant 0 : i32
        %add3A_106 = arith.addi %add3A_105, %mul3A_98 : i32
        "tpu.region"() ({
          %run_scoped3A = tpu.sem_alloc : memref<!tpu.dma_semaphore, #tpu.memory_space<semaphore_mem>>
          %dma_start3A = arith.constant 0 : i32
          %dma_start3A_107 = tpu.memref_slice %arg6[%add3A_106, %dma_start3A] : memref<10000x16xf32, #tpu.memory_space<hbm>> -> memref<125x16xf32, #tpu.memory_space<hbm>>
          %dma_start3A_108 = arith.constant 0 : i32
          %dma_start3A_109 = tpu.memref_slice %arg6[%add3A_106, %dma_start3A_108] : memref<10000x16xf32, #tpu.memory_space<hbm>> -> memref<125x16xf32, #tpu.memory_space<hbm>>
          tpu.enqueue_dma source(%arg11 : memref<125x16xf32, #tpu.memory_space<vmem>>) target(%dma_start3A_109 : memref<125x16xf32, #tpu.memory_space<hbm>>) target_semaphore(%run_scoped3A : memref<!tpu.dma_semaphore, #tpu.memory_space<semaphore_mem>>)
          %dma_wait3A = arith.constant 0 : i32
          %dma_wait3A_110 = tpu.memref_slice %arg6[%add3A_106, %dma_wait3A] : memref<10000x16xf32, #tpu.memory_space<hbm>> -> memref<125x16xf32, #tpu.memory_space<hbm>>
          %dma_wait3A_111 = arith.constant 0 : i32
          %dma_wait3A_112 = tpu.memref_slice %arg6[%add3A_106, %dma_wait3A_111] : memref<10000x16xf32, #tpu.memory_space<hbm>> -> memref<125x16xf32, #tpu.memory_space<hbm>>
          tpu.wait_dma2 semaphore(%run_scoped3A : memref<!tpu.dma_semaphore, #tpu.memory_space<semaphore_mem>>) src(%arg11 : memref<125x16xf32, #tpu.memory_space<vmem>>) dst(%dma_wait3A_112 : memref<125x16xf32, #tpu.memory_space<hbm>>)
          tpu.yield
        }) : () -> ()
      } else {
      }
    } else {
    }
    %add3A_32 = arith.constant 16 : i32
    %add3A_33 = arith.addi %add3A_32, %arg1 : i32
    %lt3A_34 = arith.constant 40 : i32
    %lt3A_35 = arith.cmpi slt, %add3A_33, %lt3A_34 : i32
    %convert_element_type3A_36 = arith.extui %lt3A_35 : i1 to i32
    %cond3A_37 = arith.constant 0 : i32
    %cond3A_38 = arith.cmpi ne, %convert_element_type3A_36, %cond3A_37 : i32
    scf.if %cond3A_38 {
      %mul3A_97 = arith.constant 125 : i32
      %mul3A_98 = arith.muli %add3A_33, %mul3A_97 : i32
      "tpu.region"() ({
        %run_scoped3A = tpu.sem_alloc : memref<!tpu.dma_semaphore, #tpu.memory_space<semaphore_mem>>
        %dma_start3A = arith.constant 0 : i32
        %dma_start3A_105 = tpu.memref_slice %arg12[%mul3A_98, %dma_start3A] : memref<5120x144xf32, #tpu.memory_space<vmem_shared>> -> memref<125x128xf32, #tpu.memory_space<vmem_shared>>
        %dma_start3A_106 = arith.constant 0 : i32
        %dma_start3A_107 = tpu.memref_slice %arg12[%mul3A_98, %dma_start3A_106] : memref<5120x144xf32, #tpu.memory_space<vmem_shared>> -> memref<125x128xf32, #tpu.memory_space<vmem_shared>>
        tpu.enqueue_dma source(%dma_start3A_107 : memref<125x128xf32, #tpu.memory_space<vmem_shared>>) target(%arg10 : memref<125x128xf32, #tpu.memory_space<vmem>>) target_semaphore(%run_scoped3A : memref<!tpu.dma_semaphore, #tpu.memory_space<semaphore_mem>>)
        %dma_wait3A = arith.constant 0 : i32
        %dma_wait3A_108 = tpu.memref_slice %arg12[%mul3A_98, %dma_wait3A] : memref<5120x144xf32, #tpu.memory_space<vmem_shared>> -> memref<125x128xf32, #tpu.memory_space<vmem_shared>>
        %dma_wait3A_109 = arith.constant 0 : i32
        %dma_wait3A_110 = tpu.memref_slice %arg12[%mul3A_98, %dma_wait3A_109] : memref<5120x144xf32, #tpu.memory_space<vmem_shared>> -> memref<125x128xf32, #tpu.memory_space<vmem_shared>>
        tpu.wait_dma2 semaphore(%run_scoped3A : memref<!tpu.dma_semaphore, #tpu.memory_space<semaphore_mem>>) src(%dma_wait3A_110 : memref<125x128xf32, #tpu.memory_space<vmem_shared>>) dst(%arg10 : memref<125x128xf32, #tpu.memory_space<vmem>>)
        tpu.yield
      }) : () -> ()
      %add3A_99 = arith.constant 0 : i32
      %add3A_100 = arith.addi %add3A_99, %mul3A_98 : i32
      "tpu.region"() ({
        %run_scoped3A = tpu.sem_alloc : memref<!tpu.dma_semaphore, #tpu.memory_space<semaphore_mem>>
        %dma_start3A = tpu.memref_slice %arg5[%add3A_100, %mul3A_2] : memref<10000x256xf32, #tpu.memory_space<hbm>> -> memref<125x128xf32, #tpu.memory_space<hbm>>
        %dma_start3A_105 = tpu.memref_slice %arg5[%add3A_100, %mul3A_2] : memref<10000x256xf32, #tpu.memory_space<hbm>> -> memref<125x128xf32, #tpu.memory_space<hbm>>
        tpu.enqueue_dma source(%arg10 : memref<125x128xf32, #tpu.memory_space<vmem>>) target(%dma_start3A_105 : memref<125x128xf32, #tpu.memory_space<hbm>>) target_semaphore(%run_scoped3A : memref<!tpu.dma_semaphore, #tpu.memory_space<semaphore_mem>>)
        %dma_wait3A = tpu.memref_slice %arg5[%add3A_100, %mul3A_2] : memref<10000x256xf32, #tpu.memory_space<hbm>> -> memref<125x128xf32, #tpu.memory_space<hbm>>
        %dma_wait3A_106 = tpu.memref_slice %arg5[%add3A_100, %mul3A_2] : memref<10000x256xf32, #tpu.memory_space<hbm>> -> memref<125x128xf32, #tpu.memory_space<hbm>>
        tpu.wait_dma2 semaphore(%run_scoped3A : memref<!tpu.dma_semaphore, #tpu.memory_space<semaphore_mem>>) src(%arg10 : memref<125x128xf32, #tpu.memory_space<vmem>>) dst(%dma_wait3A_106 : memref<125x128xf32, #tpu.memory_space<hbm>>)
        tpu.yield
      }) : () -> ()
      %eq3A = arith.constant 0 : i32
      %eq3A_101 = arith.cmpi eq, %arg0, %eq3A : i32
      %convert_element_type3A_102 = arith.extui %eq3A_101 : i1 to i32
      %cond3A_103 = arith.constant 0 : i32
      %cond3A_104 = arith.cmpi ne, %convert_element_type3A_102, %cond3A_103 : i32
      scf.if %cond3A_104 {
        "tpu.region"() ({
          %run_scoped3A = tpu.sem_alloc : memref<!tpu.dma_semaphore, #tpu.memory_space<semaphore_mem>>
          %dma_start3A = arith.constant 128 : i32
          %dma_start3A_107 = tpu.memref_slice %arg12[%mul3A_98, %dma_start3A] : memref<5120x144xf32, #tpu.memory_space<vmem_shared>> -> memref<125x16xf32, #tpu.memory_space<vmem_shared>>
          %dma_start3A_108 = arith.constant 128 : i32
          %dma_start3A_109 = tpu.memref_slice %arg12[%mul3A_98, %dma_start3A_108] : memref<5120x144xf32, #tpu.memory_space<vmem_shared>> -> memref<125x16xf32, #tpu.memory_space<vmem_shared>>
          tpu.enqueue_dma source(%dma_start3A_109 : memref<125x16xf32, #tpu.memory_space<vmem_shared>>) target(%arg11 : memref<125x16xf32, #tpu.memory_space<vmem>>) target_semaphore(%run_scoped3A : memref<!tpu.dma_semaphore, #tpu.memory_space<semaphore_mem>>)
          %dma_wait3A = arith.constant 128 : i32
          %dma_wait3A_110 = tpu.memref_slice %arg12[%mul3A_98, %dma_wait3A] : memref<5120x144xf32, #tpu.memory_space<vmem_shared>> -> memref<125x16xf32, #tpu.memory_space<vmem_shared>>
          %dma_wait3A_111 = arith.constant 128 : i32
          %dma_wait3A_112 = tpu.memref_slice %arg12[%mul3A_98, %dma_wait3A_111] : memref<5120x144xf32, #tpu.memory_space<vmem_shared>> -> memref<125x16xf32, #tpu.memory_space<vmem_shared>>
          tpu.wait_dma2 semaphore(%run_scoped3A : memref<!tpu.dma_semaphore, #tpu.memory_space<semaphore_mem>>) src(%dma_wait3A_112 : memref<125x16xf32, #tpu.memory_space<vmem_shared>>) dst(%arg11 : memref<125x16xf32, #tpu.memory_space<vmem>>)
          tpu.yield
        }) : () -> ()
        %add3A_105 = arith.constant 0 : i32
        %add3A_106 = arith.addi %add3A_105, %mul3A_98 : i32
        "tpu.region"() ({
          %run_scoped3A = tpu.sem_alloc : memref<!tpu.dma_semaphore, #tpu.memory_space<semaphore_mem>>
          %dma_start3A = arith.constant 0 : i32
          %dma_start3A_107 = tpu.memref_slice %arg6[%add3A_106, %dma_start3A] : memref<10000x16xf32, #tpu.memory_space<hbm>> -> memref<125x16xf32, #tpu.memory_space<hbm>>
          %dma_start3A_108 = arith.constant 0 : i32
          %dma_start3A_109 = tpu.memref_slice %arg6[%add3A_106, %dma_start3A_108] : memref<10000x16xf32, #tpu.memory_space<hbm>> -> memref<125x16xf32, #tpu.memory_space<hbm>>
          tpu.enqueue_dma source(%arg11 : memref<125x16xf32, #tpu.memory_space<vmem>>) target(%dma_start3A_109 : memref<125x16xf32, #tpu.memory_space<hbm>>) target_semaphore(%run_scoped3A : memref<!tpu.dma_semaphore, #tpu.memory_space<semaphore_mem>>)
          %dma_wait3A = arith.constant 0 : i32
          %dma_wait3A_110 = tpu.memref_slice %arg6[%add3A_106, %dma_wait3A] : memref<10000x16xf32, #tpu.memory_space<hbm>> -> memref<125x16xf32, #tpu.memory_space<hbm>>
          %dma_wait3A_111 = arith.constant 0 : i32
          %dma_wait3A_112 = tpu.memref_slice %arg6[%add3A_106, %dma_wait3A_111] : memref<10000x16xf32, #tpu.memory_space<hbm>> -> memref<125x16xf32, #tpu.memory_space<hbm>>
          tpu.wait_dma2 semaphore(%run_scoped3A : memref<!tpu.dma_semaphore, #tpu.memory_space<semaphore_mem>>) src(%arg11 : memref<125x16xf32, #tpu.memory_space<vmem>>) dst(%dma_wait3A_112 : memref<125x16xf32, #tpu.memory_space<hbm>>)
          tpu.yield
        }) : () -> ()
      } else {
      }
    } else {
    }
    %add3A_39 = arith.constant 32 : i32
    %add3A_40 = arith.addi %add3A_39, %arg1 : i32
    %lt3A_41 = arith.constant 40 : i32
    %lt3A_42 = arith.cmpi slt, %add3A_40, %lt3A_41 : i32
    %convert_element_type3A_43 = arith.extui %lt3A_42 : i1 to i32
    %cond3A_44 = arith.constant 0 : i32
    %cond3A_45 = arith.cmpi ne, %convert_element_type3A_43, %cond3A_44 : i32
    scf.if %cond3A_45 {
      %mul3A_97 = arith.constant 125 : i32
      %mul3A_98 = arith.muli %add3A_40, %mul3A_97 : i32
      "tpu.region"() ({
        %run_scoped3A = tpu.sem_alloc : memref<!tpu.dma_semaphore, #tpu.memory_space<semaphore_mem>>
        %dma_start3A = arith.constant 0 : i32
        %dma_start3A_105 = tpu.memref_slice %arg12[%mul3A_98, %dma_start3A] : memref<5120x144xf32, #tpu.memory_space<vmem_shared>> -> memref<125x128xf32, #tpu.memory_space<vmem_shared>>
        %dma_start3A_106 = arith.constant 0 : i32
        %dma_start3A_107 = tpu.memref_slice %arg12[%mul3A_98, %dma_start3A_106] : memref<5120x144xf32, #tpu.memory_space<vmem_shared>> -> memref<125x128xf32, #tpu.memory_space<vmem_shared>>
        tpu.enqueue_dma source(%dma_start3A_107 : memref<125x128xf32, #tpu.memory_space<vmem_shared>>) target(%arg10 : memref<125x128xf32, #tpu.memory_space<vmem>>) target_semaphore(%run_scoped3A : memref<!tpu.dma_semaphore, #tpu.memory_space<semaphore_mem>>)
        %dma_wait3A = arith.constant 0 : i32
        %dma_wait3A_108 = tpu.memref_slice %arg12[%mul3A_98, %dma_wait3A] : memref<5120x144xf32, #tpu.memory_space<vmem_shared>> -> memref<125x128xf32, #tpu.memory_space<vmem_shared>>
        %dma_wait3A_109 = arith.constant 0 : i32
        %dma_wait3A_110 = tpu.memref_slice %arg12[%mul3A_98, %dma_wait3A_109] : memref<5120x144xf32, #tpu.memory_space<vmem_shared>> -> memref<125x128xf32, #tpu.memory_space<vmem_shared>>
        tpu.wait_dma2 semaphore(%run_scoped3A : memref<!tpu.dma_semaphore, #tpu.memory_space<semaphore_mem>>) src(%dma_wait3A_110 : memref<125x128xf32, #tpu.memory_space<vmem_shared>>) dst(%arg10 : memref<125x128xf32, #tpu.memory_space<vmem>>)
        tpu.yield
      }) : () -> ()
      %add3A_99 = arith.constant 0 : i32
      %add3A_100 = arith.addi %add3A_99, %mul3A_98 : i32
      "tpu.region"() ({
        %run_scoped3A = tpu.sem_alloc : memref<!tpu.dma_semaphore, #tpu.memory_space<semaphore_mem>>
        %dma_start3A = tpu.memref_slice %arg5[%add3A_100, %mul3A_2] : memref<10000x256xf32, #tpu.memory_space<hbm>> -> memref<125x128xf32, #tpu.memory_space<hbm>>
        %dma_start3A_105 = tpu.memref_slice %arg5[%add3A_100, %mul3A_2] : memref<10000x256xf32, #tpu.memory_space<hbm>> -> memref<125x128xf32, #tpu.memory_space<hbm>>
        tpu.enqueue_dma source(%arg10 : memref<125x128xf32, #tpu.memory_space<vmem>>) target(%dma_start3A_105 : memref<125x128xf32, #tpu.memory_space<hbm>>) target_semaphore(%run_scoped3A : memref<!tpu.dma_semaphore, #tpu.memory_space<semaphore_mem>>)
        %dma_wait3A = tpu.memref_slice %arg5[%add3A_100, %mul3A_2] : memref<10000x256xf32, #tpu.memory_space<hbm>> -> memref<125x128xf32, #tpu.memory_space<hbm>>
        %dma_wait3A_106 = tpu.memref_slice %arg5[%add3A_100, %mul3A_2] : memref<10000x256xf32, #tpu.memory_space<hbm>> -> memref<125x128xf32, #tpu.memory_space<hbm>>
        tpu.wait_dma2 semaphore(%run_scoped3A : memref<!tpu.dma_semaphore, #tpu.memory_space<semaphore_mem>>) src(%arg10 : memref<125x128xf32, #tpu.memory_space<vmem>>) dst(%dma_wait3A_106 : memref<125x128xf32, #tpu.memory_space<hbm>>)
        tpu.yield
      }) : () -> ()
      %eq3A = arith.constant 0 : i32
      %eq3A_101 = arith.cmpi eq, %arg0, %eq3A : i32
      %convert_element_type3A_102 = arith.extui %eq3A_101 : i1 to i32
      %cond3A_103 = arith.constant 0 : i32
      %cond3A_104 = arith.cmpi ne, %convert_element_type3A_102, %cond3A_103 : i32
      scf.if %cond3A_104 {
        "tpu.region"() ({
          %run_scoped3A = tpu.sem_alloc : memref<!tpu.dma_semaphore, #tpu.memory_space<semaphore_mem>>
          %dma_start3A = arith.constant 128 : i32
          %dma_start3A_107 = tpu.memref_slice %arg12[%mul3A_98, %dma_start3A] : memref<5120x144xf32, #tpu.memory_space<vmem_shared>> -> memref<125x16xf32, #tpu.memory_space<vmem_shared>>
          %dma_start3A_108 = arith.constant 128 : i32
          %dma_start3A_109 = tpu.memref_slice %arg12[%mul3A_98, %dma_start3A_108] : memref<5120x144xf32, #tpu.memory_space<vmem_shared>> -> memref<125x16xf32, #tpu.memory_space<vmem_shared>>
          tpu.enqueue_dma source(%dma_start3A_109 : memref<125x16xf32, #tpu.memory_space<vmem_shared>>) target(%arg11 : memref<125x16xf32, #tpu.memory_space<vmem>>) target_semaphore(%run_scoped3A : memref<!tpu.dma_semaphore, #tpu.memory_space<semaphore_mem>>)
          %dma_wait3A = arith.constant 128 : i32
          %dma_wait3A_110 = tpu.memref_slice %arg12[%mul3A_98, %dma_wait3A] : memref<5120x144xf32, #tpu.memory_space<vmem_shared>> -> memref<125x16xf32, #tpu.memory_space<vmem_shared>>
          %dma_wait3A_111 = arith.constant 128 : i32
          %dma_wait3A_112 = tpu.memref_slice %arg12[%mul3A_98, %dma_wait3A_111] : memref<5120x144xf32, #tpu.memory_space<vmem_shared>> -> memref<125x16xf32, #tpu.memory_space<vmem_shared>>
          tpu.wait_dma2 semaphore(%run_scoped3A : memref<!tpu.dma_semaphore, #tpu.memory_space<semaphore_mem>>) src(%dma_wait3A_112 : memref<125x16xf32, #tpu.memory_space<vmem_shared>>) dst(%arg11 : memref<125x16xf32, #tpu.memory_space<vmem>>)
          tpu.yield
        }) : () -> ()
        %add3A_105 = arith.constant 0 : i32
        %add3A_106 = arith.addi %add3A_105, %mul3A_98 : i32
        "tpu.region"() ({
          %run_scoped3A = tpu.sem_alloc : memref<!tpu.dma_semaphore, #tpu.memory_space<semaphore_mem>>
          %dma_start3A = arith.constant 0 : i32
          %dma_start3A_107 = tpu.memref_slice %arg6[%add3A_106, %dma_start3A] : memref<10000x16xf32, #tpu.memory_space<hbm>> -> memref<125x16xf32, #tpu.memory_space<hbm>>
          %dma_start3A_108 = arith.constant 0 : i32
          %dma_start3A_109 = tpu.memref_slice %arg6[%add3A_106, %dma_start3A_108] : memref<10000x16xf32, #tpu.memory_space<hbm>> -> memref<125x16xf32, #tpu.memory_space<hbm>>
          tpu.enqueue_dma source(%arg11 : memref<125x16xf32, #tpu.memory_space<vmem>>) target(%dma_start3A_109 : memref<125x16xf32, #tpu.memory_space<hbm>>) target_semaphore(%run_scoped3A : memref<!tpu.dma_semaphore, #tpu.memory_space<semaphore_mem>>)
          %dma_wait3A = arith.constant 0 : i32
          %dma_wait3A_110 = tpu.memref_slice %arg6[%add3A_106, %dma_wait3A] : memref<10000x16xf32, #tpu.memory_space<hbm>> -> memref<125x16xf32, #tpu.memory_space<hbm>>
          %dma_wait3A_111 = arith.constant 0 : i32
          %dma_wait3A_112 = tpu.memref_slice %arg6[%add3A_106, %dma_wait3A_111] : memref<10000x16xf32, #tpu.memory_space<hbm>> -> memref<125x16xf32, #tpu.memory_space<hbm>>
          tpu.wait_dma2 semaphore(%run_scoped3A : memref<!tpu.dma_semaphore, #tpu.memory_space<semaphore_mem>>) src(%arg11 : memref<125x16xf32, #tpu.memory_space<vmem>>) dst(%dma_wait3A_112 : memref<125x16xf32, #tpu.memory_space<hbm>>)
          tpu.yield
        }) : () -> ()
      } else {
      }
    } else {
    }
    %barrier3A_46 = arith.constant 0 : index
    tpu.barrier barrier_id(%barrier3A_46)
    %mul3A_47 = arith.constant 320 : i32
    %mul3A_48 = arith.muli %arg1, %mul3A_47 : i32
    %add3A_49 = arith.constant 0 : i32
    %add3A_50 = arith.addi %mul3A_48, %add3A_49 : i32
    "tpu.region"() ({
      %run_scoped3A = tpu.sem_alloc : memref<!tpu.dma_semaphore, #tpu.memory_space<semaphore_mem>>
      %dma_start3A = arith.constant 0 : i32
      %dma_start3A_97 = tpu.memref_slice %arg12[%add3A_50, %dma_start3A] : memref<5120x144xf32, #tpu.memory_space<vmem_shared>> -> memref<64x144xf32, #tpu.memory_space<vmem_shared>>
      %dma_start3A_98 = arith.constant 0 : i32
      %dma_start3A_99 = tpu.memref_slice %arg12[%add3A_50, %dma_start3A_98] : memref<5120x144xf32, #tpu.memory_space<vmem_shared>> -> memref<64x144xf32, #tpu.memory_space<vmem_shared>>
      tpu.enqueue_dma source(%arg9 : memref<64x144xf32, #tpu.memory_space<vmem>>) target(%dma_start3A_99 : memref<64x144xf32, #tpu.memory_space<vmem_shared>>) target_semaphore(%run_scoped3A : memref<!tpu.dma_semaphore, #tpu.memory_space<semaphore_mem>>)
      %dma_wait3A = arith.constant 0 : i32
      %dma_wait3A_100 = tpu.memref_slice %arg12[%add3A_50, %dma_wait3A] : memref<5120x144xf32, #tpu.memory_space<vmem_shared>> -> memref<64x144xf32, #tpu.memory_space<vmem_shared>>
      %dma_wait3A_101 = arith.constant 0 : i32
      %dma_wait3A_102 = tpu.memref_slice %arg12[%add3A_50, %dma_wait3A_101] : memref<5120x144xf32, #tpu.memory_space<vmem_shared>> -> memref<64x144xf32, #tpu.memory_space<vmem_shared>>
      tpu.wait_dma2 semaphore(%run_scoped3A : memref<!tpu.dma_semaphore, #tpu.memory_space<semaphore_mem>>) src(%arg9 : memref<64x144xf32, #tpu.memory_space<vmem>>) dst(%dma_wait3A_102 : memref<64x144xf32, #tpu.memory_space<vmem_shared>>)
      tpu.yield
    }) : () -> ()
    %mul3A_51 = arith.constant 320 : i32
    %mul3A_52 = arith.muli %arg1, %mul3A_51 : i32
    %add3A_53 = arith.constant 64 : i32
    %add3A_54 = arith.addi %mul3A_52, %add3A_53 : i32
    "tpu.region"() ({
      %run_scoped3A = tpu.sem_alloc : memref<!tpu.dma_semaphore, #tpu.memory_space<semaphore_mem>>
      %dma_start3A = arith.constant 0 : i32
      %dma_start3A_97 = tpu.memref_slice %arg12[%add3A_54, %dma_start3A] : memref<5120x144xf32, #tpu.memory_space<vmem_shared>> -> memref<64x144xf32, #tpu.memory_space<vmem_shared>>
      %dma_start3A_98 = arith.constant 0 : i32
      %dma_start3A_99 = tpu.memref_slice %arg12[%add3A_54, %dma_start3A_98] : memref<5120x144xf32, #tpu.memory_space<vmem_shared>> -> memref<64x144xf32, #tpu.memory_space<vmem_shared>>
      tpu.enqueue_dma source(%arg9 : memref<64x144xf32, #tpu.memory_space<vmem>>) target(%dma_start3A_99 : memref<64x144xf32, #tpu.memory_space<vmem_shared>>) target_semaphore(%run_scoped3A : memref<!tpu.dma_semaphore, #tpu.memory_space<semaphore_mem>>)
      %dma_wait3A = arith.constant 0 : i32
      %dma_wait3A_100 = tpu.memref_slice %arg12[%add3A_54, %dma_wait3A] : memref<5120x144xf32, #tpu.memory_space<vmem_shared>> -> memref<64x144xf32, #tpu.memory_space<vmem_shared>>
      %dma_wait3A_101 = arith.constant 0 : i32
      %dma_wait3A_102 = tpu.memref_slice %arg12[%add3A_54, %dma_wait3A_101] : memref<5120x144xf32, #tpu.memory_space<vmem_shared>> -> memref<64x144xf32, #tpu.memory_space<vmem_shared>>
      tpu.wait_dma2 semaphore(%run_scoped3A : memref<!tpu.dma_semaphore, #tpu.memory_space<semaphore_mem>>) src(%arg9 : memref<64x144xf32, #tpu.memory_space<vmem>>) dst(%dma_wait3A_102 : memref<64x144xf32, #tpu.memory_space<vmem_shared>>)
      tpu.yield
    }) : () -> ()
    %mul3A_55 = arith.constant 320 : i32
    %mul3A_56 = arith.muli %arg1, %mul3A_55 : i32
    %add3A_57 = arith.constant 128 : i32
    %add3A_58 = arith.addi %mul3A_56, %add3A_57 : i32
    "tpu.region"() ({
      %run_scoped3A = tpu.sem_alloc : memref<!tpu.dma_semaphore, #tpu.memory_space<semaphore_mem>>
      %dma_start3A = arith.constant 0 : i32
      %dma_start3A_97 = tpu.memref_slice %arg12[%add3A_58, %dma_start3A] : memref<5120x144xf32, #tpu.memory_space<vmem_shared>> -> memref<64x144xf32, #tpu.memory_space<vmem_shared>>
      %dma_start3A_98 = arith.constant 0 : i32
      %dma_start3A_99 = tpu.memref_slice %arg12[%add3A_58, %dma_start3A_98] : memref<5120x144xf32, #tpu.memory_space<vmem_shared>> -> memref<64x144xf32, #tpu.memory_space<vmem_shared>>
      tpu.enqueue_dma source(%arg9 : memref<64x144xf32, #tpu.memory_space<vmem>>) target(%dma_start3A_99 : memref<64x144xf32, #tpu.memory_space<vmem_shared>>) target_semaphore(%run_scoped3A : memref<!tpu.dma_semaphore, #tpu.memory_space<semaphore_mem>>)
      %dma_wait3A = arith.constant 0 : i32
      %dma_wait3A_100 = tpu.memref_slice %arg12[%add3A_58, %dma_wait3A] : memref<5120x144xf32, #tpu.memory_space<vmem_shared>> -> memref<64x144xf32, #tpu.memory_space<vmem_shared>>
      %dma_wait3A_101 = arith.constant 0 : i32
      %dma_wait3A_102 = tpu.memref_slice %arg12[%add3A_58, %dma_wait3A_101] : memref<5120x144xf32, #tpu.memory_space<vmem_shared>> -> memref<64x144xf32, #tpu.memory_space<vmem_shared>>
      tpu.wait_dma2 semaphore(%run_scoped3A : memref<!tpu.dma_semaphore, #tpu.memory_space<semaphore_mem>>) src(%arg9 : memref<64x144xf32, #tpu.memory_space<vmem>>) dst(%dma_wait3A_102 : memref<64x144xf32, #tpu.memory_space<vmem_shared>>)
      tpu.yield
    }) : () -> ()
    %mul3A_59 = arith.constant 320 : i32
    %mul3A_60 = arith.muli %arg1, %mul3A_59 : i32
    %add3A_61 = arith.constant 192 : i32
    %add3A_62 = arith.addi %mul3A_60, %add3A_61 : i32
    "tpu.region"() ({
      %run_scoped3A = tpu.sem_alloc : memref<!tpu.dma_semaphore, #tpu.memory_space<semaphore_mem>>
      %dma_start3A = arith.constant 0 : i32
      %dma_start3A_97 = tpu.memref_slice %arg12[%add3A_62, %dma_start3A] : memref<5120x144xf32, #tpu.memory_space<vmem_shared>> -> memref<64x144xf32, #tpu.memory_space<vmem_shared>>
      %dma_start3A_98 = arith.constant 0 : i32
      %dma_start3A_99 = tpu.memref_slice %arg12[%add3A_62, %dma_start3A_98] : memref<5120x144xf32, #tpu.memory_space<vmem_shared>> -> memref<64x144xf32, #tpu.memory_space<vmem_shared>>
      tpu.enqueue_dma source(%arg9 : memref<64x144xf32, #tpu.memory_space<vmem>>) target(%dma_start3A_99 : memref<64x144xf32, #tpu.memory_space<vmem_shared>>) target_semaphore(%run_scoped3A : memref<!tpu.dma_semaphore, #tpu.memory_space<semaphore_mem>>)
      %dma_wait3A = arith.constant 0 : i32
      %dma_wait3A_100 = tpu.memref_slice %arg12[%add3A_62, %dma_wait3A] : memref<5120x144xf32, #tpu.memory_space<vmem_shared>> -> memref<64x144xf32, #tpu.memory_space<vmem_shared>>
      %dma_wait3A_101 = arith.constant 0 : i32
      %dma_wait3A_102 = tpu.memref_slice %arg12[%add3A_62, %dma_wait3A_101] : memref<5120x144xf32, #tpu.memory_space<vmem_shared>> -> memref<64x144xf32, #tpu.memory_space<vmem_shared>>
      tpu.wait_dma2 semaphore(%run_scoped3A : memref<!tpu.dma_semaphore, #tpu.memory_space<semaphore_mem>>) src(%arg9 : memref<64x144xf32, #tpu.memory_space<vmem>>) dst(%dma_wait3A_102 : memref<64x144xf32, #tpu.memory_space<vmem_shared>>)
      tpu.yield
    }) : () -> ()
    %mul3A_63 = arith.constant 320 : i32
    %mul3A_64 = arith.muli %arg1, %mul3A_63 : i32
    %add3A_65 = arith.constant 256 : i32
    %add3A_66 = arith.addi %mul3A_64, %add3A_65 : i32
    "tpu.region"() ({
      %run_scoped3A = tpu.sem_alloc : memref<!tpu.dma_semaphore, #tpu.memory_space<semaphore_mem>>
      %dma_start3A = arith.constant 0 : i32
      %dma_start3A_97 = tpu.memref_slice %arg12[%add3A_66, %dma_start3A] : memref<5120x144xf32, #tpu.memory_space<vmem_shared>> -> memref<64x144xf32, #tpu.memory_space<vmem_shared>>
      %dma_start3A_98 = arith.constant 0 : i32
      %dma_start3A_99 = tpu.memref_slice %arg12[%add3A_66, %dma_start3A_98] : memref<5120x144xf32, #tpu.memory_space<vmem_shared>> -> memref<64x144xf32, #tpu.memory_space<vmem_shared>>
      tpu.enqueue_dma source(%arg9 : memref<64x144xf32, #tpu.memory_space<vmem>>) target(%dma_start3A_99 : memref<64x144xf32, #tpu.memory_space<vmem_shared>>) target_semaphore(%run_scoped3A : memref<!tpu.dma_semaphore, #tpu.memory_space<semaphore_mem>>)
      %dma_wait3A = arith.constant 0 : i32
      %dma_wait3A_100 = tpu.memref_slice %arg12[%add3A_66, %dma_wait3A] : memref<5120x144xf32, #tpu.memory_space<vmem_shared>> -> memref<64x144xf32, #tpu.memory_space<vmem_shared>>
      %dma_wait3A_101 = arith.constant 0 : i32
      %dma_wait3A_102 = tpu.memref_slice %arg12[%add3A_66, %dma_wait3A_101] : memref<5120x144xf32, #tpu.memory_space<vmem_shared>> -> memref<64x144xf32, #tpu.memory_space<vmem_shared>>
      tpu.wait_dma2 semaphore(%run_scoped3A : memref<!tpu.dma_semaphore, #tpu.memory_space<semaphore_mem>>) src(%arg9 : memref<64x144xf32, #tpu.memory_space<vmem>>) dst(%dma_wait3A_102 : memref<64x144xf32, #tpu.memory_space<vmem_shared>>)
      tpu.yield
    }) : () -> ()
    %barrier3A_67 = arith.constant 0 : index
    tpu.barrier barrier_id(%barrier3A_67)
    %scan3A_68 = arith.constant 0 : i32
    %scan3A_69 = arith.constant 0 : i32
    %scan3A_70 = arith.constant 80 : i32
    %scan3A_71 = arith.addi %scan3A_69, %scan3A_70 : i32
    %scan3A_72 = arith.constant 1 : i32
    scf.for %scan3A_97 = %scan3A_69 to %scan3A_71 step %scan3A_72  : i32 {
      %mul3A_98 = arith.constant 10240 : i32
      %mul3A_99 = arith.muli %arg1, %mul3A_98 : i32
      %mul3A_100 = arith.constant 128 : i32
      %mul3A_101 = arith.muli %scan3A_97, %mul3A_100 : i32
      %add3A_102 = arith.addi %mul3A_99, %mul3A_101 : i32
      "tpu.region"() ({
        %run_scoped3A = tpu.sem_alloc : memref<!tpu.dma_semaphore, #tpu.memory_space<semaphore_mem>>
        %dma_start3A = tpu.memref_slice %arg3[%add3A_102] : memref<163840xi32, #tpu.memory_space<hbm>> -> memref<128xi32, #tpu.memory_space<hbm>>
        %dma_start3A_126 = tpu.memref_slice %arg3[%add3A_102] : memref<163840xi32, #tpu.memory_space<hbm>> -> memref<128xi32, #tpu.memory_space<hbm>>
        tpu.enqueue_dma source(%dma_start3A_126 : memref<128xi32, #tpu.memory_space<hbm>>) target(%arg7 : memref<128xi32, #tpu.memory_space<vmem>>) target_semaphore(%run_scoped3A : memref<!tpu.dma_semaphore, #tpu.memory_space<semaphore_mem>>)
        %dma_wait3A = tpu.memref_slice %arg3[%add3A_102] : memref<163840xi32, #tpu.memory_space<hbm>> -> memref<128xi32, #tpu.memory_space<hbm>>
        %dma_wait3A_127 = tpu.memref_slice %arg3[%add3A_102] : memref<163840xi32, #tpu.memory_space<hbm>> -> memref<128xi32, #tpu.memory_space<hbm>>
        tpu.wait_dma2 semaphore(%run_scoped3A : memref<!tpu.dma_semaphore, #tpu.memory_space<semaphore_mem>>) src(%dma_wait3A_127 : memref<128xi32, #tpu.memory_space<hbm>>) dst(%arg7 : memref<128xi32, #tpu.memory_space<vmem>>)
        tpu.yield
      }) : () -> ()
      %get3A = arith.constant 0 : index
      %get3A_103 = tpu.vector_load %arg7[%get3A] {strides = array<i32>} : memref<128xi32, #tpu.memory_space<vmem>>, vector<16xi32>,
      %reduce_min3A = arith.constant true
      %reduce_min3A_104 = vector.broadcast %reduce_min3A : i1 to vector<16xi1>
      %reduce_min3A_105 = arith.constant -2147483648 : i32
      %reduce_min3A_106 = vector.broadcast %reduce_min3A_105 : i32 to vector<16xi32>
      %reduce_min3A_107 = arith.xori %get3A_103, %reduce_min3A_106 : vector<16xi32>
      %reduce_min3A_108 = tpu.scan <min>, %reduce_min3A_107 masked %reduce_min3A_104 : vector<16xi32>, vector<16xi1> -> vector<16xi32>
      %reduce_min3A_109 = arith.xori %reduce_min3A_108, %reduce_min3A_106 : vector<16xi32>
      %reduce_min3A_110 = vector.extract %reduce_min3A_109[15] : i32 from vector<16xi32>
      %get3A_111 = arith.constant 112 : index
      %get3A_112 = tpu.vector_load %arg7[%get3A_111] {strides = array<i32>} : memref<128xi32, #tpu.memory_space<vmem>>, vector<16xi32>,
      %reduce_max3A = arith.constant true
      %reduce_max3A_113 = vector.broadcast %reduce_max3A : i1 to vector<16xi1>
      %reduce_max3A_114 = arith.constant -2147483648 : i32
      %reduce_max3A_115 = vector.broadcast %reduce_max3A_114 : i32 to vector<16xi32>
      %reduce_max3A_116 = arith.xori %get3A_112, %reduce_max3A_115 : vector<16xi32>
      %reduce_max3A_117 = tpu.scan <max>, %reduce_max3A_116 masked %reduce_max3A_113 : vector<16xi32>, vector<16xi1> -> vector<16xi32>
      %reduce_max3A_118 = arith.xori %reduce_max3A_117, %reduce_max3A_115 : vector<16xi32>
      %reduce_max3A_119 = vector.extract %reduce_max3A_118[15] : i32 from vector<16xi32>
      %ge3A = arith.constant 5000 : i32
      %ge3A_120 = arith.cmpi sge, %reduce_max3A_119, %ge3A : i32
      %lt3A_121 = arith.constant 10000 : i32
      %lt3A_122 = arith.cmpi slt, %reduce_min3A_110, %lt3A_121 : i32
      %and3A = arith.andi %ge3A_120, %lt3A_122 : i1
      %convert_element_type3A_123 = arith.extui %and3A : i1 to i32
      %cond3A_124 = arith.constant 0 : i32
      %cond3A_125 = arith.cmpi ne, %convert_element_type3A_123, %cond3A_124 : i32
      scf.if %cond3A_125 {
        %get3A_126 = arith.constant 0 : index
        %get3A_127 = tpu.vector_load %arg7[%get3A_126] {strides = array<i32>} : memref<128xi32, #tpu.memory_space<vmem>>, vector<16xi32>,
        %sub3A = arith.constant 5000 : i32
        %sub3A_128 = vector.broadcast %sub3A : i32 to vector<16xi32>
        %sub3A_129 = arith.subi %get3A_127, %sub3A_128 : vector<16xi32>
        %ge3A_130 = arith.constant 0 : i32
        %ge3A_131 = vector.broadcast %ge3A_130 : i32 to vector<16xi32>
        %ge3A_132 = arith.cmpi sge, %sub3A_129, %ge3A_131 : vector<16xi32>
        %lt3A_133 = arith.constant 5000 : i32
        %lt3A_134 = vector.broadcast %lt3A_133 : i32 to vector<16xi32>
        %lt3A_135 = arith.cmpi slt, %sub3A_129, %lt3A_134 : vector<16xi32>
        %and3A_136 = arith.andi %ge3A_132, %lt3A_135 : vector<16xi1>
        %jit3A = arith.constant 5000 : i32
        %broadcast_in_dim3A = vector.broadcast %jit3A : i32 to vector<16xi32>
        %select_n3A = arith.select %and3A_136, %sub3A_129, %broadcast_in_dim3A : vector<16xi1>, vector<16xi32>
        %swap3A = arith.constant 0 : index
        %swap3A_137 = tpu.vector_load %arg7[%swap3A] {strides = array<i32>} : memref<128xi32, #tpu.memory_space<vmem>>, vector<16xi32>,
        tpu.vector_store %arg7[%swap3A], %select_n3A {strides = array<i32>} : memref<128xi32, #tpu.memory_space<vmem>>, vector<16xi32>,
        %get3A_138 = arith.constant 16 : index
        %get3A_139 = tpu.vector_load %arg7[%get3A_138] {strides = array<i32>} : memref<128xi32, #tpu.memory_space<vmem>>, vector<16xi32>,
        %sub3A_140 = arith.constant 5000 : i32
        %sub3A_141 = vector.broadcast %sub3A_140 : i32 to vector<16xi32>
        %sub3A_142 = arith.subi %get3A_139, %sub3A_141 : vector<16xi32>
        %ge3A_143 = arith.constant 0 : i32
        %ge3A_144 = vector.broadcast %ge3A_143 : i32 to vector<16xi32>
        %ge3A_145 = arith.cmpi sge, %sub3A_142, %ge3A_144 : vector<16xi32>
        %lt3A_146 = arith.constant 5000 : i32
        %lt3A_147 = vector.broadcast %lt3A_146 : i32 to vector<16xi32>
        %lt3A_148 = arith.cmpi slt, %sub3A_142, %lt3A_147 : vector<16xi32>
        %and3A_149 = arith.andi %ge3A_145, %lt3A_148 : vector<16xi1>
        %jit3A_150 = arith.constant 5000 : i32
        %broadcast_in_dim3A_151 = vector.broadcast %jit3A_150 : i32 to vector<16xi32>
        %select_n3A_152 = arith.select %and3A_149, %sub3A_142, %broadcast_in_dim3A_151 : vector<16xi1>, vector<16xi32>
        %swap3A_153 = arith.constant 16 : index
        %swap3A_154 = tpu.vector_load %arg7[%swap3A_153] {strides = array<i32>} : memref<128xi32, #tpu.memory_space<vmem>>, vector<16xi32>,
        tpu.vector_store %arg7[%swap3A_153], %select_n3A_152 {strides = array<i32>} : memref<128xi32, #tpu.memory_space<vmem>>, vector<16xi32>,
        %get3A_155 = arith.constant 32 : index
        %get3A_156 = tpu.vector_load %arg7[%get3A_155] {strides = array<i32>} : memref<128xi32, #tpu.memory_space<vmem>>, vector<16xi32>,
        %sub3A_157 = arith.constant 5000 : i32
        %sub3A_158 = vector.broadcast %sub3A_157 : i32 to vector<16xi32>
        %sub3A_159 = arith.subi %get3A_156, %sub3A_158 : vector<16xi32>
        %ge3A_160 = arith.constant 0 : i32
        %ge3A_161 = vector.broadcast %ge3A_160 : i32 to vector<16xi32>
        %ge3A_162 = arith.cmpi sge, %sub3A_159, %ge3A_161 : vector<16xi32>
        %lt3A_163 = arith.constant 5000 : i32
        %lt3A_164 = vector.broadcast %lt3A_163 : i32 to vector<16xi32>
        %lt3A_165 = arith.cmpi slt, %sub3A_159, %lt3A_164 : vector<16xi32>
        %and3A_166 = arith.andi %ge3A_162, %lt3A_165 : vector<16xi1>
        %jit3A_167 = arith.constant 5000 : i32
        %broadcast_in_dim3A_168 = vector.broadcast %jit3A_167 : i32 to vector<16xi32>
        %select_n3A_169 = arith.select %and3A_166, %sub3A_159, %broadcast_in_dim3A_168 : vector<16xi1>, vector<16xi32>
        %swap3A_170 = arith.constant 32 : index
        %swap3A_171 = tpu.vector_load %arg7[%swap3A_170] {strides = array<i32>} : memref<128xi32, #tpu.memory_space<vmem>>, vector<16xi32>,
        tpu.vector_store %arg7[%swap3A_170], %select_n3A_169 {strides = array<i32>} : memref<128xi32, #tpu.memory_space<vmem>>, vector<16xi32>,
        %get3A_172 = arith.constant 48 : index
        %get3A_173 = tpu.vector_load %arg7[%get3A_172] {strides = array<i32>} : memref<128xi32, #tpu.memory_space<vmem>>, vector<16xi32>,
        %sub3A_174 = arith.constant 5000 : i32
        %sub3A_175 = vector.broadcast %sub3A_174 : i32 to vector<16xi32>
        %sub3A_176 = arith.subi %get3A_173, %sub3A_175 : vector<16xi32>
        %ge3A_177 = arith.constant 0 : i32
        %ge3A_178 = vector.broadcast %ge3A_177 : i32 to vector<16xi32>
        %ge3A_179 = arith.cmpi sge, %sub3A_176, %ge3A_178 : vector<16xi32>
        %lt3A_180 = arith.constant 5000 : i32
        %lt3A_181 = vector.broadcast %lt3A_180 : i32 to vector<16xi32>
        %lt3A_182 = arith.cmpi slt, %sub3A_176, %lt3A_181 : vector<16xi32>
        %and3A_183 = arith.andi %ge3A_179, %lt3A_182 : vector<16xi1>
        %jit3A_184 = arith.constant 5000 : i32
        %broadcast_in_dim3A_185 = vector.broadcast %jit3A_184 : i32 to vector<16xi32>
        %select_n3A_186 = arith.select %and3A_183, %sub3A_176, %broadcast_in_dim3A_185 : vector<16xi1>, vector<16xi32>
        %swap3A_187 = arith.constant 48 : index
        %swap3A_188 = tpu.vector_load %arg7[%swap3A_187] {strides = array<i32>} : memref<128xi32, #tpu.memory_space<vmem>>, vector<16xi32>,
        tpu.vector_store %arg7[%swap3A_187], %select_n3A_186 {strides = array<i32>} : memref<128xi32, #tpu.memory_space<vmem>>, vector<16xi32>,
        %get3A_189 = arith.constant 64 : index
        %get3A_190 = tpu.vector_load %arg7[%get3A_189] {strides = array<i32>} : memref<128xi32, #tpu.memory_space<vmem>>, vector<16xi32>,
        %sub3A_191 = arith.constant 5000 : i32
        %sub3A_192 = vector.broadcast %sub3A_191 : i32 to vector<16xi32>
        %sub3A_193 = arith.subi %get3A_190, %sub3A_192 : vector<16xi32>
        %ge3A_194 = arith.constant 0 : i32
        %ge3A_195 = vector.broadcast %ge3A_194 : i32 to vector<16xi32>
        %ge3A_196 = arith.cmpi sge, %sub3A_193, %ge3A_195 : vector<16xi32>
        %lt3A_197 = arith.constant 5000 : i32
        %lt3A_198 = vector.broadcast %lt3A_197 : i32 to vector<16xi32>
        %lt3A_199 = arith.cmpi slt, %sub3A_193, %lt3A_198 : vector<16xi32>
        %and3A_200 = arith.andi %ge3A_196, %lt3A_199 : vector<16xi1>
        %jit3A_201 = arith.constant 5000 : i32
        %broadcast_in_dim3A_202 = vector.broadcast %jit3A_201 : i32 to vector<16xi32>
        %select_n3A_203 = arith.select %and3A_200, %sub3A_193, %broadcast_in_dim3A_202 : vector<16xi1>, vector<16xi32>
        %swap3A_204 = arith.constant 64 : index
        %swap3A_205 = tpu.vector_load %arg7[%swap3A_204] {strides = array<i32>} : memref<128xi32, #tpu.memory_space<vmem>>, vector<16xi32>,
        tpu.vector_store %arg7[%swap3A_204], %select_n3A_203 {strides = array<i32>} : memref<128xi32, #tpu.memory_space<vmem>>, vector<16xi32>,
        %get3A_206 = arith.constant 80 : index
        %get3A_207 = tpu.vector_load %arg7[%get3A_206] {strides = array<i32>} : memref<128xi32, #tpu.memory_space<vmem>>, vector<16xi32>,
        %sub3A_208 = arith.constant 5000 : i32
        %sub3A_209 = vector.broadcast %sub3A_208 : i32 to vector<16xi32>
        %sub3A_210 = arith.subi %get3A_207, %sub3A_209 : vector<16xi32>
        %ge3A_211 = arith.constant 0 : i32
        %ge3A_212 = vector.broadcast %ge3A_211 : i32 to vector<16xi32>
        %ge3A_213 = arith.cmpi sge, %sub3A_210, %ge3A_212 : vector<16xi32>
        %lt3A_214 = arith.constant 5000 : i32
        %lt3A_215 = vector.broadcast %lt3A_214 : i32 to vector<16xi32>
        %lt3A_216 = arith.cmpi slt, %sub3A_210, %lt3A_215 : vector<16xi32>
        %and3A_217 = arith.andi %ge3A_213, %lt3A_216 : vector<16xi1>
        %jit3A_218 = arith.constant 5000 : i32
        %broadcast_in_dim3A_219 = vector.broadcast %jit3A_218 : i32 to vector<16xi32>
        %select_n3A_220 = arith.select %and3A_217, %sub3A_210, %broadcast_in_dim3A_219 : vector<16xi1>, vector<16xi32>
        %swap3A_221 = arith.constant 80 : index
        %swap3A_222 = tpu.vector_load %arg7[%swap3A_221] {strides = array<i32>} : memref<128xi32, #tpu.memory_space<vmem>>, vector<16xi32>,
        tpu.vector_store %arg7[%swap3A_221], %select_n3A_220 {strides = array<i32>} : memref<128xi32, #tpu.memory_space<vmem>>, vector<16xi32>,
        %get3A_223 = arith.constant 96 : index
        %get3A_224 = tpu.vector_load %arg7[%get3A_223] {strides = array<i32>} : memref<128xi32, #tpu.memory_space<vmem>>, vector<16xi32>,
        %sub3A_225 = arith.constant 5000 : i32
        %sub3A_226 = vector.broadcast %sub3A_225 : i32 to vector<16xi32>
        %sub3A_227 = arith.subi %get3A_224, %sub3A_226 : vector<16xi32>
        %ge3A_228 = arith.constant 0 : i32
        %ge3A_229 = vector.broadcast %ge3A_228 : i32 to vector<16xi32>
        %ge3A_230 = arith.cmpi sge, %sub3A_227, %ge3A_229 : vector<16xi32>
        %lt3A_231 = arith.constant 5000 : i32
        %lt3A_232 = vector.broadcast %lt3A_231 : i32 to vector<16xi32>
        %lt3A_233 = arith.cmpi slt, %sub3A_227, %lt3A_232 : vector<16xi32>
        %and3A_234 = arith.andi %ge3A_230, %lt3A_233 : vector<16xi1>
        %jit3A_235 = arith.constant 5000 : i32
        %broadcast_in_dim3A_236 = vector.broadcast %jit3A_235 : i32 to vector<16xi32>
        %select_n3A_237 = arith.select %and3A_234, %sub3A_227, %broadcast_in_dim3A_236 : vector<16xi1>, vector<16xi32>
        %swap3A_238 = arith.constant 96 : index
        %swap3A_239 = tpu.vector_load %arg7[%swap3A_238] {strides = array<i32>} : memref<128xi32, #tpu.memory_space<vmem>>, vector<16xi32>,
        tpu.vector_store %arg7[%swap3A_238], %select_n3A_237 {strides = array<i32>} : memref<128xi32, #tpu.memory_space<vmem>>, vector<16xi32>,
        %get3A_240 = arith.constant 112 : index
        %get3A_241 = tpu.vector_load %arg7[%get3A_240] {strides = array<i32>} : memref<128xi32, #tpu.memory_space<vmem>>, vector<16xi32>,
        %sub3A_242 = arith.constant 5000 : i32
        %sub3A_243 = vector.broadcast %sub3A_242 : i32 to vector<16xi32>
        %sub3A_244 = arith.subi %get3A_241, %sub3A_243 : vector<16xi32>
        %ge3A_245 = arith.constant 0 : i32
        %ge3A_246 = vector.broadcast %ge3A_245 : i32 to vector<16xi32>
        %ge3A_247 = arith.cmpi sge, %sub3A_244, %ge3A_246 : vector<16xi32>
        %lt3A_248 = arith.constant 5000 : i32
        %lt3A_249 = vector.broadcast %lt3A_248 : i32 to vector<16xi32>
        %lt3A_250 = arith.cmpi slt, %sub3A_244, %lt3A_249 : vector<16xi32>
        %and3A_251 = arith.andi %ge3A_247, %lt3A_250 : vector<16xi1>
        %jit3A_252 = arith.constant 5000 : i32
        %broadcast_in_dim3A_253 = vector.broadcast %jit3A_252 : i32 to vector<16xi32>
        %select_n3A_254 = arith.select %and3A_251, %sub3A_244, %broadcast_in_dim3A_253 : vector<16xi1>, vector<16xi32>
        %swap3A_255 = arith.constant 112 : index
        %swap3A_256 = tpu.vector_load %arg7[%swap3A_255] {strides = array<i32>} : memref<128xi32, #tpu.memory_space<vmem>>, vector<16xi32>,
        tpu.vector_store %arg7[%swap3A_255], %select_n3A_254 {strides = array<i32>} : memref<128xi32, #tpu.memory_space<vmem>>, vector<16xi32>,
        "tpu.region"() ({
          %run_scoped3A = tpu.sem_alloc : memref<!tpu.dma_semaphore, #tpu.memory_space<semaphore_mem>>
          %dma_start3A = tpu.memref_slice %arg2[%add3A_102, %mul3A_0] : memref<163840x288xf32, #tpu.memory_space<hbm>> -> memref<128x144xf32, #tpu.memory_space<hbm>>
          %dma_start3A_257 = tpu.memref_slice %arg2[%add3A_102, %mul3A_0] : memref<163840x288xf32, #tpu.memory_space<hbm>> -> memref<128x144xf32, #tpu.memory_space<hbm>>
          tpu.enqueue_dma source(%dma_start3A_257 : memref<128x144xf32, #tpu.memory_space<hbm>>) target(%arg8 : memref<128x144xf32, #tpu.memory_space<vmem>>) target_semaphore(%run_scoped3A : memref<!tpu.dma_semaphore, #tpu.memory_space<semaphore_mem>>)
          %dma_wait3A = tpu.memref_slice %arg2[%add3A_102, %mul3A_0] : memref<163840x288xf32, #tpu.memory_space<hbm>> -> memref<128x144xf32, #tpu.memory_space<hbm>>
          %dma_wait3A_258 = tpu.memref_slice %arg2[%add3A_102, %mul3A_0] : memref<163840x288xf32, #tpu.memory_space<hbm>> -> memref<128x144xf32, #tpu.memory_space<hbm>>
          tpu.wait_dma2 semaphore(%run_scoped3A : memref<!tpu.dma_semaphore, #tpu.memory_space<semaphore_mem>>) src(%dma_wait3A_258 : memref<128x144xf32, #tpu.memory_space<hbm>>) dst(%arg8 : memref<128x144xf32, #tpu.memory_space<vmem>>)
          tpu.yield
        }) : () -> ()
        "tpu.region"() ({
          %run_scoped3A = tpu.sem_alloc : memref<!tpu.dma_semaphore, #tpu.memory_space<semaphore_mem>>
          %dma_start3A = arith.constant 0 : i32
          %dma_start3A_257 = arith.constant 0 : i32
          %dma_start3A_258 = tpu.memref_slice %arg12[%dma_start3A, %dma_start3A_257] : memref<5120x144xf32, #tpu.memory_space<vmem_shared>> -> memref<5120x144xf32, #tpu.memory_space<vmem_shared>>
          tpu.enqueue_indirect_dma source(%arg8 : memref<128x144xf32, #tpu.memory_space<vmem>>) target(%dma_start3A_258 : memref<5120x144xf32, #tpu.memory_space<vmem_shared>>) offsets(%arg7 : memref<128xi32, #tpu.memory_space<vmem>>) semaphore(%run_scoped3A : memref<!tpu.dma_semaphore, #tpu.memory_space<semaphore_mem>>) {add = true}
          %dma_wait3A = arith.constant 0 : i32
          %dma_wait3A_259 = arith.constant 0 : i32
          %dma_wait3A_260 = tpu.memref_slice %arg12[%dma_wait3A, %dma_wait3A_259] : memref<5120x144xf32, #tpu.memory_space<vmem_shared>> -> memref<5120x144xf32, #tpu.memory_space<vmem_shared>>
          tpu.wait_indirect_dma semaphore(%run_scoped3A : memref<!tpu.dma_semaphore, #tpu.memory_space<semaphore_mem>>) src(%arg8 : memref<128x144xf32, #tpu.memory_space<vmem>>) dst(%dma_wait3A_260 : memref<5120x144xf32, #tpu.memory_space<vmem_shared>>)
          tpu.yield
        }) : () -> ()
      } else {
      }
    }
    %scan3A_73 = arith.constant 80 : i32
    %barrier3A_74 = arith.constant 0 : index
    tpu.barrier barrier_id(%barrier3A_74)
    %add3A_75 = arith.constant 0 : i32
    %add3A_76 = arith.addi %add3A_75, %arg1 : i32
    %lt3A_77 = arith.constant 40 : i32
    %lt3A_78 = arith.cmpi slt, %add3A_76, %lt3A_77 : i32
    %convert_element_type3A_79 = arith.extui %lt3A_78 : i1 to i32
    %cond3A_80 = arith.constant 0 : i32
    %cond3A_81 = arith.cmpi ne, %convert_element_type3A_79, %cond3A_80 : i32
    scf.if %cond3A_81 {
      %mul3A_97 = arith.constant 125 : i32
      %mul3A_98 = arith.muli %add3A_76, %mul3A_97 : i32
      "tpu.region"() ({
        %run_scoped3A = tpu.sem_alloc : memref<!tpu.dma_semaphore, #tpu.memory_space<semaphore_mem>>
        %dma_start3A = arith.constant 0 : i32
        %dma_start3A_105 = tpu.memref_slice %arg12[%mul3A_98, %dma_start3A] : memref<5120x144xf32, #tpu.memory_space<vmem_shared>> -> memref<125x128xf32, #tpu.memory_space<vmem_shared>>
        %dma_start3A_106 = arith.constant 0 : i32
        %dma_start3A_107 = tpu.memref_slice %arg12[%mul3A_98, %dma_start3A_106] : memref<5120x144xf32, #tpu.memory_space<vmem_shared>> -> memref<125x128xf32, #tpu.memory_space<vmem_shared>>
        tpu.enqueue_dma source(%dma_start3A_107 : memref<125x128xf32, #tpu.memory_space<vmem_shared>>) target(%arg10 : memref<125x128xf32, #tpu.memory_space<vmem>>) target_semaphore(%run_scoped3A : memref<!tpu.dma_semaphore, #tpu.memory_space<semaphore_mem>>)
        %dma_wait3A = arith.constant 0 : i32
        %dma_wait3A_108 = tpu.memref_slice %arg12[%mul3A_98, %dma_wait3A] : memref<5120x144xf32, #tpu.memory_space<vmem_shared>> -> memref<125x128xf32, #tpu.memory_space<vmem_shared>>
        %dma_wait3A_109 = arith.constant 0 : i32
        %dma_wait3A_110 = tpu.memref_slice %arg12[%mul3A_98, %dma_wait3A_109] : memref<5120x144xf32, #tpu.memory_space<vmem_shared>> -> memref<125x128xf32, #tpu.memory_space<vmem_shared>>
        tpu.wait_dma2 semaphore(%run_scoped3A : memref<!tpu.dma_semaphore, #tpu.memory_space<semaphore_mem>>) src(%dma_wait3A_110 : memref<125x128xf32, #tpu.memory_space<vmem_shared>>) dst(%arg10 : memref<125x128xf32, #tpu.memory_space<vmem>>)
        tpu.yield
      }) : () -> ()
      %add3A_99 = arith.constant 5000 : i32
      %add3A_100 = arith.addi %add3A_99, %mul3A_98 : i32
      "tpu.region"() ({
        %run_scoped3A = tpu.sem_alloc : memref<!tpu.dma_semaphore, #tpu.memory_space<semaphore_mem>>
        %dma_start3A = tpu.memref_slice %arg5[%add3A_100, %mul3A_2] : memref<10000x256xf32, #tpu.memory_space<hbm>> -> memref<125x128xf32, #tpu.memory_space<hbm>>
        %dma_start3A_105 = tpu.memref_slice %arg5[%add3A_100, %mul3A_2] : memref<10000x256xf32, #tpu.memory_space<hbm>> -> memref<125x128xf32, #tpu.memory_space<hbm>>
        tpu.enqueue_dma source(%arg10 : memref<125x128xf32, #tpu.memory_space<vmem>>) target(%dma_start3A_105 : memref<125x128xf32, #tpu.memory_space<hbm>>) target_semaphore(%run_scoped3A : memref<!tpu.dma_semaphore, #tpu.memory_space<semaphore_mem>>)
        %dma_wait3A = tpu.memref_slice %arg5[%add3A_100, %mul3A_2] : memref<10000x256xf32, #tpu.memory_space<hbm>> -> memref<125x128xf32, #tpu.memory_space<hbm>>
        %dma_wait3A_106 = tpu.memref_slice %arg5[%add3A_100, %mul3A_2] : memref<10000x256xf32, #tpu.memory_space<hbm>> -> memref<125x128xf32, #tpu.memory_space<hbm>>
        tpu.wait_dma2 semaphore(%run_scoped3A : memref<!tpu.dma_semaphore, #tpu.memory_space<semaphore_mem>>) src(%arg10 : memref<125x128xf32, #tpu.memory_space<vmem>>) dst(%dma_wait3A_106 : memref<125x128xf32, #tpu.memory_space<hbm>>)
        tpu.yield
      }) : () -> ()
      %eq3A = arith.constant 0 : i32
      %eq3A_101 = arith.cmpi eq, %arg0, %eq3A : i32
      %convert_element_type3A_102 = arith.extui %eq3A_101 : i1 to i32
      %cond3A_103 = arith.constant 0 : i32
      %cond3A_104 = arith.cmpi ne, %convert_element_type3A_102, %cond3A_103 : i32
      scf.if %cond3A_104 {
        "tpu.region"() ({
          %run_scoped3A = tpu.sem_alloc : memref<!tpu.dma_semaphore, #tpu.memory_space<semaphore_mem>>
          %dma_start3A = arith.constant 128 : i32
          %dma_start3A_107 = tpu.memref_slice %arg12[%mul3A_98, %dma_start3A] : memref<5120x144xf32, #tpu.memory_space<vmem_shared>> -> memref<125x16xf32, #tpu.memory_space<vmem_shared>>
          %dma_start3A_108 = arith.constant 128 : i32
          %dma_start3A_109 = tpu.memref_slice %arg12[%mul3A_98, %dma_start3A_108] : memref<5120x144xf32, #tpu.memory_space<vmem_shared>> -> memref<125x16xf32, #tpu.memory_space<vmem_shared>>
          tpu.enqueue_dma source(%dma_start3A_109 : memref<125x16xf32, #tpu.memory_space<vmem_shared>>) target(%arg11 : memref<125x16xf32, #tpu.memory_space<vmem>>) target_semaphore(%run_scoped3A : memref<!tpu.dma_semaphore, #tpu.memory_space<semaphore_mem>>)
          %dma_wait3A = arith.constant 128 : i32
          %dma_wait3A_110 = tpu.memref_slice %arg12[%mul3A_98, %dma_wait3A] : memref<5120x144xf32, #tpu.memory_space<vmem_shared>> -> memref<125x16xf32, #tpu.memory_space<vmem_shared>>
          %dma_wait3A_111 = arith.constant 128 : i32
          %dma_wait3A_112 = tpu.memref_slice %arg12[%mul3A_98, %dma_wait3A_111] : memref<5120x144xf32, #tpu.memory_space<vmem_shared>> -> memref<125x16xf32, #tpu.memory_space<vmem_shared>>
          tpu.wait_dma2 semaphore(%run_scoped3A : memref<!tpu.dma_semaphore, #tpu.memory_space<semaphore_mem>>) src(%dma_wait3A_112 : memref<125x16xf32, #tpu.memory_space<vmem_shared>>) dst(%arg11 : memref<125x16xf32, #tpu.memory_space<vmem>>)
          tpu.yield
        }) : () -> ()
        %add3A_105 = arith.constant 5000 : i32
        %add3A_106 = arith.addi %add3A_105, %mul3A_98 : i32
        "tpu.region"() ({
          %run_scoped3A = tpu.sem_alloc : memref<!tpu.dma_semaphore, #tpu.memory_space<semaphore_mem>>
          %dma_start3A = arith.constant 0 : i32
          %dma_start3A_107 = tpu.memref_slice %arg6[%add3A_106, %dma_start3A] : memref<10000x16xf32, #tpu.memory_space<hbm>> -> memref<125x16xf32, #tpu.memory_space<hbm>>
          %dma_start3A_108 = arith.constant 0 : i32
          %dma_start3A_109 = tpu.memref_slice %arg6[%add3A_106, %dma_start3A_108] : memref<10000x16xf32, #tpu.memory_space<hbm>> -> memref<125x16xf32, #tpu.memory_space<hbm>>
          tpu.enqueue_dma source(%arg11 : memref<125x16xf32, #tpu.memory_space<vmem>>) target(%dma_start3A_109 : memref<125x16xf32, #tpu.memory_space<hbm>>) target_semaphore(%run_scoped3A : memref<!tpu.dma_semaphore, #tpu.memory_space<semaphore_mem>>)
          %dma_wait3A = arith.constant 0 : i32
          %dma_wait3A_110 = tpu.memref_slice %arg6[%add3A_106, %dma_wait3A] : memref<10000x16xf32, #tpu.memory_space<hbm>> -> memref<125x16xf32, #tpu.memory_space<hbm>>
          %dma_wait3A_111 = arith.constant 0 : i32
          %dma_wait3A_112 = tpu.memref_slice %arg6[%add3A_106, %dma_wait3A_111] : memref<10000x16xf32, #tpu.memory_space<hbm>> -> memref<125x16xf32, #tpu.memory_space<hbm>>
          tpu.wait_dma2 semaphore(%run_scoped3A : memref<!tpu.dma_semaphore, #tpu.memory_space<semaphore_mem>>) src(%arg11 : memref<125x16xf32, #tpu.memory_space<vmem>>) dst(%dma_wait3A_112 : memref<125x16xf32, #tpu.memory_space<hbm>>)
          tpu.yield
        }) : () -> ()
      } else {
      }
    } else {
    }
    %add3A_82 = arith.constant 16 : i32
    %add3A_83 = arith.addi %add3A_82, %arg1 : i32
    %lt3A_84 = arith.constant 40 : i32
    %lt3A_85 = arith.cmpi slt, %add3A_83, %lt3A_84 : i32
    %convert_element_type3A_86 = arith.extui %lt3A_85 : i1 to i32
    %cond3A_87 = arith.constant 0 : i32
    %cond3A_88 = arith.cmpi ne, %convert_element_type3A_86, %cond3A_87 : i32
    scf.if %cond3A_88 {
      %mul3A_97 = arith.constant 125 : i32
      %mul3A_98 = arith.muli %add3A_83, %mul3A_97 : i32
      "tpu.region"() ({
        %run_scoped3A = tpu.sem_alloc : memref<!tpu.dma_semaphore, #tpu.memory_space<semaphore_mem>>
        %dma_start3A = arith.constant 0 : i32
        %dma_start3A_105 = tpu.memref_slice %arg12[%mul3A_98, %dma_start3A] : memref<5120x144xf32, #tpu.memory_space<vmem_shared>> -> memref<125x128xf32, #tpu.memory_space<vmem_shared>>
        %dma_start3A_106 = arith.constant 0 : i32
        %dma_start3A_107 = tpu.memref_slice %arg12[%mul3A_98, %dma_start3A_106] : memref<5120x144xf32, #tpu.memory_space<vmem_shared>> -> memref<125x128xf32, #tpu.memory_space<vmem_shared>>
        tpu.enqueue_dma source(%dma_start3A_107 : memref<125x128xf32, #tpu.memory_space<vmem_shared>>) target(%arg10 : memref<125x128xf32, #tpu.memory_space<vmem>>) target_semaphore(%run_scoped3A : memref<!tpu.dma_semaphore, #tpu.memory_space<semaphore_mem>>)
        %dma_wait3A = arith.constant 0 : i32
        %dma_wait3A_108 = tpu.memref_slice %arg12[%mul3A_98, %dma_wait3A] : memref<5120x144xf32, #tpu.memory_space<vmem_shared>> -> memref<125x128xf32, #tpu.memory_space<vmem_shared>>
        %dma_wait3A_109 = arith.constant 0 : i32
        %dma_wait3A_110 = tpu.memref_slice %arg12[%mul3A_98, %dma_wait3A_109] : memref<5120x144xf32, #tpu.memory_space<vmem_shared>> -> memref<125x128xf32, #tpu.memory_space<vmem_shared>>
        tpu.wait_dma2 semaphore(%run_scoped3A : memref<!tpu.dma_semaphore, #tpu.memory_space<semaphore_mem>>) src(%dma_wait3A_110 : memref<125x128xf32, #tpu.memory_space<vmem_shared>>) dst(%arg10 : memref<125x128xf32, #tpu.memory_space<vmem>>)
        tpu.yield
      }) : () -> ()
      %add3A_99 = arith.constant 5000 : i32
      %add3A_100 = arith.addi %add3A_99, %mul3A_98 : i32
      "tpu.region"() ({
        %run_scoped3A = tpu.sem_alloc : memref<!tpu.dma_semaphore, #tpu.memory_space<semaphore_mem>>
        %dma_start3A = tpu.memref_slice %arg5[%add3A_100, %mul3A_2] : memref<10000x256xf32, #tpu.memory_space<hbm>> -> memref<125x128xf32, #tpu.memory_space<hbm>>
        %dma_start3A_105 = tpu.memref_slice %arg5[%add3A_100, %mul3A_2] : memref<10000x256xf32, #tpu.memory_space<hbm>> -> memref<125x128xf32, #tpu.memory_space<hbm>>
        tpu.enqueue_dma source(%arg10 : memref<125x128xf32, #tpu.memory_space<vmem>>) target(%dma_start3A_105 : memref<125x128xf32, #tpu.memory_space<hbm>>) target_semaphore(%run_scoped3A : memref<!tpu.dma_semaphore, #tpu.memory_space<semaphore_mem>>)
        %dma_wait3A = tpu.memref_slice %arg5[%add3A_100, %mul3A_2] : memref<10000x256xf32, #tpu.memory_space<hbm>> -> memref<125x128xf32, #tpu.memory_space<hbm>>
        %dma_wait3A_106 = tpu.memref_slice %arg5[%add3A_100, %mul3A_2] : memref<10000x256xf32, #tpu.memory_space<hbm>> -> memref<125x128xf32, #tpu.memory_space<hbm>>
        tpu.wait_dma2 semaphore(%run_scoped3A : memref<!tpu.dma_semaphore, #tpu.memory_space<semaphore_mem>>) src(%arg10 : memref<125x128xf32, #tpu.memory_space<vmem>>) dst(%dma_wait3A_106 : memref<125x128xf32, #tpu.memory_space<hbm>>)
        tpu.yield
      }) : () -> ()
      %eq3A = arith.constant 0 : i32
      %eq3A_101 = arith.cmpi eq, %arg0, %eq3A : i32
      %convert_element_type3A_102 = arith.extui %eq3A_101 : i1 to i32
      %cond3A_103 = arith.constant 0 : i32
      %cond3A_104 = arith.cmpi ne, %convert_element_type3A_102, %cond3A_103 : i32
      scf.if %cond3A_104 {
        "tpu.region"() ({
          %run_scoped3A = tpu.sem_alloc : memref<!tpu.dma_semaphore, #tpu.memory_space<semaphore_mem>>
          %dma_start3A = arith.constant 128 : i32
          %dma_start3A_107 = tpu.memref_slice %arg12[%mul3A_98, %dma_start3A] : memref<5120x144xf32, #tpu.memory_space<vmem_shared>> -> memref<125x16xf32, #tpu.memory_space<vmem_shared>>
          %dma_start3A_108 = arith.constant 128 : i32
          %dma_start3A_109 = tpu.memref_slice %arg12[%mul3A_98, %dma_start3A_108] : memref<5120x144xf32, #tpu.memory_space<vmem_shared>> -> memref<125x16xf32, #tpu.memory_space<vmem_shared>>
          tpu.enqueue_dma source(%dma_start3A_109 : memref<125x16xf32, #tpu.memory_space<vmem_shared>>) target(%arg11 : memref<125x16xf32, #tpu.memory_space<vmem>>) target_semaphore(%run_scoped3A : memref<!tpu.dma_semaphore, #tpu.memory_space<semaphore_mem>>)
          %dma_wait3A = arith.constant 128 : i32
          %dma_wait3A_110 = tpu.memref_slice %arg12[%mul3A_98, %dma_wait3A] : memref<5120x144xf32, #tpu.memory_space<vmem_shared>> -> memref<125x16xf32, #tpu.memory_space<vmem_shared>>
          %dma_wait3A_111 = arith.constant 128 : i32
          %dma_wait3A_112 = tpu.memref_slice %arg12[%mul3A_98, %dma_wait3A_111] : memref<5120x144xf32, #tpu.memory_space<vmem_shared>> -> memref<125x16xf32, #tpu.memory_space<vmem_shared>>
          tpu.wait_dma2 semaphore(%run_scoped3A : memref<!tpu.dma_semaphore, #tpu.memory_space<semaphore_mem>>) src(%dma_wait3A_112 : memref<125x16xf32, #tpu.memory_space<vmem_shared>>) dst(%arg11 : memref<125x16xf32, #tpu.memory_space<vmem>>)
          tpu.yield
        }) : () -> ()
        %add3A_105 = arith.constant 5000 : i32
        %add3A_106 = arith.addi %add3A_105, %mul3A_98 : i32
        "tpu.region"() ({
          %run_scoped3A = tpu.sem_alloc : memref<!tpu.dma_semaphore, #tpu.memory_space<semaphore_mem>>
          %dma_start3A = arith.constant 0 : i32
          %dma_start3A_107 = tpu.memref_slice %arg6[%add3A_106, %dma_start3A] : memref<10000x16xf32, #tpu.memory_space<hbm>> -> memref<125x16xf32, #tpu.memory_space<hbm>>
          %dma_start3A_108 = arith.constant 0 : i32
          %dma_start3A_109 = tpu.memref_slice %arg6[%add3A_106, %dma_start3A_108] : memref<10000x16xf32, #tpu.memory_space<hbm>> -> memref<125x16xf32, #tpu.memory_space<hbm>>
          tpu.enqueue_dma source(%arg11 : memref<125x16xf32, #tpu.memory_space<vmem>>) target(%dma_start3A_109 : memref<125x16xf32, #tpu.memory_space<hbm>>) target_semaphore(%run_scoped3A : memref<!tpu.dma_semaphore, #tpu.memory_space<semaphore_mem>>)
          %dma_wait3A = arith.constant 0 : i32
          %dma_wait3A_110 = tpu.memref_slice %arg6[%add3A_106, %dma_wait3A] : memref<10000x16xf32, #tpu.memory_space<hbm>> -> memref<125x16xf32, #tpu.memory_space<hbm>>
          %dma_wait3A_111 = arith.constant 0 : i32
          %dma_wait3A_112 = tpu.memref_slice %arg6[%add3A_106, %dma_wait3A_111] : memref<10000x16xf32, #tpu.memory_space<hbm>> -> memref<125x16xf32, #tpu.memory_space<hbm>>
          tpu.wait_dma2 semaphore(%run_scoped3A : memref<!tpu.dma_semaphore, #tpu.memory_space<semaphore_mem>>) src(%arg11 : memref<125x16xf32, #tpu.memory_space<vmem>>) dst(%dma_wait3A_112 : memref<125x16xf32, #tpu.memory_space<hbm>>)
          tpu.yield
        }) : () -> ()
      } else {
      }
    } else {
    }
    %add3A_89 = arith.constant 32 : i32
    %add3A_90 = arith.addi %add3A_89, %arg1 : i32
    %lt3A_91 = arith.constant 40 : i32
    %lt3A_92 = arith.cmpi slt, %add3A_90, %lt3A_91 : i32
    %convert_element_type3A_93 = arith.extui %lt3A_92 : i1 to i32
    %cond3A_94 = arith.constant 0 : i32
    %cond3A_95 = arith.cmpi ne, %convert_element_type3A_93, %cond3A_94 : i32
    scf.if %cond3A_95 {
      %mul3A_97 = arith.constant 125 : i32
      %mul3A_98 = arith.muli %add3A_90, %mul3A_97 : i32
      "tpu.region"() ({
        %run_scoped3A = tpu.sem_alloc : memref<!tpu.dma_semaphore, #tpu.memory_space<semaphore_mem>>
        %dma_start3A = arith.constant 0 : i32
        %dma_start3A_105 = tpu.memref_slice %arg12[%mul3A_98, %dma_start3A] : memref<5120x144xf32, #tpu.memory_space<vmem_shared>> -> memref<125x128xf32, #tpu.memory_space<vmem_shared>>
        %dma_start3A_106 = arith.constant 0 : i32
        %dma_start3A_107 = tpu.memref_slice %arg12[%mul3A_98, %dma_start3A_106] : memref<5120x144xf32, #tpu.memory_space<vmem_shared>> -> memref<125x128xf32, #tpu.memory_space<vmem_shared>>
        tpu.enqueue_dma source(%dma_start3A_107 : memref<125x128xf32, #tpu.memory_space<vmem_shared>>) target(%arg10 : memref<125x128xf32, #tpu.memory_space<vmem>>) target_semaphore(%run_scoped3A : memref<!tpu.dma_semaphore, #tpu.memory_space<semaphore_mem>>)
        %dma_wait3A = arith.constant 0 : i32
        %dma_wait3A_108 = tpu.memref_slice %arg12[%mul3A_98, %dma_wait3A] : memref<5120x144xf32, #tpu.memory_space<vmem_shared>> -> memref<125x128xf32, #tpu.memory_space<vmem_shared>>
        %dma_wait3A_109 = arith.constant 0 : i32
        %dma_wait3A_110 = tpu.memref_slice %arg12[%mul3A_98, %dma_wait3A_109] : memref<5120x144xf32, #tpu.memory_space<vmem_shared>> -> memref<125x128xf32, #tpu.memory_space<vmem_shared>>
        tpu.wait_dma2 semaphore(%run_scoped3A : memref<!tpu.dma_semaphore, #tpu.memory_space<semaphore_mem>>) src(%dma_wait3A_110 : memref<125x128xf32, #tpu.memory_space<vmem_shared>>) dst(%arg10 : memref<125x128xf32, #tpu.memory_space<vmem>>)
        tpu.yield
      }) : () -> ()
      %add3A_99 = arith.constant 5000 : i32
      %add3A_100 = arith.addi %add3A_99, %mul3A_98 : i32
      "tpu.region"() ({
        %run_scoped3A = tpu.sem_alloc : memref<!tpu.dma_semaphore, #tpu.memory_space<semaphore_mem>>
        %dma_start3A = tpu.memref_slice %arg5[%add3A_100, %mul3A_2] : memref<10000x256xf32, #tpu.memory_space<hbm>> -> memref<125x128xf32, #tpu.memory_space<hbm>>
        %dma_start3A_105 = tpu.memref_slice %arg5[%add3A_100, %mul3A_2] : memref<10000x256xf32, #tpu.memory_space<hbm>> -> memref<125x128xf32, #tpu.memory_space<hbm>>
        tpu.enqueue_dma source(%arg10 : memref<125x128xf32, #tpu.memory_space<vmem>>) target(%dma_start3A_105 : memref<125x128xf32, #tpu.memory_space<hbm>>) target_semaphore(%run_scoped3A : memref<!tpu.dma_semaphore, #tpu.memory_space<semaphore_mem>>)
        %dma_wait3A = tpu.memref_slice %arg5[%add3A_100, %mul3A_2] : memref<10000x256xf32, #tpu.memory_space<hbm>> -> memref<125x128xf32, #tpu.memory_space<hbm>>
        %dma_wait3A_106 = tpu.memref_slice %arg5[%add3A_100, %mul3A_2] : memref<10000x256xf32, #tpu.memory_space<hbm>> -> memref<125x128xf32, #tpu.memory_space<hbm>>
        tpu.wait_dma2 semaphore(%run_scoped3A : memref<!tpu.dma_semaphore, #tpu.memory_space<semaphore_mem>>) src(%arg10 : memref<125x128xf32, #tpu.memory_space<vmem>>) dst(%dma_wait3A_106 : memref<125x128xf32, #tpu.memory_space<hbm>>)
        tpu.yield
      }) : () -> ()
      %eq3A = arith.constant 0 : i32
      %eq3A_101 = arith.cmpi eq, %arg0, %eq3A : i32
      %convert_element_type3A_102 = arith.extui %eq3A_101 : i1 to i32
      %cond3A_103 = arith.constant 0 : i32
      %cond3A_104 = arith.cmpi ne, %convert_element_type3A_102, %cond3A_103 : i32
      scf.if %cond3A_104 {
        "tpu.region"() ({
          %run_scoped3A = tpu.sem_alloc : memref<!tpu.dma_semaphore, #tpu.memory_space<semaphore_mem>>
          %dma_start3A = arith.constant 128 : i32
          %dma_start3A_107 = tpu.memref_slice %arg12[%mul3A_98, %dma_start3A] : memref<5120x144xf32, #tpu.memory_space<vmem_shared>> -> memref<125x16xf32, #tpu.memory_space<vmem_shared>>
          %dma_start3A_108 = arith.constant 128 : i32
          %dma_start3A_109 = tpu.memref_slice %arg12[%mul3A_98, %dma_start3A_108] : memref<5120x144xf32, #tpu.memory_space<vmem_shared>> -> memref<125x16xf32, #tpu.memory_space<vmem_shared>>
          tpu.enqueue_dma source(%dma_start3A_109 : memref<125x16xf32, #tpu.memory_space<vmem_shared>>) target(%arg11 : memref<125x16xf32, #tpu.memory_space<vmem>>) target_semaphore(%run_scoped3A : memref<!tpu.dma_semaphore, #tpu.memory_space<semaphore_mem>>)
          %dma_wait3A = arith.constant 128 : i32
          %dma_wait3A_110 = tpu.memref_slice %arg12[%mul3A_98, %dma_wait3A] : memref<5120x144xf32, #tpu.memory_space<vmem_shared>> -> memref<125x16xf32, #tpu.memory_space<vmem_shared>>
          %dma_wait3A_111 = arith.constant 128 : i32
          %dma_wait3A_112 = tpu.memref_slice %arg12[%mul3A_98, %dma_wait3A_111] : memref<5120x144xf32, #tpu.memory_space<vmem_shared>> -> memref<125x16xf32, #tpu.memory_space<vmem_shared>>
          tpu.wait_dma2 semaphore(%run_scoped3A : memref<!tpu.dma_semaphore, #tpu.memory_space<semaphore_mem>>) src(%dma_wait3A_112 : memref<125x16xf32, #tpu.memory_space<vmem_shared>>) dst(%arg11 : memref<125x16xf32, #tpu.memory_space<vmem>>)
          tpu.yield
        }) : () -> ()
        %add3A_105 = arith.constant 5000 : i32
        %add3A_106 = arith.addi %add3A_105, %mul3A_98 : i32
        "tpu.region"() ({
          %run_scoped3A = tpu.sem_alloc : memref<!tpu.dma_semaphore, #tpu.memory_space<semaphore_mem>>
          %dma_start3A = arith.constant 0 : i32
          %dma_start3A_107 = tpu.memref_slice %arg6[%add3A_106, %dma_start3A] : memref<10000x16xf32, #tpu.memory_space<hbm>> -> memref<125x16xf32, #tpu.memory_space<hbm>>
          %dma_start3A_108 = arith.constant 0 : i32
          %dma_start3A_109 = tpu.memref_slice %arg6[%add3A_106, %dma_start3A_108] : memref<10000x16xf32, #tpu.memory_space<hbm>> -> memref<125x16xf32, #tpu.memory_space<hbm>>
          tpu.enqueue_dma source(%arg11 : memref<125x16xf32, #tpu.memory_space<vmem>>) target(%dma_start3A_109 : memref<125x16xf32, #tpu.memory_space<hbm>>) target_semaphore(%run_scoped3A : memref<!tpu.dma_semaphore, #tpu.memory_space<semaphore_mem>>)
          %dma_wait3A = arith.constant 0 : i32
          %dma_wait3A_110 = tpu.memref_slice %arg6[%add3A_106, %dma_wait3A] : memref<10000x16xf32, #tpu.memory_space<hbm>> -> memref<125x16xf32, #tpu.memory_space<hbm>>
          %dma_wait3A_111 = arith.constant 0 : i32
          %dma_wait3A_112 = tpu.memref_slice %arg6[%add3A_106, %dma_wait3A_111] : memref<10000x16xf32, #tpu.memory_space<hbm>> -> memref<125x16xf32, #tpu.memory_space<hbm>>
          tpu.wait_dma2 semaphore(%run_scoped3A : memref<!tpu.dma_semaphore, #tpu.memory_space<semaphore_mem>>) src(%arg11 : memref<125x16xf32, #tpu.memory_space<vmem>>) dst(%dma_wait3A_112 : memref<125x16xf32, #tpu.memory_space<hbm>>)
          tpu.yield
        }) : () -> ()
      } else {
      }
    } else {
    }
    %barrier3A_96 = arith.constant 0 : index
    tpu.barrier barrier_id(%barrier3A_96)
    return
  }
}

module attributes {stable_mosaic.version = 14 : i64} {
  func.func @_node_mm_body(%arg0: i32, %arg1: memref<2000x256xf32, #tpu.memory_space<vmem>>, %arg2: memref<256x256xf32, #tpu.memory_space<vmem>>, %arg3: memref<256xf32, #tpu.memory_space<vmem>>, %arg4: memref<2000x16xf32, #tpu.memory_space<vmem>>, %arg5: memref<2000x272xf32, #tpu.memory_space<vmem>>) attributes {dimension_semantics = [#tpu.dimension_semantics<arbitrary>], iteration_bounds = array<i64: 5>, scalar_prefetch = 0 : i64, scratch_operands = 0 : i64, tpu.core_type = #tpu.core_type<tc>, window_params = [{transform_indices = @transform_0, window_bounds = array<i64: 2000, 256>}, {pipeline_mode = #tpu.pipeline_mode<synchronous>, transform_indices = @transform_1, window_bounds = array<i64: 256, 256>}, {pipeline_mode = #tpu.pipeline_mode<synchronous>, transform_indices = @transform_2, window_bounds = array<i64: 256>}, {transform_indices = @transform_3, window_bounds = array<i64: 2000, 16>}, {transform_indices = @transform_4, window_bounds = array<i64: 2000, 272>}]} {
    %get3A = arith.constant 0 : index
    %get3A_0 = arith.constant 0 : index
    %get3A_1 = vector.load %arg1[%get3A, %get3A_0] : memref<2000x256xf32, #tpu.memory_space<vmem>>, vector<2000x256xf32>
    %get3A_2 = arith.constant 0 : index
    %get3A_3 = arith.constant 0 : index
    %get3A_4 = vector.load %arg2[%get3A_2, %get3A_3] : memref<256x256xf32, #tpu.memory_space<vmem>>, vector<256x256xf32>
    %dot_general3A = arith.constant dense<0.000000e+00> : vector<2000x256xf32>
    %dot_general3A_5 = tpu.matmul %get3A_1, %get3A_4, %dot_general3A {dimension_numbers = #tpu.dot_dimension_numbers<[1], [0], [0], [1], [0, 0, 1, 1], [], []>, transpose_lhs_hint = false} : vector<2000x256xf32>, vector<256x256xf32>, vector<2000x256xf32> -> vector<2000x256xf32>
    %get3A_6 = arith.constant 0 : index
    %get3A_7 = vector.load %arg3[%get3A_6] : memref<256xf32, #tpu.memory_space<vmem>>, vector<256xf32>
    %broadcast_in_dim3A = vector.shape_cast %get3A_7 : vector<256xf32> to vector<1x256xf32>
    %add3A = vector.broadcast %broadcast_in_dim3A : vector<1x256xf32> to vector<2000x256xf32>
    %add3A_8 = arith.addf %dot_general3A_5, %add3A : vector<2000x256xf32>
    %swap3A = arith.constant 0 : index
    %swap3A_9 = arith.constant 0 : index
    %swap3A_10 = vector.load %arg5[%swap3A, %swap3A_9] : memref<2000x272xf32, #tpu.memory_space<vmem>>, vector<2000x256xf32>
    tpu.vector_store %arg5[%swap3A, %swap3A_9], %add3A_8 {strides = array<i32>} : memref<2000x272xf32, #tpu.memory_space<vmem>>, vector<2000x256xf32>,
    %get3A_11 = arith.constant 0 : index
    %get3A_12 = arith.constant 0 : index
    %get3A_13 = vector.load %arg4[%get3A_11, %get3A_12] : memref<2000x16xf32, #tpu.memory_space<vmem>>, vector<2000x16xf32>
    %swap3A_14 = arith.constant 0 : index
    %swap3A_15 = arith.constant 256 : index
    %swap3A_16 = vector.load %arg5[%swap3A_14, %swap3A_15] : memref<2000x272xf32, #tpu.memory_space<vmem>>, vector<2000x16xf32>
    tpu.vector_store %arg5[%swap3A_14, %swap3A_15], %get3A_13 {strides = array<i32>} : memref<2000x272xf32, #tpu.memory_space<vmem>>, vector<2000x16xf32>,
    return
  }
  func.func @transform_0(%arg0: i32) -> (i32, i32) {
    %c0_i32 = arith.constant 0 : i32
    %c0_i32_0 = arith.constant 0 : i32
    return %arg0, %c0_i32 : i32, i32
  }
  func.func @transform_1(%arg0: i32) -> (i32, i32) {
    %c0_i32 = arith.constant 0 : i32
    %c0_i32_0 = arith.constant 0 : i32
    %c0_i32_1 = arith.constant 0 : i32
    return %c0_i32, %c0_i32_0 : i32, i32
  }
  func.func @transform_2(%arg0: i32) -> i32 {
    %c0_i32 = arith.constant 0 : i32
    %c0_i32_0 = arith.constant 0 : i32
    return %c0_i32 : i32
  }
  func.func @transform_3(%arg0: i32) -> (i32, i32) {
    %c0_i32 = arith.constant 0 : i32
    %c0_i32_0 = arith.constant 0 : i32
    return %arg0, %c0_i32 : i32, i32
  }
  func.func @transform_4(%arg0: i32) -> (i32, i32) {
    %c0_i32 = arith.constant 0 : i32
    %c0_i32_0 = arith.constant 0 : i32
    return %arg0, %c0_i32 : i32, i32
  }
}

module attributes {stable_mosaic.version = 14 : i64} {
  func.func @_edge_body(%arg0: i32, %arg1: memref<2048x272xf32, #tpu.memory_space<vmem>>, %arg2: memref<2048x16xf32, #tpu.memory_space<vmem>>, %arg3: memref<64x64xf32, #tpu.memory_space<vmem>>, %arg4: memref<64xf32, #tpu.memory_space<vmem>>, %arg5: memref<64x64xf32, #tpu.memory_space<vmem>>, %arg6: memref<64xf32, #tpu.memory_space<vmem>>, %arg7: memref<64x256xf32, #tpu.memory_space<vmem>>, %arg8: memref<16x256xf32, #tpu.memory_space<vmem>>, %arg9: memref<1x256xf32, #tpu.memory_space<vmem>>, %arg10: memref<1x32xf32, #tpu.memory_space<vmem>>, %arg11: memref<256x8xf32, #tpu.memory_space<vmem>>, %arg12: memref<8x256xf32, #tpu.memory_space<vmem>>, %arg13: memref<2048x288xf32, #tpu.memory_space<vmem>>) attributes {dimension_semantics = [#tpu.dimension_semantics<arbitrary>], iteration_bounds = array<i64: 80>, scalar_prefetch = 0 : i64, scratch_operands = 0 : i64, tpu.core_type = #tpu.core_type<tc>, window_params = [{transform_indices = @transform_0, window_bounds = array<i64: 2048, 272>}, {transform_indices = @transform_1, window_bounds = array<i64: 2048, 16>}, {pipeline_mode = #tpu.pipeline_mode<synchronous>, transform_indices = @transform_2, window_bounds = array<i64: 64, 64>}, {pipeline_mode = #tpu.pipeline_mode<synchronous>, transform_indices = @transform_3, window_bounds = array<i64: 64>}, {pipeline_mode = #tpu.pipeline_mode<synchronous>, transform_indices = @transform_4, window_bounds = array<i64: 64, 64>}, {pipeline_mode = #tpu.pipeline_mode<synchronous>, transform_indices = @transform_5, window_bounds = array<i64: 64>}, {pipeline_mode = #tpu.pipeline_mode<synchronous>, transform_indices = @transform_6, window_bounds = array<i64: 64, 256>}, {pipeline_mode = #tpu.pipeline_mode<synchronous>, transform_indices = @transform_7, window_bounds = array<i64: 16, 256>}, {pipeline_mode = #tpu.pipeline_mode<synchronous>, transform_indices = @transform_8, window_bounds = array<i64: 1, 256>}, {pipeline_mode = #tpu.pipeline_mode<synchronous>, transform_indices = @transform_9, window_bounds = array<i64: 1, 32>}, {pipeline_mode = #tpu.pipeline_mode<synchronous>, transform_indices = @transform_10, window_bounds = array<i64: 256, 8>}, {pipeline_mode = #tpu.pipeline_mode<synchronous>, transform_indices = @transform_11, window_bounds = array<i64: 8, 256>}, {transform_indices = @transform_12, window_bounds = array<i64: 2048, 288>}]} {
    %get3A = arith.constant 0 : index
    %get3A_0 = arith.constant 0 : index
    %get3A_1 = vector.load %arg1[%get3A, %get3A_0] : memref<2048x272xf32, #tpu.memory_space<vmem>>, vector<2048x272xf32>
    %slice3A = vector.extract_strided_slice %get3A_1 {offsets = [0, 0], sizes = [2048, 256], strides = [1, 1]} : vector<2048x272xf32> to vector<2048x256xf32>
    %slice3A_2 = vector.extract_strided_slice %get3A_1 {offsets = [0, 256], sizes = [2048, 16], strides = [1, 1]} : vector<2048x272xf32> to vector<2048x16xf32>
    %get3A_3 = arith.constant 0 : index
    %get3A_4 = arith.constant 0 : index
    %get3A_5 = vector.load %arg2[%get3A_3, %get3A_4] : memref<2048x16xf32, #tpu.memory_space<vmem>>, vector<2048x16xf32>
    %sub3A = arith.subf %slice3A_2, %get3A_5 : vector<2048x16xf32>
    %mul3A = arith.mulf %sub3A, %sub3A : vector<2048x16xf32>
    %reduce_sum3A = arith.constant dense<0.000000e+00> : vector<2048xf32>
    %reduce_sum3A_6 = vector.multi_reduction <add>, %mul3A, %reduce_sum3A [1] : vector<2048x16xf32> to vector<2048xf32>
    %broadcast_in_dim3A = vector.shape_cast %reduce_sum3A_6 : vector<2048xf32> to vector<2048x1xf32>
    %sqrt3A = math.sqrt %broadcast_in_dim3A : vector<2048x1xf32>
    %add3A = arith.constant 9.99999971E-10 : f32
    %add3A_7 = vector.broadcast %add3A : f32 to vector<2048x1xf32>
    %add3A_8 = arith.addf %sqrt3A, %add3A_7 : vector<2048x1xf32>
    %div3A = arith.constant 1.000000e+00 : f32
    %div3A_9 = vector.broadcast %div3A : f32 to vector<2048x1xf32>
    %div3A_10 = arith.divf %div3A_9, %add3A_8 : vector<2048x1xf32>
    %slice3A_11 = vector.extract_strided_slice %sub3A {offsets = [0, 0], sizes = [2048, 1], strides = [1, 1]} : vector<2048x16xf32> to vector<2048x1xf32>
    %mul3A_12 = arith.mulf %slice3A_11, %div3A_10 : vector<2048x1xf32>
    %slice3A_13 = vector.extract_strided_slice %sub3A {offsets = [0, 1], sizes = [2048, 1], strides = [1, 1]} : vector<2048x16xf32> to vector<2048x1xf32>
    %mul3A_14 = arith.mulf %slice3A_13, %div3A_10 : vector<2048x1xf32>
    %slice3A_15 = vector.extract_strided_slice %sub3A {offsets = [0, 2], sizes = [2048, 1], strides = [1, 1]} : vector<2048x16xf32> to vector<2048x1xf32>
    %mul3A_16 = arith.mulf %slice3A_15, %div3A_10 : vector<2048x1xf32>
    %broadcast_in_dim3A_17 = arith.constant 1.000000e+00 : f32
    %broadcast_in_dim3A_18 = vector.broadcast %broadcast_in_dim3A_17 : f32 to vector<2048x1xf32>
    %mul3A_19 = arith.constant 1.73205078 : f32
    %mul3A_20 = vector.broadcast %mul3A_19 : f32 to vector<2048x1xf32>
    %mul3A_21 = arith.mulf %mul3A_20, %mul3A_12 : vector<2048x1xf32>
    %mul3A_22 = arith.constant 1.73205078 : f32
    %mul3A_23 = vector.broadcast %mul3A_22 : f32 to vector<2048x1xf32>
    %mul3A_24 = arith.mulf %mul3A_23, %mul3A_14 : vector<2048x1xf32>
    %mul3A_25 = arith.constant 1.73205078 : f32
    %mul3A_26 = vector.broadcast %mul3A_25 : f32 to vector<2048x1xf32>
    %mul3A_27 = arith.mulf %mul3A_26, %mul3A_16 : vector<2048x1xf32>
    %mul3A_28 = arith.constant 3.87298346 : f32
    %mul3A_29 = vector.broadcast %mul3A_28 : f32 to vector<2048x1xf32>
    %mul3A_30 = arith.mulf %mul3A_29, %mul3A_12 : vector<2048x1xf32>
    %mul3A_31 = arith.mulf %mul3A_30, %mul3A_14 : vector<2048x1xf32>
    %mul3A_32 = arith.constant 3.87298346 : f32
    %mul3A_33 = vector.broadcast %mul3A_32 : f32 to vector<2048x1xf32>
    %mul3A_34 = arith.mulf %mul3A_33, %mul3A_14 : vector<2048x1xf32>
    %mul3A_35 = arith.mulf %mul3A_34, %mul3A_16 : vector<2048x1xf32>
    %mul3A_36 = arith.constant 3.000000e+00 : f32
    %mul3A_37 = vector.broadcast %mul3A_36 : f32 to vector<2048x1xf32>
    %mul3A_38 = arith.mulf %mul3A_37, %mul3A_16 : vector<2048x1xf32>
    %mul3A_39 = arith.mulf %mul3A_38, %mul3A_16 : vector<2048x1xf32>
    %sub3A_40 = arith.constant 1.000000e+00 : f32
    %sub3A_41 = vector.broadcast %sub3A_40 : f32 to vector<2048x1xf32>
    %sub3A_42 = arith.subf %mul3A_39, %sub3A_41 : vector<2048x1xf32>
    %mul3A_43 = arith.constant 1.11803401 : f32
    %mul3A_44 = vector.broadcast %mul3A_43 : f32 to vector<2048x1xf32>
    %mul3A_45 = arith.mulf %mul3A_44, %sub3A_42 : vector<2048x1xf32>
    %mul3A_46 = arith.constant 3.87298346 : f32
    %mul3A_47 = vector.broadcast %mul3A_46 : f32 to vector<2048x1xf32>
    %mul3A_48 = arith.mulf %mul3A_47, %mul3A_12 : vector<2048x1xf32>
    %mul3A_49 = arith.mulf %mul3A_48, %mul3A_16 : vector<2048x1xf32>
    %mul3A_50 = arith.mulf %mul3A_12, %mul3A_12 : vector<2048x1xf32>
    %mul3A_51 = arith.mulf %mul3A_14, %mul3A_14 : vector<2048x1xf32>
    %sub3A_52 = arith.subf %mul3A_50, %mul3A_51 : vector<2048x1xf32>
    %mul3A_53 = arith.constant 1.93649173 : f32
    %mul3A_54 = vector.broadcast %mul3A_53 : f32 to vector<2048x1xf32>
    %mul3A_55 = arith.mulf %mul3A_54, %sub3A_52 : vector<2048x1xf32>
    %broadcast_in_dim3A_56 = arith.constant 0.000000e+00 : f32
    %broadcast_in_dim3A_57 = vector.broadcast %broadcast_in_dim3A_56 : f32 to vector<2048x7xf32>
    %concatenate3A = tpu.concatenate %broadcast_in_dim3A_18, %mul3A_21, %mul3A_24, %mul3A_27, %mul3A_31, %mul3A_35, %mul3A_45, %mul3A_49, %mul3A_55, %broadcast_in_dim3A_57 in 1 : vector<2048x1xf32>, vector<2048x1xf32>, vector<2048x1xf32>, vector<2048x1xf32>, vector<2048x1xf32>, vector<2048x1xf32>, vector<2048x1xf32>, vector<2048x1xf32>, vector<2048x1xf32>, vector<2048x7xf32> -> vector<2048x16xf32>
    %get3A_58 = arith.constant 0 : index
    %get3A_59 = arith.constant 0 : index
    %get3A_60 = vector.load %arg8[%get3A_58, %get3A_59] : memref<16x256xf32, #tpu.memory_space<vmem>>, vector<16x256xf32>
    %dot_general3A = arith.constant dense<0.000000e+00> : vector<2048x256xf32>
    %dot_general3A_61 = tpu.matmul %concatenate3A, %get3A_60, %dot_general3A {dimension_numbers = #tpu.dot_dimension_numbers<[1], [0], [0], [1], [0, 0, 1, 1], [], []>, transpose_lhs_hint = false} : vector<2048x16xf32>, vector<16x256xf32>, vector<2048x256xf32> -> vector<2048x256xf32>
    %get3A_62 = arith.constant 0 : index
    %get3A_63 = arith.constant 0 : index
    %get3A_64 = vector.load %arg10[%get3A_62, %get3A_63] : memref<1x32xf32, #tpu.memory_space<vmem>>, vector<1x32xf32>
    %mul3A_65 = vector.broadcast %sqrt3A : vector<2048x1xf32> to vector<2048x32xf32>
    %mul3A_66 = vector.broadcast %get3A_64 : vector<1x32xf32> to vector<2048x32xf32>
    %mul3A_67 = arith.mulf %mul3A_65, %mul3A_66 : vector<2048x32xf32>
    %mul3A_68 = arith.constant 1.000000e-01 : f32
    %mul3A_69 = vector.broadcast %mul3A_68 : f32 to vector<2048x1xf32>
    %mul3A_70 = arith.mulf %sqrt3A, %mul3A_69 : vector<2048x1xf32>
    %jit3A = arith.constant 0.000000e+00 : f32
    %jit3A_71 = arith.constant 1.000000e+00 : f32
    %max3A = vector.broadcast %jit3A : f32 to vector<2048x1xf32>
    %max3A_72 = arith.maximumf %max3A, %mul3A_70 : vector<2048x1xf32>
    %min3A = vector.broadcast %jit3A_71 : f32 to vector<2048x1xf32>
    %min3A_73 = arith.minimumf %min3A, %max3A_72 : vector<2048x1xf32>
    %add3A_74 = arith.constant 1.57079637 : f32
    %add3A_75 = vector.broadcast %add3A_74 : f32 to vector<2048x32xf32>
    %add3A_76 = arith.addf %mul3A_67, %add3A_75 : vector<2048x32xf32>
    %mul3A_77 = arith.constant 3.14159274 : f32
    %mul3A_78 = vector.broadcast %mul3A_77 : f32 to vector<2048x1xf32>
    %mul3A_79 = arith.mulf %mul3A_78, %min3A_73 : vector<2048x1xf32>
    %add3A_80 = arith.constant 1.57079637 : f32
    %add3A_81 = vector.broadcast %add3A_80 : f32 to vector<2048x1xf32>
    %add3A_82 = arith.addf %mul3A_79, %add3A_81 : vector<2048x1xf32>
    %concatenate3A_83 = tpu.concatenate %mul3A_67, %add3A_76, %add3A_82 in 1 : vector<2048x32xf32>, vector<2048x32xf32>, vector<2048x1xf32> -> vector<2048x65xf32>
    %sin3A = math.sin %concatenate3A_83 : vector<2048x65xf32>
    %slice3A_84 = vector.extract_strided_slice %sin3A {offsets = [0, 0], sizes = [2048, 64], strides = [1, 1]} : vector<2048x65xf32> to vector<2048x64xf32>
    %slice3A_85 = vector.extract_strided_slice %sin3A {offsets = [0, 64], sizes = [2048, 1], strides = [1, 1]} : vector<2048x65xf32> to vector<2048x1xf32>
    %add3A_86 = arith.constant 1.000000e+00 : f32
    %add3A_87 = vector.broadcast %add3A_86 : f32 to vector<2048x1xf32>
    %add3A_88 = arith.addf %slice3A_85, %add3A_87 : vector<2048x1xf32>
    %mul3A_89 = arith.constant 5.000000e-01 : f32
    %mul3A_90 = vector.broadcast %mul3A_89 : f32 to vector<2048x1xf32>
    %mul3A_91 = arith.mulf %mul3A_90, %add3A_88 : vector<2048x1xf32>
    %get3A_92 = arith.constant 0 : index
    %get3A_93 = arith.constant 0 : index
    %get3A_94 = vector.load %arg3[%get3A_92, %get3A_93] : memref<64x64xf32, #tpu.memory_space<vmem>>, vector<64x64xf32>
    %dot_general3A_95 = arith.constant dense<0.000000e+00> : vector<2048x64xf32>
    %dot_general3A_96 = tpu.matmul %slice3A_84, %get3A_94, %dot_general3A_95 {dimension_numbers = #tpu.dot_dimension_numbers<[1], [0], [0], [1], [0, 0, 1, 1], [], []>, transpose_lhs_hint = false} : vector<2048x64xf32>, vector<64x64xf32>, vector<2048x64xf32> -> vector<2048x64xf32>
    %get3A_97 = arith.constant 0 : index
    %get3A_98 = vector.load %arg4[%get3A_97] : memref<64xf32, #tpu.memory_space<vmem>>, vector<64xf32>
    %broadcast_in_dim3A_99 = vector.shape_cast %get3A_98 : vector<64xf32> to vector<1x64xf32>
    %add3A_100 = vector.broadcast %broadcast_in_dim3A_99 : vector<1x64xf32> to vector<2048x64xf32>
    %add3A_101 = arith.addf %dot_general3A_96, %add3A_100 : vector<2048x64xf32>
    %neg3A = arith.constant 0.000000e+00 : f32
    %neg3A_102 = vector.broadcast %neg3A : f32 to vector<2048x64xf32>
    %neg3A_103 = arith.subf %neg3A_102, %add3A_101 : vector<2048x64xf32>
    %exp3A = math.exp %neg3A_103 : vector<2048x64xf32>
    %add3A_104 = arith.constant 1.000000e+00 : f32
    %add3A_105 = vector.broadcast %add3A_104 : f32 to vector<2048x64xf32>
    %add3A_106 = arith.addf %add3A_105, %exp3A : vector<2048x64xf32>
    %div3A_107 = arith.divf %add3A_101, %add3A_106 : vector<2048x64xf32>
    %get3A_108 = arith.constant 0 : index
    %get3A_109 = arith.constant 0 : index
    %get3A_110 = vector.load %arg5[%get3A_108, %get3A_109] : memref<64x64xf32, #tpu.memory_space<vmem>>, vector<64x64xf32>
    %dot_general3A_111 = arith.constant dense<0.000000e+00> : vector<2048x64xf32>
    %dot_general3A_112 = tpu.matmul %div3A_107, %get3A_110, %dot_general3A_111 {dimension_numbers = #tpu.dot_dimension_numbers<[1], [0], [0], [1], [0, 0, 1, 1], [], []>, transpose_lhs_hint = false} : vector<2048x64xf32>, vector<64x64xf32>, vector<2048x64xf32> -> vector<2048x64xf32>
    %get3A_113 = arith.constant 0 : index
    %get3A_114 = vector.load %arg6[%get3A_113] : memref<64xf32, #tpu.memory_space<vmem>>, vector<64xf32>
    %broadcast_in_dim3A_115 = vector.shape_cast %get3A_114 : vector<64xf32> to vector<1x64xf32>
    %add3A_116 = vector.broadcast %broadcast_in_dim3A_115 : vector<1x64xf32> to vector<2048x64xf32>
    %add3A_117 = arith.addf %dot_general3A_112, %add3A_116 : vector<2048x64xf32>
    %neg3A_118 = arith.constant 0.000000e+00 : f32
    %neg3A_119 = vector.broadcast %neg3A_118 : f32 to vector<2048x64xf32>
    %neg3A_120 = arith.subf %neg3A_119, %add3A_117 : vector<2048x64xf32>
    %exp3A_121 = math.exp %neg3A_120 : vector<2048x64xf32>
    %add3A_122 = arith.constant 1.000000e+00 : f32
    %add3A_123 = vector.broadcast %add3A_122 : f32 to vector<2048x64xf32>
    %add3A_124 = arith.addf %add3A_123, %exp3A_121 : vector<2048x64xf32>
    %div3A_125 = arith.divf %add3A_117, %add3A_124 : vector<2048x64xf32>
    %get3A_126 = arith.constant 0 : index
    %get3A_127 = arith.constant 0 : index
    %get3A_128 = vector.load %arg7[%get3A_126, %get3A_127] : memref<64x256xf32, #tpu.memory_space<vmem>>, vector<64x256xf32>
    %dot_general3A_129 = arith.constant dense<0.000000e+00> : vector<2048x256xf32>
    %dot_general3A_130 = tpu.matmul %div3A_125, %get3A_128, %dot_general3A_129 {dimension_numbers = #tpu.dot_dimension_numbers<[1], [0], [0], [1], [0, 0, 1, 1], [], []>, transpose_lhs_hint = false} : vector<2048x64xf32>, vector<64x256xf32>, vector<2048x256xf32> -> vector<2048x256xf32>
    %neg3A_131 = arith.constant 0.000000e+00 : f32
    %neg3A_132 = vector.broadcast %neg3A_131 : f32 to vector<2048x256xf32>
    %neg3A_133 = arith.subf %neg3A_132, %dot_general3A_130 : vector<2048x256xf32>
    %exp3A_134 = math.exp %neg3A_133 : vector<2048x256xf32>
    %add3A_135 = arith.constant 1.000000e+00 : f32
    %add3A_136 = vector.broadcast %add3A_135 : f32 to vector<2048x256xf32>
    %add3A_137 = arith.addf %add3A_136, %exp3A_134 : vector<2048x256xf32>
    %div3A_138 = arith.constant 1.000000e+00 : f32
    %div3A_139 = vector.broadcast %div3A_138 : f32 to vector<2048x256xf32>
    %div3A_140 = arith.divf %div3A_139, %add3A_137 : vector<2048x256xf32>
    %mul3A_141 = arith.mulf %slice3A, %div3A_140 : vector<2048x256xf32>
    %add3A_142 = arith.addf %mul3A_141, %dot_general3A_61 : vector<2048x256xf32>
    %mul3A_143 = arith.constant 2.000000e-01 : f32
    %mul3A_144 = vector.broadcast %mul3A_143 : f32 to vector<2048x256xf32>
    %mul3A_145 = arith.mulf %mul3A_144, %add3A_142 : vector<2048x256xf32>
    %max3A_146 = arith.maximumf %add3A_142, %mul3A_145 : vector<2048x256xf32>
    %get3A_147 = arith.constant 0 : index
    %get3A_148 = arith.constant 0 : index
    %get3A_149 = vector.load %arg9[%get3A_147, %get3A_148] : memref<1x256xf32, #tpu.memory_space<vmem>>, vector<1x256xf32>
    %mul3A_150 = vector.broadcast %get3A_149 : vector<1x256xf32> to vector<2048x256xf32>
    %mul3A_151 = arith.mulf %max3A_146, %mul3A_150 : vector<2048x256xf32>
    %get3A_152 = arith.constant 0 : index
    %get3A_153 = arith.constant 0 : index
    %get3A_154 = vector.load %arg11[%get3A_152, %get3A_153] : memref<256x8xf32, #tpu.memory_space<vmem>>, vector<256x8xf32>
    %dot_general3A_155 = arith.constant dense<0.000000e+00> : vector<2048x8xf32>
    %dot_general3A_156 = tpu.matmul %mul3A_151, %get3A_154, %dot_general3A_155 {dimension_numbers = #tpu.dot_dimension_numbers<[1], [0], [0], [1], [0, 0, 1, 1], [], []>, transpose_lhs_hint = false} : vector<2048x256xf32>, vector<256x8xf32>, vector<2048x8xf32> -> vector<2048x8xf32>
    %exp3A_157 = math.exp %dot_general3A_156 : vector<2048x8xf32>
    %mul3A_158 = vector.broadcast %mul3A_91 : vector<2048x1xf32> to vector<2048x8xf32>
    %mul3A_159 = arith.mulf %exp3A_157, %mul3A_158 : vector<2048x8xf32>
    %get3A_160 = arith.constant 0 : index
    %get3A_161 = arith.constant 0 : index
    %get3A_162 = vector.load %arg12[%get3A_160, %get3A_161] : memref<8x256xf32, #tpu.memory_space<vmem>>, vector<8x256xf32>
    %dot_general3A_163 = arith.constant dense<0.000000e+00> : vector<2048x256xf32>
    %dot_general3A_164 = tpu.matmul %mul3A_159, %get3A_162, %dot_general3A_163 {dimension_numbers = #tpu.dot_dimension_numbers<[1], [0], [0], [1], [0, 0, 1, 1], [], []>, transpose_lhs_hint = false} : vector<2048x8xf32>, vector<8x256xf32>, vector<2048x256xf32> -> vector<2048x256xf32>
    %mul3A_165 = arith.mulf %add3A_142, %dot_general3A_164 : vector<2048x256xf32>
    %broadcast_in_dim3A_166 = arith.constant 0.000000e+00 : f32
    %broadcast_in_dim3A_167 = vector.broadcast %broadcast_in_dim3A_166 : f32 to vector<2048x8xf32>
    %slice3A_168 = vector.extract_strided_slice %mul3A_165 {offsets = [0, 0], sizes = [2048, 128], strides = [1, 1]} : vector<2048x256xf32> to vector<2048x128xf32>
    %slice3A_169 = vector.extract_strided_slice %mul3A_165 {offsets = [0, 128], sizes = [2048, 128], strides = [1, 1]} : vector<2048x256xf32> to vector<2048x128xf32>
    %concatenate3A_170 = tpu.concatenate %slice3A_168, %mul3A_159, %broadcast_in_dim3A_167, %slice3A_169, %broadcast_in_dim3A_167, %broadcast_in_dim3A_167 in 1 : vector<2048x128xf32>, vector<2048x8xf32>, vector<2048x8xf32>, vector<2048x128xf32>, vector<2048x8xf32>, vector<2048x8xf32> -> vector<2048x288xf32>
    %swap3A = arith.constant 0 : index
    %swap3A_171 = arith.constant 0 : index
    %swap3A_172 = vector.load %arg13[%swap3A, %swap3A_171] : memref<2048x288xf32, #tpu.memory_space<vmem>>, vector<2048x288xf32>
    tpu.vector_store %arg13[%swap3A, %swap3A_171], %concatenate3A_170 {strides = array<i32>} : memref<2048x288xf32, #tpu.memory_space<vmem>>, vector<2048x288xf32>,
    return
  }
  func.func @transform_0(%arg0: i32) -> (i32, i32) {
    %c0_i32 = arith.constant 0 : i32
    %c0_i32_0 = arith.constant 0 : i32
    return %arg0, %c0_i32 : i32, i32
  }
  func.func @transform_1(%arg0: i32) -> (i32, i32) {
    %c0_i32 = arith.constant 0 : i32
    %c0_i32_0 = arith.constant 0 : i32
    return %arg0, %c0_i32 : i32, i32
  }
  func.func @transform_2(%arg0: i32) -> (i32, i32) {
    %c0_i32 = arith.constant 0 : i32
    %c0_i32_0 = arith.constant 0 : i32
    %c0_i32_1 = arith.constant 0 : i32
    return %c0_i32, %c0_i32_0 : i32, i32
  }
  func.func @transform_3(%arg0: i32) -> i32 {
    %c0_i32 = arith.constant 0 : i32
    %c0_i32_0 = arith.constant 0 : i32
    return %c0_i32 : i32
  }
  func.func @transform_4(%arg0: i32) -> (i32, i32) {
    %c0_i32 = arith.constant 0 : i32
    %c0_i32_0 = arith.constant 0 : i32
    %c0_i32_1 = arith.constant 0 : i32
    return %c0_i32, %c0_i32_0 : i32, i32
  }
  func.func @transform_5(%arg0: i32) -> i32 {
    %c0_i32 = arith.constant 0 : i32
    %c0_i32_0 = arith.constant 0 : i32
    return %c0_i32 : i32
  }
  func.func @transform_6(%arg0: i32) -> (i32, i32) {
    %c0_i32 = arith.constant 0 : i32
    %c0_i32_0 = arith.constant 0 : i32
    %c0_i32_1 = arith.constant 0 : i32
    return %c0_i32, %c0_i32_0 : i32, i32
  }
  func.func @transform_7(%arg0: i32) -> (i32, i32) {
    %c0_i32 = arith.constant 0 : i32
    %c0_i32_0 = arith.constant 0 : i32
    %c0_i32_1 = arith.constant 0 : i32
    return %c0_i32, %c0_i32_0 : i32, i32
  }
  func.func @transform_8(%arg0: i32) -> (i32, i32) {
    %c0_i32 = arith.constant 0 : i32
    %c0_i32_0 = arith.constant 0 : i32
    %c0_i32_1 = arith.constant 0 : i32
    return %c0_i32, %c0_i32_0 : i32, i32
  }
  func.func @transform_9(%arg0: i32) -> (i32, i32) {
    %c0_i32 = arith.constant 0 : i32
    %c0_i32_0 = arith.constant 0 : i32
    %c0_i32_1 = arith.constant 0 : i32
    return %c0_i32, %c0_i32_0 : i32, i32
  }
  func.func @transform_10(%arg0: i32) -> (i32, i32) {
    %c0_i32 = arith.constant 0 : i32
    %c0_i32_0 = arith.constant 0 : i32
    %c0_i32_1 = arith.constant 0 : i32
    return %c0_i32, %c0_i32_0 : i32, i32
  }
  func.func @transform_11(%arg0: i32) -> (i32, i32) {
    %c0_i32 = arith.constant 0 : i32
    %c0_i32_0 = arith.constant 0 : i32
    %c0_i32_1 = arith.constant 0 : i32
    return %c0_i32, %c0_i32_0 : i32, i32
  }
  func.func @transform_12(%arg0: i32) -> (i32, i32) {
    %c0_i32 = arith.constant 0 : i32
    %c0_i32_0 = arith.constant 0 : i32
    return %arg0, %c0_i32 : i32, i32
  }
}

module attributes {stable_mosaic.version = 14 : i64} {
  func.func @_out_body(%arg0: i32, %arg1: memref<2000x256xf32, #tpu.memory_space<vmem>>, %arg2: memref<2000x16xf32, #tpu.memory_space<vmem>>, %arg3: memref<16x256xf32, #tpu.memory_space<vmem>>, %arg4: memref<256x256xf32, #tpu.memory_space<vmem>>, %arg5: memref<2000x256xf32, #tpu.memory_space<vmem>>) attributes {dimension_semantics = [#tpu.dimension_semantics<arbitrary>], iteration_bounds = array<i64: 5>, scalar_prefetch = 0 : i64, scratch_operands = 0 : i64, tpu.core_type = #tpu.core_type<tc>, window_params = [{transform_indices = @transform_0, window_bounds = array<i64: 2000, 256>}, {transform_indices = @transform_1, window_bounds = array<i64: 2000, 16>}, {pipeline_mode = #tpu.pipeline_mode<synchronous>, transform_indices = @transform_2, window_bounds = array<i64: 16, 256>}, {pipeline_mode = #tpu.pipeline_mode<synchronous>, transform_indices = @transform_3, window_bounds = array<i64: 256, 256>}, {transform_indices = @transform_4, window_bounds = array<i64: 2000, 256>}]} {
    %get3A = arith.constant 0 : index
    %get3A_0 = arith.constant 0 : index
    %get3A_1 = vector.load %arg2[%get3A, %get3A_0] : memref<2000x16xf32, #tpu.memory_space<vmem>>, vector<2000x16xf32>
    %get3A_2 = arith.constant 0 : index
    %get3A_3 = arith.constant 0 : index
    %get3A_4 = vector.load %arg3[%get3A_2, %get3A_3] : memref<16x256xf32, #tpu.memory_space<vmem>>, vector<16x256xf32>
    %dot_general3A = arith.constant dense<0.000000e+00> : vector<2000x256xf32>
    %dot_general3A_5 = tpu.matmul %get3A_1, %get3A_4, %dot_general3A {dimension_numbers = #tpu.dot_dimension_numbers<[1], [0], [0], [1], [0, 0, 1, 1], [], []>, transpose_lhs_hint = false} : vector<2000x16xf32>, vector<16x256xf32>, vector<2000x256xf32> -> vector<2000x256xf32>
    %get3A_6 = arith.constant 0 : index
    %get3A_7 = arith.constant 0 : index
    %get3A_8 = vector.load %arg1[%get3A_6, %get3A_7] : memref<2000x256xf32, #tpu.memory_space<vmem>>, vector<2000x256xf32>
    %add3A = arith.constant 9.99999971E-10 : f32
    %add3A_9 = vector.broadcast %add3A : f32 to vector<2000x256xf32>
    %add3A_10 = arith.addf %dot_general3A_5, %add3A_9 : vector<2000x256xf32>
    %div3A = arith.divf %get3A_8, %add3A_10 : vector<2000x256xf32>
    %get3A_11 = arith.constant 0 : index
    %get3A_12 = arith.constant 0 : index
    %get3A_13 = vector.load %arg4[%get3A_11, %get3A_12] : memref<256x256xf32, #tpu.memory_space<vmem>>, vector<256x256xf32>
    %dot_general3A_14 = arith.constant dense<0.000000e+00> : vector<2000x256xf32>
    %dot_general3A_15 = tpu.matmul %div3A, %get3A_13, %dot_general3A_14 {dimension_numbers = #tpu.dot_dimension_numbers<[1], [0], [0], [1], [0, 0, 1, 1], [], []>, transpose_lhs_hint = false} : vector<2000x256xf32>, vector<256x256xf32>, vector<2000x256xf32> -> vector<2000x256xf32>
    %swap3A = arith.constant 0 : index
    %swap3A_16 = arith.constant 0 : index
    %swap3A_17 = vector.load %arg5[%swap3A, %swap3A_16] : memref<2000x256xf32, #tpu.memory_space<vmem>>, vector<2000x256xf32>
    tpu.vector_store %arg5[%swap3A, %swap3A_16], %dot_general3A_15 {strides = array<i32>} : memref<2000x256xf32, #tpu.memory_space<vmem>>, vector<2000x256xf32>,
    return
  }
  func.func @transform_0(%arg0: i32) -> (i32, i32) {
    %c0_i32 = arith.constant 0 : i32
    %c0_i32_0 = arith.constant 0 : i32
    return %arg0, %c0_i32 : i32, i32
  }
  func.func @transform_1(%arg0: i32) -> (i32, i32) {
    %c0_i32 = arith.constant 0 : i32
    %c0_i32_0 = arith.constant 0 : i32
    return %arg0, %c0_i32 : i32, i32
  }
  func.func @transform_2(%arg0: i32) -> (i32, i32) {
    %c0_i32 = arith.constant 0 : i32
    %c0_i32_0 = arith.constant 0 : i32
    %c0_i32_1 = arith.constant 0 : i32
    return %c0_i32, %c0_i32_0 : i32, i32
  }
  func.func @transform_3(%arg0: i32) -> (i32, i32) {
    %c0_i32 = arith.constant 0 : i32
    %c0_i32_0 = arith.constant 0 : i32
    %c0_i32_1 = arith.constant 0 : i32
    return %c0_i32, %c0_i32_0 : i32, i32
  }
  func.func @transform_4(%arg0: i32) -> (i32, i32) {
    %c0_i32 = arith.constant 0 : i32
    %c0_i32_0 = arith.constant 0 : i32
    return %arg0, %c0_i32 : i32, i32
  }
}

</mosaic_0001>

<sc_bundles>
// kernel: kernel.10.cloned.1.call-start
scs
__scs_entry_jumppad:
0x0: {  	(pc) =	sbr.rel $0x88, $3  }
0x1: {  	(tag) =	ssettag $0x0;
	lr =	simm.s32 $0x1  }
0x2: {  	[smem:$0x3F92] =	sst lr;
	_ =	strace $0xD0000000  }
0x3: {  	_ = 	snop  }
0x4: {  	_ = 	snop  }
0x5: {  	_ = 	snop  }
0x6: {  	_ = 	snop  }
0x7: {  	_ = 	snop  }
__scs_overlays_trampoline_lowered:
0x8: {  	[smem:$0x3FA1] =	sst s0  }
0x9: {  	[smem:$0x3FA2] =	sst s1  }
0xa: {  	[smem:$0x3FA3] =	sst s2  }
0xb: {  	[smem:$0x3FA4] =	sst s3  }
0xc: {  	[smem:$0x3FA5] =	sst s4  }
0xd: {  	[smem:$0x3FA6] =	sst s5  }
0xe: {  	[smem:$0x3FA7] =	sst s6  }
0xf: {  	[smem:$0x3FA8] =	sst s7  }
0x10: {  	[smem:$0x3FA9] =	sst s8  }
0x11: {  	[smem:$0x3FAA] =	sst s9;
	s0 =	simm.s32 @!p0 $0x0  }
0x12: {  	s1 =	sld [smem:$0x3F90];
	s0 =	simm.s32 @p0 $0x1  }
0x13: {  	[smem:$0x3FAB] =	sst s0;
	s0 =	simm.s32 @!p1 $0x0  }
0x14: {  	s2 =	sld [smem:$0x3F8F];
	s0 =	simm.s32 @p1 $0x1  }
0x15: {  	[smem:$0x3FAC] =	sst s0;
	s0 =	simm.s32 @!p2 $0x0  }
0x16: {  	s3 =	sld [smem:$0x3FDB];
	s0 =	simm.s32 @p2 $0x1  }
0x17: {  	s4 =	simm.s32 $0x1BF5;
	[smem:$0x3FAE] =	sst s0  }
0x18: {  	s0 =	sld [smem:$0x3F91];
	_ =	swait.ge [sflag:s4], $0x0  }
0x19: {  	s7 =	sld [smem:$0x3F92]  }
0x1a: {  	s8 =	sadd.s32 $0xFFFFE003, lr  }
0x1b: {  	s9 =	sadd.s32 $0xFFFFFEF7, lr;
	s5 =	simm.s32 $0xFFFFFFFF;
	p2 =	slt.u32 s8, $0xFFFFF086  }
0x1c: {  	p1 =	slt.u32 s9, $0xF7A;
	s5 =	simm.s32 @!p2 $0x0  }
0x1d: {  	s5 =	simm.s32 @p1 $0x1;
	p0 =	seq.s32 s7, s2  }
0x1e: {  	s7 =	smul.u32 @!p0 $0xF7A, s2;
	p2 =	seq.s32 @!p0 s5, $0x0  }
0x1f: {  	s9 =	smul.u32 $0xF7A, s1;
	s8 =	simm.s32 @!p0 $0x1BF5;
	p2 =	por !p2, p0  }
0x20: {  	[sflag:s8] =	ssyncset.s32 @!p0 $0xFFFFF086;
	s6 =	sadd.s32 @!p0 s3, s7;
	s7 =	simm.s32 @!p0 $0x108  }
0x21: {  	s3 =	sadd.s32 s3, s9;
	s6 =	sadd.s32 @!p0 $0x88, s6;
	s7 =	simm.s32 @p2 $0x1082  }
0x22: {  	[simem:s7], [sflag:s8] =	dma.local @!p0 [hbm:s6], $0xF7A  }
0x23: {  	s9 =	sor.u32 $0xD0000000, s2;
	s6 =	simm.s32 $0x108;
	_ =	swait.ge @!p0 [sflag:s8], $0x0  }
0x24: {  	s3 =	sadd.s32 $0x88, s3;
	s6 =	simm.s32 @!p1 $0x1082;
	[sflag:s4] =	ssyncset.s32 $0xFFFFF086  }
0x25: {  	[simem:s6], [sflag:s4] =	dma.local [hbm:s3], $0xF7A  }
0x26: {  	[smem:$0x3F92] =	sst s1;
	(tag) =	ssettag s2;
	_ =	strace s9  }
0x27: {  	s1 =	sld [smem:$0x3FA2]  }
0x28: {  	s2 =	sld [smem:$0x3FA3]  }
0x29: {  	s4 =	sld [smem:$0x3FA5]  }
0x2a: {  	p0 =	seq.s32 s5, $0x0;
	s5 =	sld [smem:$0x3FA6]  }
0x2b: {  	s6 =	sld [smem:$0x3FA7]  }
0x2c: {  	s7 =	sld [smem:$0x3FA8]  }
0x2d: {  	s3 =	simm.s32 $0x108;
	s8 =	sld [smem:$0x3FA9]  }
0x2e: {  	s3 =	simm.s32 @!p0 $0x1082;
	s9 =	sld [smem:$0x3FAA]  }
0x2f: {  	lr =	sadd.s32 s0, s3;
	s0 =	sld [smem:$0x3FA1]  }
0x30: {  	s3 =	sld [smem:$0x3FA4]  }
0x31: {  	[smem:$0x3FAD] =	sst s10  }
0x32: {  	s10 =	sld [smem:$0x3FAB];
	_ =	sdelay $0x3  }
0x33: {  	p0 =	seq.s32 s10, $0x1;
	s10 =	sld [smem:$0x3FAD];
	_ =	sdelay $0x3  }
0x34: {  	[smem:$0x3FAD] =	sst s10  }
0x35: {  	s10 =	sld [smem:$0x3FAC];
	_ =	sdelay $0x3  }
0x36: {  	p1 =	seq.s32 s10, $0x1;
	s10 =	sld [smem:$0x3FAD];
	_ =	sdelay $0x3  }
0x37: {  	[smem:$0x3FAD] =	sst s10  }
0x38: {  	s10 =	sld [smem:$0x3FAE]  }
0x39: {  	_ = 	snop;
	(pc) =	sbr.ind lr, $3  }
0x3a: {  	_ = 	snop  }
0x3b: {  	_ = 	snop  }
0x3c: {  	p2 =	seq.s32 s10, $0x1;
	s10 =	sld [smem:$0x3FAD]  }
0x3d: {  	_ =	shalt  }
0x3e: {  	_ =	shalt  }
0x3f: {  	_ =	shalt  }
0x40: {  	_ =	shalt  }
0x41: {  	_ =	shalt  }
0x42: {  	_ =	shalt  }
0x43: {  	_ =	shalt  }
0x44: {  	_ =	shalt  }
0x45: {  	_ =	shalt  }
0x46: {  	_ =	shalt  }
0x47: {  	_ =	shalt  }
0x48: {  	_ =	shalt  }
0x49: {  	_ =	shalt  }
0x4a: {  	_ =	shalt  }
0x4b: {  	_ =	shalt  }
0x4c: {  	_ =	shalt  }
0x4d: {  	_ =	shalt  }
0x4e: {  	_ =	shalt  }
0x4f: {  	_ =	shalt  }
0x50: {  	_ =	shalt  }
0x51: {  	_ =	shalt  }
0x52: {  	_ =	shalt  }
0x53: {  	_ =	shalt  }
0x54: {  	_ =	shalt  }
0x55: {  	_ =	shalt  }
0x56: {  	_ =	shalt  }
0x57: {  	_ =	shalt  }
0x58: {  	_ =	shalt  }
0x59: {  	_ =	shalt  }
0x5a: {  	_ =	shalt  }
0x5b: {  	_ =	shalt  }
0x5c: {  	_ =	shalt  }
0x5d: {  	_ =	shalt  }
0x5e: {  	_ =	shalt  }
0x5f: {  	_ =	shalt  }
0x60: {  	_ =	shalt  }
0x61: {  	_ =	shalt  }
0x62: {  	_ =	shalt  }
0x63: {  	_ =	shalt  }
0x64: {  	_ =	shalt  }
0x65: {  	_ =	shalt  }
0x66: {  	_ =	shalt  }
0x67: {  	_ =	shalt  }
0x68: {  	_ =	shalt  }
0x69: {  	_ =	shalt  }
0x6a: {  	_ =	shalt  }
0x6b: {  	_ =	shalt  }
0x6c: {  	_ =	shalt  }
0x6d: {  	_ =	shalt  }
0x6e: {  	_ =	shalt  }
0x6f: {  	_ =	shalt  }
0x70: {  	_ =	shalt  }
0x71: {  	_ =	shalt  }
0x72: {  	_ =	shalt  }
0x73: {  	_ =	shalt  }
0x74: {  	_ =	shalt  }
0x75: {  	_ =	shalt  }
0x76: {  	_ =	shalt  }
0x77: {  	_ =	shalt  }
0x78: {  	_ =	shalt  }
0x79: {  	_ =	shalt  }
0x7a: {  	_ =	shalt  }
0x7b: {  	_ =	shalt  }
0x7c: {  	_ =	shalt  }
0x7d: {  	_ =	shalt  }
0x7e: {  	_ =	shalt  }
0x7f: {  	_ =	shalt  }
0x80: {  	_ =	shalt  }
0x81: {  	_ =	shalt  }
0x82: {  	_ =	shalt  }
0x83: {  	_ =	shalt  }
0x84: {  	_ =	shalt  }
0x85: {  	_ =	shalt  }
0x86: {  	_ =	shalt  }
0x87: {  	_ =	shalt  }
.Lfunc_end0:
.L_simem_size_0:
called_computation.1_lowered:
.L_overlay_start_0:
0x88: {  	s2 =	sld [smem:$0x3FD9]  }
0x89: {  	s3 =	sld [smem:$0x3FFE];
	_ =	sdelay $0x1  }
0x8a: {  	s1 =	srdreg.scid  }
0x8b: {  	s0 =	sand.u32 $0x1, s1  }
0x8c: {  	s17 =	sshll.u32 s0, $0xA;
	s2 =	sadd.s32 s3, s2  }
0x8d: {  	s2 =	sadd.s32 s2, s17  }
0x8e: {  	[smem:$0x3FB9] =	sst s2  }
0x8f: {  	_ = 	snop  }
0x90: {  	s2 =	sld [smem:$0x3FD0];
	(tm) =	ssettm $0x1  }
0x91: {  	s18 =	sld [smem:$0x3FFB];
	_ =	sdelay $0x3  }
0x92: {  	_ =	strace s18  }
0x93: {  	s3 =	sld [smem:$0x3FFC];
	_ =	sdelay $0x3  }
0x94: {  	_ =	strace s3  }
0x95: {  	s3 =	sld [smem:$0x3FFD];
	_ =	sdelay $0x3  }
0x96: {  	_ =	strace s3  }
0x97: {  	_ =	strace $0x8FFFFFFF  }
0x98: {  	s19 =	sld [smem:$0x3FDB];
	_ =	sdelay $0x1  }
0x99: {  	s4 =	simm.s32 $_scs_section_size  }
0x9a: {  	s5 =	simm.s32 $_size__tile_overlayer_lowered;
	s6 =	simm.s32 $_tile_overlayer_lowered  }
0x9b: {  	s22 =	simm.s32 $0x1BFF;
	s21 =	sshll.u32 s6, $0x1;
	s3 =	sadd.s32 s4, s19  }
0x9c: {  	s7 =	simm.s32 $0x0;
	s20 =	sshll.u32 s5, $0x1;
	s5 =	sadd.s32 s21, s3  }
0x9d: {  	[timem:s7], [sflag:s22] =	dma.local [hbm:s5], s20  }
0x9e: {  	_ =	swait.ge [sflag:s22], s20  }
0x9f: {  	s4 =	ssub.s32 $0x0, s20;
	[sflag:s22] =	ssyncset.done $0x0  }
0xa0: {  	[sflag:s22] =	ssyncadd.s32 s4;
	_ =	sdelay $0x1  }
0xa1: {  	s23 =	simm.s32 $0x1B8B  }
0xa2: {  	_ =	swait.ge [sflag:s23], $0x1  }
0xa3: {  	[sflag:s23] =	ssyncset.done $0x0  }
0xa4: {  	s25 =	simm.s32 $0x1B8E;
	s24 =	sld [smem:$0x3FFE];
	[sflag:s23] =	ssyncadd.s32 $0xFFFFFFFF  }
0xa5: {  	s26 =	simm.s32 $execute0_lowered;
	[smem:$0x3FD2] =	sst s25  }
0xa6: {  	s5 =	sshll.u32 s26, $0x1;
	_ =	strace $0x80000049;
	[dreg:$0x1] =	wrdreg $0xFFFFFFFF  }
0xa7: {  	s28 =	simm.s32 $_size_execute0_lowered;
	s3 =	sadd.s32 s3, s5;
	[dreg:$0x0] =	wrdreg $0x0  }
0xa8: {  	s5 =	sshll.u32 s28, $0x1;
	[dreg:$0x2] =	wrdreg s3  }
0xa9: {  	[dreg:$0x3] =	wrdreg s5  }
0xaa: {  	[dreg:$0x4] =	wrdreg $0xC0  }
0xab: {  	_ =	task [dreg:s7], $0x5FFFF  }
0xac: {  	[dreg:$0x1] =	wrdreg $0xFFFFFFFF  }
0xad: {  	[dreg:$0x0] =	wrdreg $0x60  }
0xae: {  	[dreg:$0x2] =	wrdreg s24  }
0xaf: {  	[dreg:$0x3] =	wrdreg s2  }
0xb0: {  	[dreg:$0x4] =	wrdreg $0xB2D00  }
0xb1: {  	[dreg:$0x5] =	wrdreg $0x9  }
0xb2: {  	_ =	task.clear_ibuf [dreg:s7], $0x6FFFF;
	_ =	strace $0x90000049  }
0xb3: {  	s29 =	simm.s32 $0x9;
	_ =	strace $0x8000004B  }
0xb4: {  	_ =	swait.ge [sflag:s29], $0x1  }
0xb5: {  	[sflag:s29] =	ssyncadd.s32 $0xFFFFFFFF  }
0xb6: {  	_ =	strace $0x9000004B  }
0xb7: {  	_ =	sfence  }
0xb8: {  	s30 =	sld [smem:$0x0];
	_ =	sdelay $0x2  }
0xb9: {  	s31 =	sshll.u32 s1, $0xD;
	s1 =	sshrl.u32 s1, $0x2  }
0xba: {  	s3 =	sand.u32 $0x4000, s31;
	s1 =	sadd.s32 s1, s30  }
0xbb: {  	s0 =	sor.u32 s3, s0;
	s1 =	sshll.u32 s1, $0x11  }
0xbc: {  	s0 =	sor.u32 s1, s0  }
0xbd: {  	s0 =	sadd.s32 $0x8F2B, s0  }
0xbe: {  	[sflag:s0] =	ssyncadd.remote.s32 $0x1  }
0xbf: {  	_ =	sfence.sel $0xFFFF  }
0xc0: {  	[dreg:$0x0] =	wrdreg $0xFFFFFFFF;
	(pc) =	sbr.abs _section_cstart, $3  }
0xc1: {  	[dreg:$0x1] =	wrdreg $0xFFFFFFFF  }
0xc2: {  	_ =	task.clear_ibuf [dreg:s7], $0x2FFFF;
	_ =	strace $0x9FFFFFFF  }
0xc3: {  	(tm) =	ssettm $0x7FFFFFFF  }
tec
execute0_lowered:
.L_overlay_start_1:
0x0: {  	(tag) =	ssettag $0x1  }
0x1: {  	s20 =	stileid.u32  }
0x2: {  	s5 =	rddreg [dreg:$0x0];
	s4 =	smul.u32 $0x2D0000, s20  }
0x3: {  	s0 =	srdreg.scid;
	s12 =	smul.u32 $0x500, s20  }
0x4: {  	s6 =	rddreg [dreg:$0x1];
	s8 =	smul.u32 $0x2D000, s20  }
0x5: {  	s2 =	rddreg [dreg:$0x2];
	s3 =	simm.s32 $0x0;
	s10 =	smul.u32 $0x7D00, s20  }
0x6: {  	s0 =	sand.u32 $0x1, s0;
	[smem:$0x7FF] =	sst s3;
	s11 =	smul.u32 $0xFA, s20  }
0x7: {  	s7 =	sadd.s32 $0x3400, s5;
	s9 =	sadd.s32 $0xD400, s5;
	s17 =	smul.u32 $0x7D, s20  }
0x8: {  	s19 =	sor.u32 $0x20, s20;
	p0 =	sgt.u32 s20, $0x7;
	s1 =	smul.u32 $0x90, s0  }
0x9: {  	_ =	strace $0x8000004A;
	[dreg:$0x4] =	wrdreg s7;
	s21 =	smul.u32 $0x7D, s19  }
0xa: {  	s13 =	ssub.s32 $0x2, s0;
	s25 =	smul.u32 $0xFA, s19;
	p1 =	sne.s32 s0, $0x0  }
0xb: {  	p2 =	sne.s32 @!p0 s0, $0x0;
	s14 =	sshrl.u32 s13, $0x1;
	s15 =	sshrl.u32 s8, $0x2  }
0xc: {  	s22 =	sadd.s32 $0x1388, s17;
	s11 =	sadd.s32 s9, s11;
	p2 =	por p2, p0  }
0xd: {  	s1 =	sor.u32 s1, s4;
	s4 =	sadd.s32 s12, s5;
	s7 =	ssub.s32 s13, s14  }
0xe: {  	s12 =	sor.u32 $0x10, s20;
	s13 =	sshll.u32 s0, $0x7;
	s24 =	sshll.u32 s22, $0x8  }
0xf: {  	[dreg:$0xb] =	wrdreg s11;
	s0 =	simm.s32 $0x1;
	s16 =	smul.u32 $0x7D00, s12  }
0x10: {  	s1 =	sshrl.u32 s1, $0x3;
	s10 =	sor.u32 s13, s10;
	s14 =	smul.u32 $0xFA, s12  }
0x11: {  	s1 =	sadd.s32 s1, s5;
	s5 =	sadd.s32 s15, s2;
	s10 =	sshrl.u32 s10, $0x3  }
0x12: {  	s15 =	smul.u32 $0x7D00, s19;
	s10 =	sadd.s32 s6, s10;
	s8 =	sor.u32 s13, s16  }
0x13: {  	s16 =	smul.u32 $0x7D, s12;
	s28 =	sadd.s32 $0x9000, s5;
	s8 =	sshrl.u32 s8, $0x3  }
0x14: {  	[dreg:$0x5] =	wrdreg s10;
	s15 =	sor.u32 s13, s15;
	s8 =	sadd.s32 s6, s8  }
0x15: {  	s18 =	sshrl.u32 s15, $0x3;
	s23 =	sadd.s32 $0x1388, s16;
	s15 =	sadd.s32 $0x1388, s21  }
0x16: {  	s16 =	sor.u32 s13, s24;
	[dreg:$0x6] =	wrdreg s8;
	s8 =	sadd.s32 s6, s18  }
0x17: {  	s17 =	sshll.u32 s23, $0x8;
	s18 =	sshll.u32 s15, $0x8;
	s16 =	sshrl.u32 s16, $0x3  }
0x18: {  	s10 =	sshll.u32 s23, $0x1;
	s23 =	smul.u32 $0x11940, s19;
	s19 =	sadd.s32 $0x4800, s5  }
0x19: {  	[dreg:$0x7] =	wrdreg s8;
	s17 =	sor.u32 s13, s17;
	s13 =	sor.u32 s13, s18  }
0x1a: {  	s16 =	sadd.s32 s6, s16;
	s8 =	sshll.u32 s22, $0x1;
	s18 =	sshll.u32 s15, $0x1  }
0x1b: {  	s21 =	sadd.s32 s9, s10;
	s22 =	smul.u32 $0x11940, s12;
	s12 =	sadd.s32 $0x5D600, s1  }
0x1c: {  	s1 =	simm.s32 $0x4880;
	s10 =	simm.s32 $0x0;
	[dreg:$0x8] =	wrdreg s16  }
0x1d: {  	s26 =	sshrl.u32 s17, $0x3;
	s13 =	sshrl.u32 s13, $0x3;
	s17 =	sadd.s32 s9, s25  }
0x1e: {  	s8 =	sadd.s32 s9, s8;
	[dreg:$0xf] =	wrdreg s21;
	s16 =	sadd.s32 s6, s26  }
0x1f: {  	s6 =	sadd.s32 s6, s13;
	s13 =	smul.u32 $0x11940, s20;
	[dreg:$0xd] =	wrdreg s17  }
0x20: {  	[dreg:$0xe] =	wrdreg s8;
	s17 =	sadd.s32 s9, s18;
	s18 =	sadd.s32 $0x2400, s5  }
0x21: {  	s25 =	sshrl.u32 s22, $0x2;
	s26 =	sshrl.u32 s23, $0x2;
	s23 =	smax.u32 s7, $0x1  }
0x22: {  	s7 =	simm.s32 $0x90;
	s8 =	simm.s32 $0x6C80;
	[dreg:$0x9] =	wrdreg s16  }
0x23: {  	[dreg:$0xa] =	wrdreg s6;
	s16 =	sadd.s32 s9, s14;
	s21 =	sadd.s32 s25, s2  }
0x24: {  	s22 =	sadd.s32 s26, s2;
	s26 =	sadd.s32 $0x6C00, s5;
	s6 =	simm.s32 $0x80  }
0x25: {  	s9 =	simm.s32 $0x100;
	[dreg:$0xc] =	wrdreg s16;
	s24 =	sshrl.u32 s13, $0x2  }
0x26: {  	s30 =	sadd.s32 $0x80, s21;
	s31 =	sadd.s32 $0x80, s22;
	s20 =	sadd.s32 s24, s2  }
0x27: {  	s24 =	sadd.s32 $0x8400, s4;
	s4 =	simm.s32 $0x2;
	s29 =	sadd.s32 $0x80, s20  }
.LBB2_1:
0x28: {  	s11 =	rddreg [dreg:$0x4]  }
0x29: {  	[tilespmem:s1], [sflag:$0x1] =	stream.linear.gather [hbm4b:s11+s3], $0x2400, $0x38;
	[tilespmem:$0x166D0] =	vst v63  }
0x2a: {  	_ =	swait.ge [sflag:s0], $0x2400  }
0x2b: {  	[sflag:s0] =	ssyncset.done $0x0  }
0x2c: {  	[sflag:s0] =	ssyncadd.s32 $0xFFFFDC00  }
0x2d: {  	[spmem:s5] =	stream.linear.scatter [tilespmem:s1], [sflag:$0x1], $0x2400, $0x38;
	[tilespmem:$0x166D0] =	vst v63  }
0x2e: {  	_ =	swait.ge [sflag:s0], $0x2400  }
0x2f: {  	[sflag:s0] =	ssyncset.done $0x0  }
0x30: {  	[sflag:s0] =	ssyncadd.s32 $0xFFFFDC00  }
0x31: {  	[spmem:s18] =	stream.linear.scatter [tilespmem:s1], [sflag:$0x1], $0x2400, $0x38;
	[tilespmem:$0x166D0] =	vst v63  }
0x32: {  	_ =	swait.ge [sflag:s0], $0x2400  }
0x33: {  	[sflag:s0] =	ssyncset.done $0x0  }
0x34: {  	[sflag:s0] =	ssyncadd.s32 $0xFFFFDC00  }
0x35: {  	[spmem:s19] =	stream.linear.scatter [tilespmem:s1], [sflag:$0x1], $0x2400, $0x38;
	[tilespmem:$0x166D0] =	vst v63  }
0x36: {  	_ =	swait.ge [sflag:s0], $0x2400  }
0x37: {  	[sflag:s0] =	ssyncset.done $0x0  }
0x38: {  	[sflag:s0] =	ssyncadd.s32 $0xFFFFDC00  }
0x39: {  	[spmem:s26] =	stream.linear.scatter [tilespmem:s1], [sflag:$0x1], $0x2400, $0x38;
	[tilespmem:$0x166D0] =	vst v63  }
0x3a: {  	_ =	swait.ge [sflag:s0], $0x2400  }
0x3b: {  	[sflag:s0] =	ssyncset.done $0x0  }
0x3c: {  	[sflag:s0] =	ssyncadd.s32 $0xFFFFDC00  }
0x3d: {  	[spmem:s28] =	stream.linear.scatter [tilespmem:s1], [sflag:$0x1], $0x2400, $0x38;
	[tilespmem:$0x166D0] =	vst v63  }
0x3e: {  	_ =	swait.ge [sflag:s0], $0x2400  }
0x3f: {  	[sflag:s0] =	ssyncset.done $0x0  }
0x40: {  	[sflag:s0] =	ssyncadd.s32 $0xFFFFDC00  }
0x41: {  	s16 =	sadd.s32 $0x0, s24;
	[bflag:$0x0] =	sbarrier.arrive $0xFFFF  }
0x42: {  	[tilespmem:s3], [sflag:$0x2] =	stream.linear.gather [hbm4b:s16+s3], $0x80, $0x38;
	[tilespmem:$0x166D0] =	vst v63  }
0x43: {  	_ =	swait.ge [sflag:s4], $0x80  }
0x44: {  	[sflag:s4] =	ssyncset.done $0x0  }
0x45: {  	[sflag:s4] =	ssyncadd.s32 $0xFFFFFF80  }
0x46: {  	v0 =	vld [tilespmem:$0x0]  }
0x47: {  	v1 =	vld [tilespmem:$0x70];
	_ =	sdelay $0x3  }
0x48: {  	v2 =	vxor.u32 $0x80000000, v0  }
0x49: {  	v3 =	vxor.u32 $0x80000000, v1;
	(xrf0) =	vmin.scan.msk.u32 $0xffff, v2  }
0x4a: {  	(xrf0) =	vmax.scan.msk.u32 $0xffff, v3;
	_ =	sdelay $0x4  }
0x4b: {  	v2, _, _ =	vpop (xrf0)  }
0x4c: {  	(v2sf) =	vpush v2, $0xF;
	v63, _, _ =	vpop (xrf0)  }
0x4d: {  	(v2sf) =	vpush v63, $0xF;
	_ =	sdelay $0xd  }
0x4e: {  	s25 =	spop (v2sf)  }
0x4f: {  	p3 =	sgt.u32 s25, $0x80001387;
	s11 =	spop (v2sf)  }
0x50: {  	p4 =	sgt.s32 @!p3 s11, $0xFFFFFFFF  }
0x51: {  	p4 =	por p4, p3  }
0x52: {  	v2 =	vld @!p4 [tilespmem:$0x60]  }
0x53: {  	v3 =	vld @!p4 [tilespmem:$0x50]  }
0x54: {  	v4 =	vld @!p4 [tilespmem:$0x30];
	v0 =	vmin.u32 @!p4 v0, $0x1388  }
0x55: {  	v1 =	vmin.u32 @!p4 v1, $0x1388;
	[tilespmem:$0x0] =	vst @!p4 v0;
	v0 =	vld @!p4 [tilespmem:$0x20]  }
0x56: {  	[tilespmem:$0x70] =	vst @!p4 v1;
	v1 =	vld @!p4 [tilespmem:$0x10]  }
0x57: {  	v5 =	vld @!p4 [tilespmem:$0x40];
	v2 =	vmin.u32 @!p4 v2, $0x1388  }
0x58: {  	v3 =	vmin.u32 @!p4 v3, $0x1388;
	[tilespmem:$0x60] =	vst @!p4 v2  }
0x59: {  	v2 =	vmin.u32 @!p4 v4, $0x1388;
	[tilespmem:$0x50] =	vst @!p4 v3  }
0x5a: {  	v0 =	vmin.u32 @!p4 v0, $0x1388;
	[tilespmem:$0x30] =	vst @!p4 v2  }
0x5b: {  	v1 =	vmin.u32 @!p4 v1, $0x1388;
	[tilespmem:$0x20] =	vst @!p4 v0  }
0x5c: {  	v2 =	vmin.u32 @!p4 v5, $0x1388;
	[tilespmem:$0x10] =	vst @!p4 v1  }
0x5d: {  	s11 =	simm.s32 @!p4 $0x90;
	s14 =	simm.s32 @!p4 $0x120;
	s13 =	simm.s32 @!p4 $0x80;
	[tilespmem:$0x40] =	vst @!p4 v2  }
0x5e: {  	[tilespmem:s13], [sflag:$0x2] =	stream.strided.gather @!p4 [hbm4b:s12+s11], $0x4800, s14, s11, $0x38;
	[tilespmem:$0x166D0] =	vst v63  }
0x5f: {  	s14 =	simm.s32 @!p4 $0x2  }
0x60: {  	s25 =	smov.u32 s12;
	s11 =	simm.s32 $0x10;
	_ =	swait.ge @!p4 [sflag:s14], $0x4800  }
.LBB2_2:
0x61: {  	[sflag:s14] =	ssyncset.done @!p4 $0x0  }
0x62: {  	s25 =	sadd.s32 $0x1200, s25;
	s15 =	smov.u32 s11;
	s11 =	sadd.s32 $0x10, s11  }
0x63: {  	s16 =	simm.s32 @!p4 $0x1;
	[sflag:s14] =	ssyncadd.s32 @!p4 $0xFFFFB800;
	s14 =	simm.s32 @!p4 $0x0  }
0x64: {  	[spmem:s2] =	stream.indirect.scatter.add.f32 @!p4 [tilespmem:s13], [sflag:$0x1], $0x90, s14, s13, $0xb8;
	[tilespmem:$0x166D0] =	vst v63  }
0x65: {  	p3 =	sne.s32 s11, $0x500;
	_ =	swait.ge @!p4 [sflag:s16], $0x4800  }
0x66: {  	[sflag:s16] =	ssyncset.done @!p4 $0x0  }
0x67: {  	s13 =	sadd.s32 s15, s24;
	[sflag:s16] =	ssyncadd.s32 @!p4 $0xFFFFB800  }
0x68: {  	[tilespmem:s3], [sflag:$0x2] =	stream.linear.gather [hbm4b:s13+s3], $0x80, $0x38;
	[tilespmem:$0x166D0] =	vst v63  }
0x69: {  	_ =	swait.ge [sflag:s4], $0x80  }
0x6a: {  	[sflag:s4] =	ssyncset.done $0x0  }
0x6b: {  	[sflag:s4] =	ssyncadd.s32 $0xFFFFFF80  }
0x6c: {  	v0 =	vld [tilespmem:$0x0]  }
0x6d: {  	v1 =	vld [tilespmem:$0x70];
	_ =	sdelay $0x3  }
0x6e: {  	v2 =	vxor.u32 $0x80000000, v0  }
0x6f: {  	v3 =	vxor.u32 $0x80000000, v1;
	(xrf0) =	vmin.scan.msk.u32 $0xffff, v2  }
0x70: {  	(xrf0) =	vmax.scan.msk.u32 $0xffff, v3;
	_ =	sdelay $0x4  }
0x71: {  	v2, _, _ =	vpop (xrf0)  }
0x72: {  	(v2sf) =	vpush v2, $0xF;
	v2, _, _ =	vpop (xrf0)  }
0x73: {  	(v2sf) =	vpush v2, $0xF;
	_ =	sdelay $0xd  }
0x74: {  	s13 =	spop (v2sf)  }
0x75: {  	p4 =	sgt.u32 s13, $0x80001387;
	s13 =	spop (v2sf)  }
0x76: {  	p5 =	sgt.s32 @!p4 s13, $0xFFFFFFFF  }
0x77: {  	p4 =	por p5, p4  }
0x78: {  	v0 =	vmin.u32 @!p4 v0, $0x1388;
	v2 =	vld @!p4 [tilespmem:$0x60];
	v1 =	vmin.u32 @!p4 v1, $0x1388  }
0x79: {  	[tilespmem:$0x0] =	vst @!p4 v0;
	v0 =	vld @!p4 [tilespmem:$0x50]  }
0x7a: {  	v3 =	vld @!p4 [tilespmem:$0x30];
	[tilespmem:$0x70] =	vst @!p4 v1  }
0x7b: {  	v1 =	vld @!p4 [tilespmem:$0x40]  }
0x7c: {  	v4 =	vld @!p4 [tilespmem:$0x20]  }
0x7d: {  	v5 =	vld @!p4 [tilespmem:$0x10];
	v2 =	vmin.u32 @!p4 v2, $0x1388  }
0x7e: {  	v0 =	vmin.u32 @!p4 v0, $0x1388;
	[tilespmem:$0x60] =	vst @!p4 v2  }
0x7f: {  	v2 =	vmin.u32 @!p4 v3, $0x1388;
	[tilespmem:$0x50] =	vst @!p4 v0  }
0x80: {  	[tilespmem:$0x30] =	vst @!p4 v2;
	v0 =	vmin.u32 @!p4 v1, $0x1388  }
.Ltmp0:
0x81: {  	v1 =	vmin.u32 @!p4 v4, $0x1388;
	[tilespmem:$0x40] =	vst @!p4 v0;
	(pc) =	sbr.rel @p3 .LBB2_2-.Ltmp0, $4  }
0x82: {  	s14 =	simm.s32 @!p4 $0x2;
	v0 =	vmin.u32 @!p4 v5, $0x1388;
	[tilespmem:$0x20] =	vst @!p4 v1  }
0x83: {  	s15 =	simm.s32 @!p4 $0x90;
	s16 =	simm.s32 @!p4 $0x120;
	s13 =	simm.s32 @!p4 $0x80;
	[tilespmem:$0x10] =	vst @!p4 v0  }
0x84: {  	[tilespmem:s13], [sflag:$0x2] =	stream.strided.gather @!p4 [hbm4b:s25+s15], $0x4800, s16, s15, $0x38;
	[tilespmem:$0x166D0] =	vst v63  }
0x85: {  	_ =	swait.ge @!p4 [sflag:s14], $0x4800  }
0x86: {  	[sflag:s14] =	ssyncset.done @!p4 $0x0  }
0x87: {  	s11 =	simm.s32 @!p4 $0x0;
	[sflag:s14] =	ssyncadd.s32 @!p4 $0xFFFFB800;
	s14 =	simm.s32 @!p4 $0x1  }
0x88: {  	[spmem:s2] =	stream.indirect.scatter.add.f32 @!p4 [tilespmem:s13], [sflag:$0x1], $0x90, s11, s13, $0xb8;
	[tilespmem:$0x166D0] =	vst v63  }
0x89: {  	_ =	swait.ge @!p4 [sflag:s14], $0x4800  }
0x8a: {  	[sflag:s14] =	ssyncset.done @!p4 $0x0  }
0x8b: {  	[sflag:s14] =	ssyncadd.s32 @!p4 $0xFFFFB800  }
0x8c: {  	[bflag:$0x0] =	sbarrier.arrive $0xFFFF  }
0x8d: {  	[tilespmem:s8], [sflag:$0x1] =	stream.strided.gather [spmem:s20], $0x3E80, s7, s6, $0x38;
	[tilespmem:$0x166D0] =	vst v63  }
0x8e: {  	_ =	swait.ge [sflag:s0], $0x3E80  }
0x8f: {  	[sflag:s0] =	ssyncset.done $0x0  }
0x90: {  	s15 =	rddreg [dreg:$0x5];
	[sflag:s0] =	ssyncadd.s32 $0xFFFFC180  }
0x91: {  	[hbm4b:s15+s6] =	stream.strided.scatter [tilespmem:s8], [sflag:$0x1], $0x3E80, s9, s6, $0x38;
	[tilespmem:$0x166D0] =	vst v63  }
0x92: {  	_ =	swait.ge [sflag:s0], $0x3E80  }
0x93: {  	s11 =	simm.s32 @!p1 $0x10;
	s13 =	simm.s32 @!p1 $0x90;
	[sflag:s0] =	ssyncset.done $0x0  }
0x94: {  	s14 =	simm.s32 @!p1 $0xAB00;
	s15 =	simm.s32 @!p1 $0x1;
	[sflag:s0] =	ssyncadd.s32 $0xFFFFC180  }
0x95: {  	[tilespmem:s14], [sflag:$0x1] =	stream.strided.gather @!p1 [spmem:s29], $0x7D0, s13, s11, $0x38;
	[tilespmem:$0x166D0] =	vst v63  }
0x96: {  	_ =	swait.ge @!p1 [sflag:s15], $0x7D0  }
0x97: {  	[sflag:s15] =	ssyncset.done @!p1 $0x0  }
0x98: {  	s16 =	simm.s32 @!p1 $0x0;
	s25 =	rddreg [dreg:$0xb];
	[sflag:s15] =	ssyncadd.s32 @!p1 $0xFFFFF830  }
0x99: {  	[hbm4b:s25+s16] =	stream.linear.scatter @!p1 [tilespmem:s14], [sflag:$0x1], $0x7D0, $0x38;
	[tilespmem:$0x166D0] =	vst v63  }
0x9a: {  	_ =	swait.ge @!p1 [sflag:s15], $0x7D0  }
0x9b: {  	[sflag:s15] =	ssyncset.done @!p1 $0x0  }
0x9c: {  	[sflag:s15] =	ssyncadd.s32 @!p1 $0xFFFFF830  }
0x9d: {  	[tilespmem:s8], [sflag:$0x1] =	stream.strided.gather [spmem:s21], $0x3E80, s7, s6, $0x38;
	[tilespmem:$0x166D0] =	vst v63  }
0x9e: {  	_ =	swait.ge [sflag:s0], $0x3E80  }
0x9f: {  	[sflag:s0] =	ssyncset.done $0x0  }
0xa0: {  	s25 =	rddreg [dreg:$0x6];
	[sflag:s0] =	ssyncadd.s32 $0xFFFFC180  }
0xa1: {  	[hbm4b:s25+s6] =	stream.strided.scatter [tilespmem:s8], [sflag:$0x1], $0x3E80, s9, s6, $0x38;
	[tilespmem:$0x166D0] =	vst v63  }
0xa2: {  	_ =	swait.ge [sflag:s0], $0x3E80  }
0xa3: {  	[sflag:s0] =	ssyncset.done $0x0  }
0xa4: {  	[sflag:s0] =	ssyncadd.s32 $0xFFFFC180  }
0xa5: {  	[tilespmem:s14], [sflag:$0x1] =	stream.strided.gather @!p1 [spmem:s30], $0x7D0, s13, s11, $0x38;
	[tilespmem:$0x166D0] =	vst v63  }
0xa6: {  	_ =	swait.ge @!p1 [sflag:s15], $0x7D0  }
0xa7: {  	[sflag:s15] =	ssyncset.done @!p1 $0x0  }
0xa8: {  	s11 =	rddreg [dreg:$0xc];
	[sflag:s15] =	ssyncadd.s32 @!p1 $0xFFFFF830  }
0xa9: {  	[hbm4b:s11+s16] =	stream.linear.scatter @!p1 [tilespmem:s14], [sflag:$0x1], $0x7D0, $0x38;
	[tilespmem:$0x166D0] =	vst v63  }
0xaa: {  	_ =	swait.ge @!p1 [sflag:s15], $0x7D0  }
0xab: {  	s13 =	simm.s32 @!p0 $0x90;
	[sflag:s15] =	ssyncset.done @!p1 $0x0  }
0xac: {  	s11 =	simm.s32 @!p0 $0x80;
	s14 =	simm.s32 @!p0 $0x6C80;
	[sflag:s15] =	ssyncadd.s32 @!p1 $0xFFFFF830  }
0xad: {  	[tilespmem:s14], [sflag:$0x1] =	stream.strided.gather @!p0 [spmem:s22], $0x3E80, s13, s11, $0x38;
	[tilespmem:$0x166D0] =	vst v63  }
0xae: {  	s13 =	simm.s32 @!p0 $0x1  }
0xaf: {  	_ =	swait.ge @!p0 [sflag:s13], $0x3E80  }
0xb0: {  	[sflag:s13] =	ssyncset.done @!p0 $0x0  }
0xb1: {  	s15 =	simm.s32 @!p0 $0x100;
	s16 =	rddreg [dreg:$0x7];
	[sflag:s13] =	ssyncadd.s32 @!p0 $0xFFFFC180  }
0xb2: {  	[hbm4b:s16+s11] =	stream.strided.scatter @!p0 [tilespmem:s14], [sflag:$0x1], $0x3E80, s15, s11, $0x38;
	[tilespmem:$0x166D0] =	vst v63  }
0xb3: {  	_ =	swait.ge @!p0 [sflag:s13], $0x3E80  }
0xb4: {  	s11 =	simm.s32 @!p2 $0x10;
	[sflag:s13] =	ssyncset.done @!p0 $0x0  }
0xb5: {  	s14 =	simm.s32 @!p2 $0xAB00;
	[sflag:s13] =	ssyncadd.s32 @!p0 $0xFFFFC180;
	s13 =	simm.s32 @!p2 $0x90  }
0xb6: {  	[tilespmem:s14], [sflag:$0x1] =	stream.strided.gather @!p2 [spmem:s31], $0x7D0, s13, s11, $0x38;
	[tilespmem:$0x166D0] =	vst v63  }
0xb7: {  	s11 =	simm.s32 @!p2 $0x1  }
0xb8: {  	_ =	swait.ge @!p2 [sflag:s11], $0x7D0  }
0xb9: {  	[sflag:s11] =	ssyncset.done @!p2 $0x0  }
0xba: {  	s13 =	simm.s32 @!p2 $0x0;
	s15 =	rddreg [dreg:$0xd];
	[sflag:s11] =	ssyncadd.s32 @!p2 $0xFFFFF830  }
0xbb: {  	[hbm4b:s15+s13] =	stream.linear.scatter @!p2 [tilespmem:s14], [sflag:$0x1], $0x7D0, $0x38;
	[tilespmem:$0x166D0] =	vst v63  }
0xbc: {  	_ =	swait.ge @!p2 [sflag:s11], $0x7D0  }
0xbd: {  	[sflag:s11] =	ssyncset.done @!p2 $0x0  }
0xbe: {  	[sflag:s11] =	ssyncadd.s32 @!p2 $0xFFFFF830  }
0xbf: {  	[bflag:$0x0] =	sbarrier.arrive $0xFFFF  }
0xc0: {  	[spmem:s5] =	stream.linear.scatter [tilespmem:s1], [sflag:$0x1], $0x2400, $0x38;
	[tilespmem:$0x166D0] =	vst v63  }
0xc1: {  	_ =	swait.ge [sflag:s0], $0x2400  }
0xc2: {  	[sflag:s0] =	ssyncset.done $0x0  }
0xc3: {  	[sflag:s0] =	ssyncadd.s32 $0xFFFFDC00  }
0xc4: {  	[spmem:s18] =	stream.linear.scatter [tilespmem:s1], [sflag:$0x1], $0x2400, $0x38;
	[tilespmem:$0x166D0] =	vst v63  }
0xc5: {  	_ =	swait.ge [sflag:s0], $0x2400  }
0xc6: {  	[sflag:s0] =	ssyncset.done $0x0  }
0xc7: {  	[sflag:s0] =	ssyncadd.s32 $0xFFFFDC00  }
0xc8: {  	[spmem:s19] =	stream.linear.scatter [tilespmem:s1], [sflag:$0x1], $0x2400, $0x38;
	[tilespmem:$0x166D0] =	vst v63  }
0xc9: {  	_ =	swait.ge [sflag:s0], $0x2400  }
0xca: {  	[sflag:s0] =	ssyncset.done $0x0  }
0xcb: {  	[sflag:s0] =	ssyncadd.s32 $0xFFFFDC00  }
0xcc: {  	[spmem:s26] =	stream.linear.scatter [tilespmem:s1], [sflag:$0x1], $0x2400, $0x38;
	[tilespmem:$0x166D0] =	vst v63  }
0xcd: {  	_ =	swait.ge [sflag:s0], $0x2400  }
0xce: {  	[sflag:s0] =	ssyncset.done $0x0  }
0xcf: {  	[sflag:s0] =	ssyncadd.s32 $0xFFFFDC00  }
0xd0: {  	[spmem:s28] =	stream.linear.scatter [tilespmem:s1], [sflag:$0x1], $0x2400, $0x38;
	[tilespmem:$0x166D0] =	vst v63  }
0xd1: {  	_ =	swait.ge [sflag:s0], $0x2400  }
0xd2: {  	[sflag:s0] =	ssyncset.done $0x0  }
0xd3: {  	[sflag:s0] =	ssyncadd.s32 $0xFFFFDC00  }
0xd4: {  	s16 =	sadd.s32 $0x0, s24;
	[bflag:$0x0] =	sbarrier.arrive $0xFFFF  }
0xd5: {  	[tilespmem:s3], [sflag:$0x2] =	stream.linear.gather [hbm4b:s16+s3], $0x80, $0x38;
	[tilespmem:$0x166D0] =	vst v63  }
0xd6: {  	_ =	swait.ge [sflag:s4], $0x80  }
0xd7: {  	[sflag:s4] =	ssyncset.done $0x0  }
0xd8: {  	[sflag:s4] =	ssyncadd.s32 $0xFFFFFF80  }
0xd9: {  	v0 =	vld [tilespmem:$0x0]  }
0xda: {  	v1 =	vld [tilespmem:$0x70];
	_ =	sdelay $0x3  }
0xdb: {  	v2 =	vxor.u32 $0x80000000, v0  }
0xdc: {  	v3 =	vxor.u32 $0x80000000, v1;
	(xrf0) =	vmin.scan.msk.u32 $0xffff, v2  }
0xdd: {  	(xrf0) =	vmax.scan.msk.u32 $0xffff, v3;
	_ =	sdelay $0x4  }
0xde: {  	v2, _, _ =	vpop (xrf0)  }
0xdf: {  	(v2sf) =	vpush v2, $0xF;
	v63, _, _ =	vpop (xrf0)  }
0xe0: {  	(v2sf) =	vpush v63, $0xF;
	_ =	sdelay $0xd  }
0xe1: {  	s25 =	spop (v2sf)  }
0xe2: {  	p3 =	sgt.u32 s25, $0x8000270F;
	s11 =	spop (v2sf)  }
0xe3: {  	p4 =	slt.u32 @!p3 s11, $0x80001388  }
0xe4: {  	p3 =	por p4, p3  }
0xe5: {  	v2 =	vld @!p3 [tilespmem:$0x60]  }
0xe6: {  	v3 =	vld @!p3 [tilespmem:$0x50]  }
0xe7: {  	v4 =	vld @!p3 [tilespmem:$0x40]  }
0xe8: {  	v0 =	vadd.s32 @!p3 $0xFFFFEC78, v0;
	v5 =	vld @!p3 [tilespmem:$0x30]  }
0xe9: {  	v1 =	vadd.s32 @!p3 $0xFFFFEC78, v1;
	v6 =	vld @!p3 [tilespmem:$0x20];
	v0 =	vmin.u32 @!p3 v0, $0x1388  }
0xea: {  	v1 =	vmin.u32 @!p3 v1, $0x1388;
	[tilespmem:$0x0] =	vst @!p3 v0;
	v0 =	vld @!p3 [tilespmem:$0x10];
	v2 =	vadd.s32 @!p3 $0xFFFFEC78, v2  }
0xeb: {  	[tilespmem:$0x70] =	vst @!p3 v1;
	v1 =	vadd.s32 @!p3 $0xFFFFEC78, v3;
	v2 =	vmin.u32 @!p3 v2, $0x1388  }
0xec: {  	v3 =	vadd.s32 @!p3 $0xFFFFEC78, v4;
	v1 =	vmin.u32 @!p3 v1, $0x1388;
	[tilespmem:$0x60] =	vst @!p3 v2  }
0xed: {  	v3 =	vmin.u32 @!p3 v3, $0x1388;
	v2 =	vadd.s32 @!p3 $0xFFFFEC78, v5;
	[tilespmem:$0x50] =	vst @!p3 v1  }
0xee: {  	v1 =	vadd.s32 @!p3 $0xFFFFEC78, v6;
	[tilespmem:$0x40] =	vst @!p3 v3;
	v2 =	vmin.u32 @!p3 v2, $0x1388  }
0xef: {  	v0 =	vadd.s32 @!p3 $0xFFFFEC78, v0;
	v1 =	vmin.u32 @!p3 v1, $0x1388;
	[tilespmem:$0x30] =	vst @!p3 v2  }
0xf0: {  	v0 =	vmin.u32 @!p3 v0, $0x1388;
	[tilespmem:$0x20] =	vst @!p3 v1  }
0xf1: {  	s11 =	simm.s32 @!p3 $0x90;
	s14 =	simm.s32 @!p3 $0x120;
	s13 =	simm.s32 @!p3 $0x80;
	[tilespmem:$0x10] =	vst @!p3 v0  }
0xf2: {  	[tilespmem:s13], [sflag:$0x2] =	stream.strided.gather @!p3 [hbm4b:s12+s11], $0x4800, s14, s11, $0x38;
	[tilespmem:$0x166D0] =	vst v63  }
0xf3: {  	s14 =	simm.s32 @!p3 $0x2  }
0xf4: {  	s25 =	smov.u32 s12;
	s11 =	simm.s32 $0x10;
	_ =	swait.ge @!p3 [sflag:s14], $0x4800  }
.LBB2_4:
0xf5: {  	[sflag:s14] =	ssyncset.done @!p3 $0x0  }
0xf6: {  	s25 =	sadd.s32 $0x1200, s25;
	s15 =	smov.u32 s11;
	s11 =	sadd.s32 $0x10, s11  }
0xf7: {  	s16 =	simm.s32 @!p3 $0x1;
	[sflag:s14] =	ssyncadd.s32 @!p3 $0xFFFFB800;
	s14 =	simm.s32 @!p3 $0x0  }
0xf8: {  	[spmem:s2] =	stream.indirect.scatter.add.f32 @!p3 [tilespmem:s13], [sflag:$0x1], $0x90, s14, s13, $0xb8;
	[tilespmem:$0x166D0] =	vst v63  }
0xf9: {  	p4 =	sne.s32 s11, $0x500;
	_ =	swait.ge @!p3 [sflag:s16], $0x4800  }
0xfa: {  	[sflag:s16] =	ssyncset.done @!p3 $0x0  }
0xfb: {  	s13 =	sadd.s32 s15, s24;
	[sflag:s16] =	ssyncadd.s32 @!p3 $0xFFFFB800  }
0xfc: {  	[tilespmem:s3], [sflag:$0x2] =	stream.linear.gather [hbm4b:s13+s3], $0x80, $0x38;
	[tilespmem:$0x166D0] =	vst v63  }
0xfd: {  	_ =	swait.ge [sflag:s4], $0x80  }
0xfe: {  	[sflag:s4] =	ssyncset.done $0x0  }
0xff: {  	[sflag:s4] =	ssyncadd.s32 $0xFFFFFF80  }
0x100: {  	v0 =	vld [tilespmem:$0x0]  }
0x101: {  	v1 =	vld [tilespmem:$0x70];
	_ =	sdelay $0x3  }
0x102: {  	v2 =	vxor.u32 $0x80000000, v0  }
0x103: {  	v3 =	vxor.u32 $0x80000000, v1;
	(xrf0) =	vmin.scan.msk.u32 $0xffff, v2  }
0x104: {  	(xrf0) =	vmax.scan.msk.u32 $0xffff, v3;
	_ =	sdelay $0x4  }
0x105: {  	v2, _, _ =	vpop (xrf0)  }
0x106: {  	(v2sf) =	vpush v2, $0xF;
	v2, _, _ =	vpop (xrf0)  }
0x107: {  	(v2sf) =	vpush v2, $0xF;
	_ =	sdelay $0xd  }
0x108: {  	s13 =	spop (v2sf)  }
0x109: {  	p3 =	sgt.u32 s13, $0x8000270F;
	s13 =	spop (v2sf)  }
0x10a: {  	p5 =	slt.u32 @!p3 s13, $0x80001388  }
0x10b: {  	p3 =	por p5, p3  }
0x10c: {  	v0 =	vadd.s32 @!p3 $0xFFFFEC78, v0;
	v2 =	vld @!p3 [tilespmem:$0x60];
	v1 =	vadd.s32 @!p3 $0xFFFFEC78, v1  }
0x10d: {  	v0 =	vmin.u32 @!p3 v0, $0x1388;
	v3 =	vld @!p3 [tilespmem:$0x50];
	v1 =	vmin.u32 @!p3 v1, $0x1388  }
0x10e: {  	[tilespmem:$0x0] =	vst @!p3 v0;
	v0 =	vld @!p3 [tilespmem:$0x40]  }
0x10f: {  	v4 =	vld @!p3 [tilespmem:$0x30];
	[tilespmem:$0x70] =	vst @!p3 v1  }
0x110: {  	v1 =	vld @!p3 [tilespmem:$0x20]  }
0x111: {  	v5 =	vld @!p3 [tilespmem:$0x10];
	v2 =	vadd.s32 @!p3 $0xFFFFEC78, v2  }
0x112: {  	v3 =	vadd.s32 @!p3 $0xFFFFEC78, v3;
	v2 =	vmin.u32 @!p3 v2, $0x1388  }
0x113: {  	v0 =	vadd.s32 @!p3 $0xFFFFEC78, v0;
	v3 =	vmin.u32 @!p3 v3, $0x1388;
	[tilespmem:$0x60] =	vst @!p3 v2  }
0x114: {  	v2 =	vadd.s32 @!p3 $0xFFFFEC78, v4;
	v0 =	vmin.u32 @!p3 v0, $0x1388;
	[tilespmem:$0x50] =	vst @!p3 v3  }
0x115: {  	v1 =	vadd.s32 @!p3 $0xFFFFEC78, v1;
	v2 =	vmin.u32 @!p3 v2, $0x1388;
	[tilespmem:$0x40] =	vst @!p3 v0  }
.Ltmp1:
0x116: {  	v0 =	vadd.s32 @!p3 $0xFFFFEC78, v5;
	v1 =	vmin.u32 @!p3 v1, $0x1388;
	[tilespmem:$0x30] =	vst @!p3 v2;
	(pc) =	sbr.rel @p4 .LBB2_4-.Ltmp1, $4  }
0x117: {  	s14 =	simm.s32 @!p3 $0x2;
	v0 =	vmin.u32 @!p3 v0, $0x1388;
	[tilespmem:$0x20] =	vst @!p3 v1  }
0x118: {  	s15 =	simm.s32 @!p3 $0x90;
	s16 =	simm.s32 @!p3 $0x120;
	s13 =	simm.s32 @!p3 $0x80;
	[tilespmem:$0x10] =	vst @!p3 v0  }
0x119: {  	[tilespmem:s13], [sflag:$0x2] =	stream.strided.gather @!p3 [hbm4b:s25+s15], $0x4800, s16, s15, $0x38;
	[tilespmem:$0x166D0] =	vst v63  }
0x11a: {  	_ =	swait.ge @!p3 [sflag:s14], $0x4800  }
0x11b: {  	[sflag:s14] =	ssyncset.done @!p3 $0x0  }
0x11c: {  	s11 =	simm.s32 @!p3 $0x0;
	[sflag:s14] =	ssyncadd.s32 @!p3 $0xFFFFB800;
	s14 =	simm.s32 @!p3 $0x1  }
0x11d: {  	[spmem:s2] =	stream.indirect.scatter.add.f32 @!p3 [tilespmem:s13], [sflag:$0x1], $0x90, s11, s13, $0xb8;
	[tilespmem:$0x166D0] =	vst v63  }
0x11e: {  	_ =	swait.ge @!p3 [sflag:s14], $0x4800  }
0x11f: {  	[sflag:s14] =	ssyncset.done @!p3 $0x0  }
0x120: {  	[sflag:s14] =	ssyncadd.s32 @!p3 $0xFFFFB800  }
0x121: {  	[bflag:$0x0] =	sbarrier.arrive $0xFFFF  }
0x122: {  	[tilespmem:s8], [sflag:$0x1] =	stream.strided.gather [spmem:s20], $0x3E80, s7, s6, $0x38;
	[tilespmem:$0x166D0] =	vst v63  }
0x123: {  	_ =	swait.ge [sflag:s0], $0x3E80  }
0x124: {  	[sflag:s0] =	ssyncset.done $0x0  }
0x125: {  	s25 =	rddreg [dreg:$0x8];
	[sflag:s0] =	ssyncadd.s32 $0xFFFFC180  }
0x126: {  	[hbm4b:s25+s6] =	stream.strided.scatter [tilespmem:s8], [sflag:$0x1], $0x3E80, s9, s6, $0x38;
	[tilespmem:$0x166D0] =	vst v63  }
0x127: {  	_ =	swait.ge [sflag:s0], $0x3E80  }
0x128: {  	s15 =	simm.s32 @!p1 $0x1;
	s11 =	simm.s32 @!p1 $0x10;
	[sflag:s0] =	ssyncset.done $0x0  }
0x129: {  	s13 =	simm.s32 @!p1 $0x90;
	s14 =	simm.s32 @!p1 $0xAB00;
	[sflag:s0] =	ssyncadd.s32 $0xFFFFC180  }
0x12a: {  	[tilespmem:s14], [sflag:$0x1] =	stream.strided.gather @!p1 [spmem:s29], $0x7D0, s13, s11, $0x38;
	[tilespmem:$0x166D0] =	vst v63  }
0x12b: {  	_ =	swait.ge @!p1 [sflag:s15], $0x7D0  }
0x12c: {  	[sflag:s15] =	ssyncset.done @!p1 $0x0  }
0x12d: {  	s16 =	simm.s32 @!p1 $0x0;
	s25 =	rddreg [dreg:$0xe];
	[sflag:s15] =	ssyncadd.s32 @!p1 $0xFFFFF830  }
0x12e: {  	[hbm4b:s25+s16] =	stream.linear.scatter @!p1 [tilespmem:s14], [sflag:$0x1], $0x7D0, $0x38;
	[tilespmem:$0x166D0] =	vst v63  }
0x12f: {  	_ =	swait.ge @!p1 [sflag:s15], $0x7D0  }
0x130: {  	[sflag:s15] =	ssyncset.done @!p1 $0x0  }
0x131: {  	[sflag:s15] =	ssyncadd.s32 @!p1 $0xFFFFF830  }
0x132: {  	[tilespmem:s8], [sflag:$0x1] =	stream.strided.gather [spmem:s21], $0x3E80, s7, s6, $0x38;
	[tilespmem:$0x166D0] =	vst v63  }
0x133: {  	_ =	swait.ge [sflag:s0], $0x3E80  }
0x134: {  	[sflag:s0] =	ssyncset.done $0x0  }
0x135: {  	s25 =	rddreg [dreg:$0x9];
	[sflag:s0] =	ssyncadd.s32 $0xFFFFC180  }
0x136: {  	[hbm4b:s25+s6] =	stream.strided.scatter [tilespmem:s8], [sflag:$0x1], $0x3E80, s9, s6, $0x38;
	[tilespmem:$0x166D0] =	vst v63  }
0x137: {  	_ =	swait.ge [sflag:s0], $0x3E80  }
0x138: {  	[sflag:s0] =	ssyncset.done $0x0  }
0x139: {  	[sflag:s0] =	ssyncadd.s32 $0xFFFFC180  }
0x13a: {  	[tilespmem:s14], [sflag:$0x1] =	stream.strided.gather @!p1 [spmem:s30], $0x7D0, s13, s11, $0x38;
	[tilespmem:$0x166D0] =	vst v63  }
0x13b: {  	_ =	swait.ge @!p1 [sflag:s15], $0x7D0  }
0x13c: {  	[sflag:s15] =	ssyncset.done @!p1 $0x0  }
0x13d: {  	s11 =	rddreg [dreg:$0xf];
	[sflag:s15] =	ssyncadd.s32 @!p1 $0xFFFFF830  }
0x13e: {  	[hbm4b:s11+s16] =	stream.linear.scatter @!p1 [tilespmem:s14], [sflag:$0x1], $0x7D0, $0x38;
	[tilespmem:$0x166D0] =	vst v63  }
0x13f: {  	_ =	swait.ge @!p1 [sflag:s15], $0x7D0  }
0x140: {  	s13 =	simm.s32 @!p0 $0x90;
	[sflag:s15] =	ssyncset.done @!p1 $0x0  }
0x141: {  	s11 =	simm.s32 @!p0 $0x80;
	s14 =	simm.s32 @!p0 $0x6C80;
	[sflag:s15] =	ssyncadd.s32 @!p1 $0xFFFFF830  }
0x142: {  	[tilespmem:s14], [sflag:$0x1] =	stream.strided.gather @!p0 [spmem:s22], $0x3E80, s13, s11, $0x38;
	[tilespmem:$0x166D0] =	vst v63  }
0x143: {  	s13 =	simm.s32 @!p0 $0x1  }
0x144: {  	_ =	swait.ge @!p0 [sflag:s13], $0x3E80  }
0x145: {  	[sflag:s13] =	ssyncset.done @!p0 $0x0  }
0x146: {  	s15 =	simm.s32 @!p0 $0x100;
	s16 =	rddreg [dreg:$0xa];
	[sflag:s13] =	ssyncadd.s32 @!p0 $0xFFFFC180  }
0x147: {  	[hbm4b:s16+s11] =	stream.strided.scatter @!p0 [tilespmem:s14], [sflag:$0x1], $0x3E80, s15, s11, $0x38;
	[tilespmem:$0x166D0] =	vst v63  }
0x148: {  	_ =	swait.ge @!p0 [sflag:s13], $0x3E80  }
0x149: {  	s11 =	simm.s32 @!p2 $0x10;
	[sflag:s13] =	ssyncset.done @!p0 $0x0  }
0x14a: {  	s14 =	simm.s32 @!p2 $0xAB00;
	[sflag:s13] =	ssyncadd.s32 @!p0 $0xFFFFC180;
	s13 =	simm.s32 @!p2 $0x90  }
0x14b: {  	[tilespmem:s14], [sflag:$0x1] =	stream.strided.gather @!p2 [spmem:s31], $0x7D0, s13, s11, $0x38;
	[tilespmem:$0x166D0] =	vst v63  }
0x14c: {  	s11 =	simm.s32 @!p2 $0x1  }
0x14d: {  	_ =	swait.ge @!p2 [sflag:s11], $0x7D0  }
0x14e: {  	s10 =	sadd.s32 $0x1, s10;
	[sflag:s11] =	ssyncset.done @!p2 $0x0  }
0x14f: {  	p3 =	sne.s32 s10, s23;
	s13 =	simm.s32 @!p2 $0x0;
	[sflag:s11] =	ssyncadd.s32 @!p2 $0xFFFFF830  }
0x150: {  	[hbm4b:s17+s13] =	stream.linear.scatter @!p2 [tilespmem:s14], [sflag:$0x1], $0x7D0, $0x38;
	[tilespmem:$0x166D0] =	vst v63  }
.Ltmp2:
0x151: {  	_ =	swait.ge @!p2 [sflag:s11], $0x7D0;
	(pc) =	sbr.rel @p3 .LBB2_1-.Ltmp2, $3  }
0x152: {  	[sflag:s11] =	ssyncset.done @!p2 $0x0  }
0x153: {  	[sflag:s11] =	ssyncadd.s32 @!p2 $0xFFFFF830  }
0x154: {  	[bflag:$0x0] =	sbarrier.arrive $0xFFFF;
	_ =	sdelay $0x1  }
0x155: {  	_ =	sfence.sel $0x180000  }
0x156: {  	[bflag:$0x0] =	sbarrier.arrive $0xFFFF  }
0x157: {  	_ =	strace $0x9000004A  }
0x158: {  	s0 =	stileid.u32;
	[bflag:$0x2] =	sbarrier.arrive $0xFFFF  }
0x159: {  	p0 =	sne.s32 s0, $0x0;
	s0 =	rddreg [dreg:$0x3]  }
0x15a: {  	s0 =	sadd.s32 @!p0 $0x100000, s0  }
0x15b: {  	[sflag:s0] =	ssyncadd.tile.s32 @!p0 $0x1;
	_ =	shalt  }
.Lfunc_end2:
_tile_overlayer_lowered:
.L_overlay_start_2:
0x15c: {  	(tag) =	ssettag $0x2  }
0x15d: {  	s0 =	rddreg [dreg:$0x0];
	s2 =	stileid.u32  }
0x15e: {  	s1 =	rddreg [dreg:$0x1];
	p0 =	sne.s32 s2, $0x0  }
0x15f: {  	s3 =	rddreg [dreg:$0x2];
	[bflag:$0x3] =	sbarrier.arrive $0xFFFF;
	s2 =	simm.s32 @!p0 $0x1C01  }
0x160: {  	[timem:s3], [sflag:s2] =	dma.local @!p0 [hbm:s0], s1  }
0x161: {  	s0 =	simm.s32 @!p0 $0x1  }
0x162: {  	_ =	swait.ge @!p0 [sflag:s0], s1  }
0x163: {  	s1 =	ssub.s32 @!p0 $0x0, s1;
	[sflag:s0] =	ssyncset.done @!p0 $0x0  }
0x164: {  	[sflag:s0] =	ssyncadd.s32 @!p0 s1  }
0x165: {  	[bflag:$0x3] =	sbarrier.arrive $0xFFFF  }
0x166: {  	_ =	shalt  }

// kernel: kernel.7.cloned.1.call-start
scs
__scs_entry_jumppad:
0x0: {  	(pc) =	sbr.rel $0x88, $3  }
0x1: {  	(tag) =	ssettag $0x0;
	lr =	simm.s32 $0x1  }
0x2: {  	[smem:$0x3F92] =	sst lr;
	_ =	strace $0xD0000000  }
0x3: {  	_ = 	snop  }
0x4: {  	_ = 	snop  }
0x5: {  	_ = 	snop  }
0x6: {  	_ = 	snop  }
0x7: {  	_ = 	snop  }
__scs_overlays_trampoline_lowered:
0x8: {  	[smem:$0x3FA1] =	sst s0  }
0x9: {  	[smem:$0x3FA2] =	sst s1  }
0xa: {  	[smem:$0x3FA3] =	sst s2  }
0xb: {  	[smem:$0x3FA4] =	sst s3  }
0xc: {  	[smem:$0x3FA5] =	sst s4  }
0xd: {  	[smem:$0x3FA6] =	sst s5  }
0xe: {  	[smem:$0x3FA7] =	sst s6  }
0xf: {  	[smem:$0x3FA8] =	sst s7  }
0x10: {  	[smem:$0x3FA9] =	sst s8  }
0x11: {  	[smem:$0x3FAA] =	sst s9;
	s0 =	simm.s32 @!p0 $0x0  }
0x12: {  	s1 =	sld [smem:$0x3F90];
	s0 =	simm.s32 @p0 $0x1  }
0x13: {  	[smem:$0x3FAB] =	sst s0;
	s0 =	simm.s32 @!p1 $0x0  }
0x14: {  	s2 =	sld [smem:$0x3F8F];
	s0 =	simm.s32 @p1 $0x1  }
0x15: {  	[smem:$0x3FAC] =	sst s0;
	s0 =	simm.s32 @!p2 $0x0  }
0x16: {  	s3 =	sld [smem:$0x3FDB];
	s0 =	simm.s32 @p2 $0x1  }
0x17: {  	s4 =	simm.s32 $0x1BF5;
	[smem:$0x3FAE] =	sst s0  }
0x18: {  	s0 =	sld [smem:$0x3F91];
	_ =	swait.ge [sflag:s4], $0x0  }
0x19: {  	s7 =	sld [smem:$0x3F92]  }
0x1a: {  	s8 =	sadd.s32 $0xFFFFE003, lr  }
0x1b: {  	s9 =	sadd.s32 $0xFFFFFEF7, lr;
	s5 =	simm.s32 $0xFFFFFFFF;
	p2 =	slt.u32 s8, $0xFFFFF086  }
0x1c: {  	p1 =	slt.u32 s9, $0xF7A;
	s5 =	simm.s32 @!p2 $0x0  }
0x1d: {  	s5 =	simm.s32 @p1 $0x1;
	p0 =	seq.s32 s7, s2  }
0x1e: {  	s7 =	smul.u32 @!p0 $0xF7A, s2;
	p2 =	seq.s32 @!p0 s5, $0x0  }
0x1f: {  	s9 =	smul.u32 $0xF7A, s1;
	s8 =	simm.s32 @!p0 $0x1BF5;
	p2 =	por !p2, p0  }
0x20: {  	[sflag:s8] =	ssyncset.s32 @!p0 $0xFFFFF086;
	s6 =	sadd.s32 @!p0 s3, s7;
	s7 =	simm.s32 @!p0 $0x108  }
0x21: {  	s3 =	sadd.s32 s3, s9;
	s6 =	sadd.s32 @!p0 $0x88, s6;
	s7 =	simm.s32 @p2 $0x1082  }
0x22: {  	[simem:s7], [sflag:s8] =	dma.local @!p0 [hbm:s6], $0xF7A  }
0x23: {  	s9 =	sor.u32 $0xD0000000, s2;
	s6 =	simm.s32 $0x108;
	_ =	swait.ge @!p0 [sflag:s8], $0x0  }
0x24: {  	s3 =	sadd.s32 $0x88, s3;
	s6 =	simm.s32 @!p1 $0x1082;
	[sflag:s4] =	ssyncset.s32 $0xFFFFF086  }
0x25: {  	[simem:s6], [sflag:s4] =	dma.local [hbm:s3], $0xF7A  }
0x26: {  	[smem:$0x3F92] =	sst s1;
	(tag) =	ssettag s2;
	_ =	strace s9  }
0x27: {  	s1 =	sld [smem:$0x3FA2]  }
0x28: {  	s2 =	sld [smem:$0x3FA3]  }
0x29: {  	s4 =	sld [smem:$0x3FA5]  }
0x2a: {  	p0 =	seq.s32 s5, $0x0;
	s5 =	sld [smem:$0x3FA6]  }
0x2b: {  	s6 =	sld [smem:$0x3FA7]  }
0x2c: {  	s7 =	sld [smem:$0x3FA8]  }
0x2d: {  	s3 =	simm.s32 $0x108;
	s8 =	sld [smem:$0x3FA9]  }
0x2e: {  	s3 =	simm.s32 @!p0 $0x1082;
	s9 =	sld [smem:$0x3FAA]  }
0x2f: {  	lr =	sadd.s32 s0, s3;
	s0 =	sld [smem:$0x3FA1]  }
0x30: {  	s3 =	sld [smem:$0x3FA4]  }
0x31: {  	[smem:$0x3FAD] =	sst s10  }
0x32: {  	s10 =	sld [smem:$0x3FAB];
	_ =	sdelay $0x3  }
0x33: {  	p0 =	seq.s32 s10, $0x1;
	s10 =	sld [smem:$0x3FAD];
	_ =	sdelay $0x3  }
0x34: {  	[smem:$0x3FAD] =	sst s10  }
0x35: {  	s10 =	sld [smem:$0x3FAC];
	_ =	sdelay $0x3  }
0x36: {  	p1 =	seq.s32 s10, $0x1;
	s10 =	sld [smem:$0x3FAD];
	_ =	sdelay $0x3  }
0x37: {  	[smem:$0x3FAD] =	sst s10  }
0x38: {  	s10 =	sld [smem:$0x3FAE]  }
0x39: {  	_ = 	snop;
	(pc) =	sbr.ind lr, $3  }
0x3a: {  	_ = 	snop  }
0x3b: {  	_ = 	snop  }
0x3c: {  	p2 =	seq.s32 s10, $0x1;
	s10 =	sld [smem:$0x3FAD]  }
0x3d: {  	_ =	shalt  }
0x3e: {  	_ =	shalt  }
0x3f: {  	_ =	shalt  }
0x40: {  	_ =	shalt  }
0x41: {  	_ =	shalt  }
0x42: {  	_ =	shalt  }
0x43: {  	_ =	shalt  }
0x44: {  	_ =	shalt  }
0x45: {  	_ =	shalt  }
0x46: {  	_ =	shalt  }
0x47: {  	_ =	shalt  }
0x48: {  	_ =	shalt  }
0x49: {  	_ =	shalt  }
0x4a: {  	_ =	shalt  }
0x4b: {  	_ =	shalt  }
0x4c: {  	_ =	shalt  }
0x4d: {  	_ =	shalt  }
0x4e: {  	_ =	shalt  }
0x4f: {  	_ =	shalt  }
0x50: {  	_ =	shalt  }
0x51: {  	_ =	shalt  }
0x52: {  	_ =	shalt  }
0x53: {  	_ =	shalt  }
0x54: {  	_ =	shalt  }
0x55: {  	_ =	shalt  }
0x56: {  	_ =	shalt  }
0x57: {  	_ =	shalt  }
0x58: {  	_ =	shalt  }
0x59: {  	_ =	shalt  }
0x5a: {  	_ =	shalt  }
0x5b: {  	_ =	shalt  }
0x5c: {  	_ =	shalt  }
0x5d: {  	_ =	shalt  }
0x5e: {  	_ =	shalt  }
0x5f: {  	_ =	shalt  }
0x60: {  	_ =	shalt  }
0x61: {  	_ =	shalt  }
0x62: {  	_ =	shalt  }
0x63: {  	_ =	shalt  }
0x64: {  	_ =	shalt  }
0x65: {  	_ =	shalt  }
0x66: {  	_ =	shalt  }
0x67: {  	_ =	shalt  }
0x68: {  	_ =	shalt  }
0x69: {  	_ =	shalt  }
0x6a: {  	_ =	shalt  }
0x6b: {  	_ =	shalt  }
0x6c: {  	_ =	shalt  }
0x6d: {  	_ =	shalt  }
0x6e: {  	_ =	shalt  }
0x6f: {  	_ =	shalt  }
0x70: {  	_ =	shalt  }
0x71: {  	_ =	shalt  }
0x72: {  	_ =	shalt  }
0x73: {  	_ =	shalt  }
0x74: {  	_ =	shalt  }
0x75: {  	_ =	shalt  }
0x76: {  	_ =	shalt  }
0x77: {  	_ =	shalt  }
0x78: {  	_ =	shalt  }
0x79: {  	_ =	shalt  }
0x7a: {  	_ =	shalt  }
0x7b: {  	_ =	shalt  }
0x7c: {  	_ =	shalt  }
0x7d: {  	_ =	shalt  }
0x7e: {  	_ =	shalt  }
0x7f: {  	_ =	shalt  }
0x80: {  	_ =	shalt  }
0x81: {  	_ =	shalt  }
0x82: {  	_ =	shalt  }
0x83: {  	_ =	shalt  }
0x84: {  	_ =	shalt  }
0x85: {  	_ =	shalt  }
0x86: {  	_ =	shalt  }
0x87: {  	_ =	shalt  }
.Lfunc_end0:
.L_simem_size_0:
called_computation_lowered:
.L_overlay_start_0:
0x88: {  	s2 =	sld [smem:$0x3FD9]  }
0x89: {  	s3 =	sld [smem:$0x3FFE];
	_ =	sdelay $0x1  }
0x8a: {  	s1 =	srdreg.scid  }
0x8b: {  	s0 =	sand.u32 $0x1, s1  }
0x8c: {  	s17 =	sshll.u32 s0, $0xA;
	s2 =	sadd.s32 s3, s2  }
0x8d: {  	s2 =	sadd.s32 s2, s17  }
0x8e: {  	[smem:$0x3FB9] =	sst s2  }
0x8f: {  	_ = 	snop  }
0x90: {  	s2 =	sld [smem:$0x3FD0];
	(tm) =	ssettm $0x1  }
0x91: {  	s18 =	sld [smem:$0x3FFB];
	_ =	sdelay $0x3  }
0x92: {  	_ =	strace s18  }
0x93: {  	s3 =	sld [smem:$0x3FFC];
	_ =	sdelay $0x3  }
0x94: {  	_ =	strace s3  }
0x95: {  	s3 =	sld [smem:$0x3FFD];
	_ =	sdelay $0x3  }
0x96: {  	_ =	strace s3  }
0x97: {  	_ =	strace $0x8FFFFFFF  }
0x98: {  	s19 =	sld [smem:$0x3FDB];
	_ =	sdelay $0x1  }
0x99: {  	s4 =	simm.s32 $_scs_section_size  }
0x9a: {  	s5 =	simm.s32 $_size__tile_overlayer_lowered;
	s6 =	simm.s32 $_tile_overlayer_lowered  }
0x9b: {  	s22 =	simm.s32 $0x1BFF;
	s21 =	sshll.u32 s6, $0x1;
	s3 =	sadd.s32 s4, s19  }
0x9c: {  	s7 =	simm.s32 $0x0;
	s20 =	sshll.u32 s5, $0x1;
	s5 =	sadd.s32 s21, s3  }
0x9d: {  	[timem:s7], [sflag:s22] =	dma.local [hbm:s5], s20  }
0x9e: {  	_ =	swait.ge [sflag:s22], s20  }
0x9f: {  	s4 =	ssub.s32 $0x0, s20;
	[sflag:s22] =	ssyncset.done $0x0  }
0xa0: {  	[sflag:s22] =	ssyncadd.s32 s4;
	_ =	sdelay $0x1  }
0xa1: {  	s23 =	simm.s32 $0x1B8B  }
0xa2: {  	_ =	swait.ge [sflag:s23], $0x1  }
0xa3: {  	[sflag:s23] =	ssyncset.done $0x0  }
0xa4: {  	s25 =	simm.s32 $0x1B8E;
	s24 =	sld [smem:$0x3FFE];
	[sflag:s23] =	ssyncadd.s32 $0xFFFFFFFF  }
0xa5: {  	s26 =	simm.s32 $execute0_lowered;
	[smem:$0x3FD2] =	sst s25  }
0xa6: {  	s5 =	sshll.u32 s26, $0x1;
	_ =	strace $0x80000046;
	[dreg:$0x1] =	wrdreg $0xFFFFFFFF  }
0xa7: {  	s28 =	simm.s32 $_size_execute0_lowered;
	s3 =	sadd.s32 s3, s5;
	[dreg:$0x0] =	wrdreg $0x0  }
0xa8: {  	s5 =	sshll.u32 s28, $0x1;
	[dreg:$0x2] =	wrdreg s3  }
0xa9: {  	[dreg:$0x3] =	wrdreg s5  }
0xaa: {  	[dreg:$0x4] =	wrdreg $0xC0  }
0xab: {  	_ =	task [dreg:s7], $0x5FFFF  }
0xac: {  	[dreg:$0x1] =	wrdreg $0xFFFFFFFF  }
0xad: {  	[dreg:$0x0] =	wrdreg $0x60  }
0xae: {  	[dreg:$0x2] =	wrdreg s24  }
0xaf: {  	[dreg:$0x3] =	wrdreg s2  }
0xb0: {  	[dreg:$0x4] =	wrdreg $0x9  }
0xb1: {  	_ =	task.clear_ibuf [dreg:s7], $0x5FFFF;
	_ =	strace $0x90000046  }
0xb2: {  	s29 =	simm.s32 $0x9;
	_ =	strace $0x80000048  }
0xb3: {  	_ =	swait.ge [sflag:s29], $0x1  }
0xb4: {  	[sflag:s29] =	ssyncadd.s32 $0xFFFFFFFF  }
0xb5: {  	_ =	strace $0x90000048  }
0xb6: {  	_ =	sfence  }
0xb7: {  	s30 =	sld [smem:$0x0];
	_ =	sdelay $0x2  }
0xb8: {  	s31 =	sshll.u32 s1, $0xD;
	s1 =	sshrl.u32 s1, $0x2  }
0xb9: {  	s3 =	sand.u32 $0x4000, s31;
	s1 =	sadd.s32 s1, s30  }
0xba: {  	s0 =	sor.u32 s3, s0;
	s1 =	sshll.u32 s1, $0x11  }
0xbb: {  	s0 =	sor.u32 s1, s0  }
0xbc: {  	s0 =	sadd.s32 $0x8F2B, s0  }
0xbd: {  	[sflag:s0] =	ssyncadd.remote.s32 $0x1  }
0xbe: {  	_ =	sfence.sel $0xFFFF  }
0xbf: {  	[dreg:$0x0] =	wrdreg $0xFFFFFFFF;
	(pc) =	sbr.abs _section_cstart, $3  }
0xc0: {  	[dreg:$0x1] =	wrdreg $0xFFFFFFFF  }
0xc1: {  	_ =	task.clear_ibuf [dreg:s7], $0x2FFFF;
	_ =	strace $0x9FFFFFFF  }
0xc2: {  	(tm) =	ssettm $0x7FFFFFFF  }
0xc3: {  	_ =	shalt  }
tec
execute0_lowered:
.L_overlay_start_1:
0x0: {  	(tag) =	ssettag $0x1  }
0x1: {  	s0 =	rddreg [dreg:$0x0]  }
0x2: {  	s1 =	rddreg [dreg:$0x1];
	s2 =	simm.s32 $0x0  }
0x3: {  	s12 =	stileid.u32;
	s5 =	srdreg.scid;
	s14 =	simm.s32 $0x100  }
0x4: {  	s15 =	simm.s32 $0x80;
	s16 =	simm.s32 $0x200;
	s17 =	simm.s32 $0x11200  }
0x5: {  	s18 =	simm.s32 $0x180;
	s19 =	simm.s32 $0x8A00;
	s20 =	simm.s32 $0x11A00  }
0x6: {  	s21 =	simm.s32 $0x1;
	s22 =	simm.s32 $0x2;
	s6 =	smul.u32 $0x55000, s12  }
0x7: {  	s23 =	simm.s32 $0x3;
	s24 =	simm.s32 $0x4;
	s11 =	smul.u32 $0x2800, s12  }
0x8: {  	s25 =	simm.s32 $0x0;
	s7 =	sand.u32 $0x1, s5;
	s30 =	smul.u32 $0x5000, s12  }
0x9: {  	[smem:$0x7FF] =	sst s2;
	s3 =	sadd.s32 $0x78800, s0;
	s8 =	smul.u32 $0x2A800, s7  }
0xa: {  	s4 =	sadd.s32 $0x3400, s0;
	s10 =	sadd.s32 $0x8400, s0;
	s29 =	smul.u32 $0x1400, s7  }
0xb: {  	_ =	strace $0x80000047;
	s5 =	ssub.s32 $0x2, s7;
	s7 =	smul.u32 $0x2800, s7  }
0xc: {  	s6 =	sadd.s32 s6, s0;
	s9 =	sshrl.u32 s5, $0x1;
	s0 =	sadd.s32 $0xD400, s0  }
0xd: {  	s5 =	ssub.s32 s5, s9;
	s6 =	sadd.s32 s8, s6;
	s9 =	sadd.s32 s29, s11  }
0xe: {  	s8 =	sadd.s32 s30, s0;
	s5 =	smax.u32 s5, $0x1;
	s6 =	sadd.s32 $0xCBA00, s6  }
0xf: {  	s11 =	sshrl.u32 s9, $0x3;
	s31 =	sor.u32 $0x80, s9;
	s7 =	sadd.s32 s7, s8  }
0x10: {  	[dreg:$0x3] =	wrdreg s5;
	s8 =	sadd.s32 s11, s10;
	s13 =	sshll.u32 s31, $0x1  }
0x11: {  	s9 =	sadd.s32 s11, s1;
	s12 =	sshrl.u32 s31, $0x3;
	s0 =	sadd.s32 s13, s0  }
0x12: {  	s11 =	sadd.s32 s12, s10;
	s12 =	sadd.s32 s12, s1;
	s13 =	simm.s32 $0x5  }
.LBB2_1:
0x13: {  	p0 =	por $0x1, $0x1  }
0x14: {  	s1 =	simm.s32 @!p0 $0x3  }
0x15: {  	_ =	swait.ge @!p0 [sflag:s1], $0x8800  }
0x16: {  	[sflag:s1] =	ssyncset.done @!p0 $0x0  }
0x17: {  	[sflag:s1] =	ssyncadd.s32 @!p0 $0xFFFF7800  }
0x18: {  	_ =	swait.ge @!p0 [sflag:s1], $0x800  }
0x19: {  	[sflag:s1] =	ssyncset.done @!p0 $0x0  }
0x1a: {  	s10 =	sadd.s32 $0x0, s9;
	[sflag:s1] =	ssyncadd.s32 @!p0 $0xFFFFF800  }
0x1b: {  	[tilespmem:s2], [sflag:$0x5] =	stream.linear.gather [hbm4b:s10+s2], $0x80, $0x38;
	[tilespmem:$0x12200] =	vst v63  }
0x1c: {  	_ =	swait.ge [sflag:s13], $0x80  }
0x1d: {  	[sflag:s13] =	ssyncset.done $0x0  }
0x1e: {  	s26 =	sadd.s32 $0x0, s8;
	[sflag:s13] =	ssyncadd.s32 $0xFFFFFF80  }
0x1f: {  	[tilespmem:s14], [sflag:$0x5] =	stream.linear.gather [hbm4b:s26+s2], $0x80, $0x38;
	[tilespmem:$0x12200] =	vst v63  }
0x20: {  	_ =	swait.ge [sflag:s13], $0x80  }
0x21: {  	[sflag:s13] =	ssyncset.done $0x0  }
0x22: {  	[sflag:s13] =	ssyncadd.s32 $0xFFFFFF80  }
0x23: {  	[tilespmem:s16], [sflag:$0x1] =	stream.indirect.gather [hbm4b:s3+s15], $0x110, s2, s15, $0xb8;
	[tilespmem:$0x12200] =	vst v63  }
0x24: {  	s1 =	simm.s32 @!p0 $0x4  }
0x25: {  	[tilespmem:s17], [sflag:$0x1] =	stream.indirect.gather [hbm4b:s4+s15], $0x10, s14, s15, $0xb8;
	[tilespmem:$0x12200] =	vst v63  }
0x26: {  	_ =	swait.ge @!p0 [sflag:s1], $0x8800  }
0x27: {  	[sflag:s1] =	ssyncset.done @!p0 $0x0  }
0x28: {  	[sflag:s1] =	ssyncadd.s32 @!p0 $0xFFFF7800  }
0x29: {  	_ =	swait.ge @!p0 [sflag:s1], $0x800  }
0x2a: {  	[sflag:s1] =	ssyncset.done @!p0 $0x0  }
0x2b: {  	s5 =	sadd.s32 $0x0, s12;
	[sflag:s1] =	ssyncadd.s32 @!p0 $0xFFFFF800  }
0x2c: {  	[tilespmem:s15], [sflag:$0x5] =	stream.linear.gather [hbm4b:s5+s2], $0x80, $0x38;
	[tilespmem:$0x12200] =	vst v63  }
0x2d: {  	_ =	swait.ge [sflag:s13], $0x80  }
0x2e: {  	[sflag:s13] =	ssyncset.done $0x0  }
0x2f: {  	s10 =	sadd.s32 $0x0, s11;
	[sflag:s13] =	ssyncadd.s32 $0xFFFFFF80  }
0x30: {  	[tilespmem:s18], [sflag:$0x5] =	stream.linear.gather [hbm4b:s10+s2], $0x80, $0x38;
	[tilespmem:$0x12200] =	vst v63  }
0x31: {  	_ =	swait.ge [sflag:s13], $0x80  }
0x32: {  	[sflag:s13] =	ssyncset.done $0x0  }
0x33: {  	[sflag:s13] =	ssyncadd.s32 $0xFFFFFF80  }
0x34: {  	[tilespmem:s19], [sflag:$0x2] =	stream.indirect.gather [hbm4b:s3+s15], $0x110, s15, s15, $0xb8;
	[tilespmem:$0x12200] =	vst v63  }
0x35: {  	_ = 	snop  }
0x36: {  	[tilespmem:s20], [sflag:$0x2] =	stream.indirect.gather [hbm4b:s4+s15], $0x10, s18, s15, $0xb8;
	[tilespmem:$0x12200] =	vst v63  }
0x37: {  	_ =	swait.ge [sflag:s21], $0x8800  }
0x38: {  	[sflag:s21] =	ssyncset.done $0x0  }
0x39: {  	[sflag:s21] =	ssyncadd.s32 $0xFFFF7800  }
0x3a: {  	_ =	swait.ge [sflag:s21], $0x800  }
0x3b: {  	[sflag:s21] =	ssyncset.done $0x0  }
0x3c: {  	[sflag:s21] =	ssyncadd.s32 $0xFFFFF800  }
0x3d: {  	[hbm4b:s6+s2] =	stream.linear.scatter [tilespmem:s16], [sflag:$0x3], $0x8800, $0x38;
	[tilespmem:$0x12200] =	vst v63  }
0x3e: {  	_ = 	snop  }
0x3f: {  	[hbm4b:s7+s2] =	stream.linear.scatter [tilespmem:s17], [sflag:$0x3], $0x800, $0x38;
	[tilespmem:$0x12200] =	vst v63  }
0x40: {  	_ =	swait.ge [sflag:s22], $0x8800  }
0x41: {  	[sflag:s22] =	ssyncset.done $0x0  }
0x42: {  	[sflag:s22] =	ssyncadd.s32 $0xFFFF7800  }
0x43: {  	s30 =	simm.s32 $0x20;
	_ =	swait.ge [sflag:s22], $0x800  }
0x44: {  	s31 =	simm.s32 $0x40;
	s28 =	sadd.s32 $0x200, s7;
	[sflag:s22] =	ssyncset.done $0x0  }
0x45: {  	p1 =	por $0x0, $0x0;
	s26 =	sadd.s32 $0x1100, s6;
	[sflag:s22] =	ssyncadd.s32 $0xFFFFF800  }
0x46: {  	[hbm4b:s26+s2] =	stream.linear.scatter [tilespmem:s19], [sflag:$0x4], $0x8800, $0x38;
	[tilespmem:$0x12200] =	vst v63  }
0x47: {  	s29 =	smov.u32 s6;
	s10 =	smov.u32 s0;
	s26 =	sadd.s32 $0x200, s0  }
.LBB2_2:
0x48: {  	s5 =	simm.s32 @!p1 $0x3  }
0x49: {  	s29 =	sadd.s32 $0x2200, s29;
	s1 =	smov.u32 s31;
	s31 =	sadd.s32 $0x20, s31  }
0x4a: {  	[hbm4b:s10+s2] =	stream.linear.scatter [tilespmem:s20], [sflag:$0x4], $0x800, $0x38;
	[tilespmem:$0x12200] =	vst v63  }
0x4b: {  	p0 =	sne.s32 s31, $0x280;
	s10 =	smov.u32 s26;
	_ =	swait.ge @!p1 [sflag:s5], $0x8800  }
0x4c: {  	[sflag:s5] =	ssyncset.done @!p1 $0x0  }
0x4d: {  	[sflag:s5] =	ssyncadd.s32 @!p1 $0xFFFF7800  }
0x4e: {  	_ =	swait.ge @!p1 [sflag:s5], $0x800  }
0x4f: {  	[sflag:s5] =	ssyncset.done @!p1 $0x0  }
0x50: {  	[sflag:s5] =	ssyncadd.s32 @!p1 $0xFFFFF800;
	s5 =	sadd.s32 s30, s9  }
0x51: {  	[tilespmem:s2], [sflag:$0x5] =	stream.linear.gather [hbm4b:s5+s2], $0x80, $0x38;
	[tilespmem:$0x12200] =	vst v63  }
0x52: {  	_ =	swait.ge [sflag:s13], $0x80  }
0x53: {  	[sflag:s13] =	ssyncset.done $0x0  }
0x54: {  	s5 =	sadd.s32 s30, s8;
	[sflag:s13] =	ssyncadd.s32 $0xFFFFFF80  }
0x55: {  	[tilespmem:s14], [sflag:$0x5] =	stream.linear.gather [hbm4b:s5+s2], $0x80, $0x38;
	[tilespmem:$0x12200] =	vst v63  }
0x56: {  	_ =	swait.ge [sflag:s13], $0x80  }
0x57: {  	[sflag:s13] =	ssyncset.done $0x0  }
0x58: {  	[sflag:s13] =	ssyncadd.s32 $0xFFFFFF80  }
0x59: {  	[tilespmem:s16], [sflag:$0x1] =	stream.indirect.gather [hbm4b:s3+s15], $0x110, s2, s15, $0xb8;
	[tilespmem:$0x12200] =	vst v63  }
0x5a: {  	s5 =	simm.s32 @!p1 $0x4  }
0x5b: {  	[tilespmem:s17], [sflag:$0x1] =	stream.indirect.gather [hbm4b:s4+s15], $0x10, s14, s15, $0xb8;
	[tilespmem:$0x12200] =	vst v63  }
0x5c: {  	_ =	swait.ge @!p1 [sflag:s5], $0x8800  }
0x5d: {  	[sflag:s5] =	ssyncset.done @!p1 $0x0  }
0x5e: {  	[sflag:s5] =	ssyncadd.s32 @!p1 $0xFFFF7800  }
0x5f: {  	_ =	swait.ge @!p1 [sflag:s5], $0x800  }
0x60: {  	[sflag:s5] =	ssyncset.done @!p1 $0x0  }
0x61: {  	[sflag:s5] =	ssyncadd.s32 @!p1 $0xFFFFF800;
	s5 =	sadd.s32 s30, s12  }
0x62: {  	[tilespmem:s15], [sflag:$0x5] =	stream.linear.gather [hbm4b:s5+s2], $0x80, $0x38;
	[tilespmem:$0x12200] =	vst v63  }
0x63: {  	_ =	swait.ge [sflag:s13], $0x80  }
0x64: {  	[sflag:s13] =	ssyncset.done $0x0  }
0x65: {  	s5 =	sadd.s32 s30, s11;
	s30 =	smov.u32 s1;
	[sflag:s13] =	ssyncadd.s32 $0xFFFFFF80  }
0x66: {  	[tilespmem:s18], [sflag:$0x5] =	stream.linear.gather [hbm4b:s5+s2], $0x80, $0x38;
	[tilespmem:$0x12200] =	vst v63  }
0x67: {  	_ =	swait.ge [sflag:s13], $0x80  }
0x68: {  	[sflag:s13] =	ssyncset.done $0x0  }
0x69: {  	[sflag:s13] =	ssyncadd.s32 $0xFFFFFF80  }
0x6a: {  	[tilespmem:s19], [sflag:$0x2] =	stream.indirect.gather [hbm4b:s3+s15], $0x110, s15, s15, $0xb8;
	[tilespmem:$0x12200] =	vst v63  }
0x6b: {  	_ = 	snop  }
0x6c: {  	[tilespmem:s20], [sflag:$0x2] =	stream.indirect.gather [hbm4b:s4+s15], $0x10, s18, s15, $0xb8;
	[tilespmem:$0x12200] =	vst v63  }
0x6d: {  	_ =	swait.ge [sflag:s21], $0x8800  }
0x6e: {  	[sflag:s21] =	ssyncset.done $0x0  }
0x6f: {  	[sflag:s21] =	ssyncadd.s32 $0xFFFF7800  }
0x70: {  	_ =	swait.ge [sflag:s21], $0x800  }
0x71: {  	[sflag:s21] =	ssyncset.done $0x0  }
0x72: {  	[sflag:s21] =	ssyncadd.s32 $0xFFFFF800  }
0x73: {  	[hbm4b:s29+s2] =	stream.linear.scatter [tilespmem:s16], [sflag:$0x3], $0x8800, $0x38;
	[tilespmem:$0x12200] =	vst v63  }
0x74: {  	_ = 	snop  }
0x75: {  	[hbm4b:s28+s2] =	stream.linear.scatter [tilespmem:s17], [sflag:$0x3], $0x800, $0x38;
	[tilespmem:$0x12200] =	vst v63  }
0x76: {  	_ =	swait.ge [sflag:s22], $0x8800  }
0x77: {  	[sflag:s22] =	ssyncset.done $0x0  }
.Ltmp0:
0x78: {  	[sflag:s22] =	ssyncadd.s32 $0xFFFF7800;
	(pc) =	sbr.rel @p0 .LBB2_2-.Ltmp0, $4  }
0x79: {  	_ =	swait.ge [sflag:s22], $0x800  }
0x7a: {  	s26 =	sadd.s32 $0x200, s26;
	s28 =	sadd.s32 $0x200, s28;
	[sflag:s22] =	ssyncset.done $0x0  }
0x7b: {  	s1 =	sadd.s32 $0x1100, s29;
	p1 =	seq.s32 s30, $0x0;
	[sflag:s22] =	ssyncadd.s32 $0xFFFFF800  }
0x7c: {  	[hbm4b:s1+s2] =	stream.linear.scatter [tilespmem:s19], [sflag:$0x4], $0x8800, $0x38;
	[tilespmem:$0x12200] =	vst v63  }
0x7d: {  	[hbm4b:s10+s2] =	stream.linear.scatter [tilespmem:s20], [sflag:$0x4], $0x800, $0x38;
	[tilespmem:$0x12200] =	vst v63  }
0x7e: {  	s1 =	simm.s32 @!p1 $0x3  }
0x7f: {  	_ =	swait.ge @!p1 [sflag:s1], $0x8800  }
0x80: {  	[sflag:s1] =	ssyncset.done @!p1 $0x0  }
0x81: {  	[sflag:s1] =	ssyncadd.s32 @!p1 $0xFFFF7800  }
0x82: {  	_ =	swait.ge @!p1 [sflag:s1], $0x800  }
0x83: {  	[sflag:s1] =	ssyncset.done @!p1 $0x0  }
0x84: {  	s10 =	sadd.s32 s30, s9;
	[sflag:s1] =	ssyncadd.s32 @!p1 $0xFFFFF800  }
0x85: {  	[tilespmem:s2], [sflag:$0x5] =	stream.linear.gather [hbm4b:s10+s2], $0x80, $0x38;
	[tilespmem:$0x12200] =	vst v63  }
0x86: {  	_ =	swait.ge [sflag:s13], $0x80  }
0x87: {  	[sflag:s13] =	ssyncset.done $0x0  }
0x88: {  	s31 =	sadd.s32 s30, s8;
	[sflag:s13] =	ssyncadd.s32 $0xFFFFFF80  }
0x89: {  	[tilespmem:s14], [sflag:$0x5] =	stream.linear.gather [hbm4b:s31+s2], $0x80, $0x38;
	[tilespmem:$0x12200] =	vst v63  }
0x8a: {  	_ =	swait.ge [sflag:s13], $0x80  }
0x8b: {  	[sflag:s13] =	ssyncset.done $0x0  }
0x8c: {  	[sflag:s13] =	ssyncadd.s32 $0xFFFFFF80  }
0x8d: {  	[tilespmem:s16], [sflag:$0x1] =	stream.indirect.gather [hbm4b:s3+s15], $0x110, s2, s15, $0xb8;
	[tilespmem:$0x12200] =	vst v63  }
0x8e: {  	s1 =	simm.s32 @!p1 $0x4  }
0x8f: {  	[tilespmem:s17], [sflag:$0x1] =	stream.indirect.gather [hbm4b:s4+s15], $0x10, s14, s15, $0xb8;
	[tilespmem:$0x12200] =	vst v63  }
0x90: {  	_ =	swait.ge @!p1 [sflag:s1], $0x8800  }
0x91: {  	[sflag:s1] =	ssyncset.done @!p1 $0x0  }
0x92: {  	[sflag:s1] =	ssyncadd.s32 @!p1 $0xFFFF7800  }
0x93: {  	_ =	swait.ge @!p1 [sflag:s1], $0x800  }
0x94: {  	[sflag:s1] =	ssyncset.done @!p1 $0x0  }
0x95: {  	s5 =	sadd.s32 s30, s12;
	[sflag:s1] =	ssyncadd.s32 @!p1 $0xFFFFF800  }
0x96: {  	[tilespmem:s15], [sflag:$0x5] =	stream.linear.gather [hbm4b:s5+s2], $0x80, $0x38;
	[tilespmem:$0x12200] =	vst v63  }
0x97: {  	_ =	swait.ge [sflag:s13], $0x80  }
0x98: {  	[sflag:s13] =	ssyncset.done $0x0  }
0x99: {  	s10 =	sadd.s32 s30, s11;
	[sflag:s13] =	ssyncadd.s32 $0xFFFFFF80  }
0x9a: {  	[tilespmem:s18], [sflag:$0x5] =	stream.linear.gather [hbm4b:s10+s2], $0x80, $0x38;
	[tilespmem:$0x12200] =	vst v63  }
0x9b: {  	_ =	swait.ge [sflag:s13], $0x80  }
0x9c: {  	[sflag:s13] =	ssyncset.done $0x0  }
0x9d: {  	[sflag:s13] =	ssyncadd.s32 $0xFFFFFF80  }
0x9e: {  	[tilespmem:s19], [sflag:$0x2] =	stream.indirect.gather [hbm4b:s3+s15], $0x110, s15, s15, $0xb8;
	[tilespmem:$0x12200] =	vst v63  }
0x9f: {  	_ = 	snop  }
0xa0: {  	[tilespmem:s20], [sflag:$0x2] =	stream.indirect.gather [hbm4b:s4+s15], $0x10, s18, s15, $0xb8;
	[tilespmem:$0x12200] =	vst v63  }
0xa1: {  	_ =	swait.ge [sflag:s21], $0x8800  }
0xa2: {  	[sflag:s21] =	ssyncset.done $0x0  }
0xa3: {  	[sflag:s21] =	ssyncadd.s32 $0xFFFF7800  }
0xa4: {  	_ =	swait.ge [sflag:s21], $0x800  }
0xa5: {  	[sflag:s21] =	ssyncset.done $0x0  }
0xa6: {  	s30 =	sadd.s32 $0x2200, s29;
	[sflag:s21] =	ssyncadd.s32 $0xFFFFF800  }
0xa7: {  	[hbm4b:s30+s2] =	stream.linear.scatter [tilespmem:s16], [sflag:$0x3], $0x8800, $0x38;
	[tilespmem:$0x12200] =	vst v63  }
0xa8: {  	_ = 	snop  }
0xa9: {  	[hbm4b:s28+s2] =	stream.linear.scatter [tilespmem:s17], [sflag:$0x3], $0x800, $0x38;
	[tilespmem:$0x12200] =	vst v63  }
0xaa: {  	_ =	swait.ge [sflag:s22], $0x8800  }
0xab: {  	[sflag:s22] =	ssyncset.done $0x0  }
0xac: {  	[sflag:s22] =	ssyncadd.s32 $0xFFFF7800  }
0xad: {  	_ =	swait.ge [sflag:s22], $0x800  }
0xae: {  	[sflag:s22] =	ssyncset.done $0x0  }
0xaf: {  	s1 =	sadd.s32 $0x1100, s30;
	[sflag:s22] =	ssyncadd.s32 $0xFFFFF800  }
0xb0: {  	[hbm4b:s1+s2] =	stream.linear.scatter [tilespmem:s19], [sflag:$0x4], $0x8800, $0x38;
	[tilespmem:$0x12200] =	vst v63  }
0xb1: {  	_ = 	snop  }
0xb2: {  	[hbm4b:s26+s2] =	stream.linear.scatter [tilespmem:s20], [sflag:$0x4], $0x800, $0x38;
	[tilespmem:$0x12200] =	vst v63  }
0xb3: {  	_ =	swait.ge [sflag:s23], $0x8800  }
0xb4: {  	[sflag:s23] =	ssyncset.done $0x0  }
0xb5: {  	[sflag:s23] =	ssyncadd.s32 $0xFFFF7800  }
0xb6: {  	_ =	swait.ge [sflag:s23], $0x800  }
0xb7: {  	[sflag:s23] =	ssyncset.done $0x0  }
0xb8: {  	[sflag:s23] =	ssyncadd.s32 $0xFFFFF800  }
0xb9: {  	_ =	swait.ge [sflag:s24], $0x8800  }
0xba: {  	[sflag:s24] =	ssyncset.done $0x0  }
0xbb: {  	[sflag:s24] =	ssyncadd.s32 $0xFFFF7800  }
0xbc: {  	_ =	swait.ge [sflag:s24], $0x800  }
0xbd: {  	s25 =	sadd.s32 $0x1, s25;
	s31 =	rddreg [dreg:$0x3]  }
0xbe: {  	p0 =	sne.s32 s25, s31  }
.Ltmp1:
0xbf: {  	_ = 	snop;
	(pc) =	sbr.rel @p0 .LBB2_1-.Ltmp1, $3  }
0xc0: {  	_ =	sdelay $0x1  }
0xc1: {  	[sflag:s24] =	ssyncset.done $0x0  }
0xc2: {  	[sflag:s24] =	ssyncadd.s32 $0xFFFFF800  }
0xc3: {  	_ =	sfence.sel $0x180000  }
0xc4: {  	[bflag:$0x0] =	sbarrier.arrive $0xFFFF  }
0xc5: {  	_ =	strace $0x90000047  }
0xc6: {  	s0 =	stileid.u32;
	[bflag:$0x2] =	sbarrier.arrive $0xFFFF  }
0xc7: {  	p0 =	sne.s32 s0, $0x0;
	s0 =	rddreg [dreg:$0x2]  }
0xc8: {  	s0 =	sadd.s32 @!p0 $0x100000, s0  }
0xc9: {  	[sflag:s0] =	ssyncadd.tile.s32 @!p0 $0x1;
	_ =	shalt  }
.Lfunc_end2:
_tile_overlayer_lowered:
.L_overlay_start_2:
0xca: {  	(tag) =	ssettag $0x2  }
0xcb: {  	s0 =	rddreg [dreg:$0x0];
	s2 =	stileid.u32  }
0xcc: {  	s1 =	rddreg [dreg:$0x1];
	p0 =	sne.s32 s2, $0x0  }
0xcd: {  	s3 =	rddreg [dreg:$0x2];
	[bflag:$0x3] =	sbarrier.arrive $0xFFFF;
	s2 =	simm.s32 @!p0 $0x1C05  }
0xce: {  	[timem:s3], [sflag:s2] =	dma.local @!p0 [hbm:s0], s1  }
0xcf: {  	s0 =	simm.s32 @!p0 $0x5  }
0xd0: {  	_ =	swait.ge @!p0 [sflag:s0], s1  }
0xd1: {  	s1 =	ssub.s32 @!p0 $0x0, s1;
	[sflag:s0] =	ssyncset.done @!p0 $0x0  }
0xd2: {  	[sflag:s0] =	ssyncadd.s32 @!p0 s1  }
0xd3: {  	[bflag:$0x3] =	sbarrier.arrive $0xFFFF  }
0xd4: {  	_ =	shalt  }

</sc_bundles>
